<compile_context>
chip_gen: v7x
topology: tpu7x:2x2x1
jax: 0.10.2.dev20260603
libtpu: 0.0.44.dev20260713+nightly
codegen_flags: <defaults>
</compile_context>

<pallas_src>
import functools

import numpy as np
import jax
import jax.numpy as jnp
from jax import lax
from jax.experimental import pallas as pl
from jax.experimental.pallas import tpu as pltpu
from jax.experimental.pallas import tpu_sc as plsc

T, B, NPOKE, NFEAT = 128, 64, 18, 31
DIM, AE = 128, 64
ROWS = T * B * NPOKE

VOC_POKE, VOC_ABIL, VOC_ITEM, VOC_MOVE = 1300, 300, 500, 900
N_ITEM_EFF, N_STATUS, N_GENDER, N_FORMES, N_TYPES = 18, 7, 3, 50, 19


def _sqrt_oh(n):
    idx = np.floor(np.sqrt(np.arange(n))).astype(np.int64)
    return np.eye(int(idx.max()) + 1, dtype=np.float32)[idx]


def _pow_oh(n, p):
    idx = np.floor(np.arange(n) ** p).astype(np.int64)
    return np.eye(int(idx.max()) + 1, dtype=np.float32)[idx]


_HP_OH = _sqrt_oh(768)[:, 1:]
_STAT_OH = _pow_oh(512, 1.0 / 3.0)[:, 1:]
_STATUS_OH = np.eye(N_STATUS + 1, dtype=np.float32)[:, 1:]
_SLEEP_OH = np.eye(4, dtype=np.float32)[:, 1:]
_TOXIC_OH = _sqrt_oh(16)[:, 1:]
_ITEMEFF_OH = np.eye(N_ITEM_EFF + 1, dtype=np.float32)[:, 1:]

def _seg(sizes):
    offs, o = {}, 0
    for name, n, pad in sizes:
        offs[name] = o
        o += -(-n // pad) * pad
    return offs, o

_SEGS = [
    ("pokedex", VOC_POKE, 8),
    ("hp2", 2 * 768, 8),
    ("stat5", 5 * 512, 8),
    ("move", VOC_MOVE, 8),
    ("lastmove", VOC_MOVE, 8),
    ("item", VOC_ITEM, 8),
    ("ability", VOC_ABIL, 8),
    ("small", 232, 8),
]
_OFF, _TOT = _seg(_SEGS)
_TOTP = -(-_TOT // 8) * 8
_SCROWS = _OFF["move"]

_SM = {}
_o = 0
for _nm, _n in [("status", 8), ("sleep", 4), ("toxic", 16), ("itemeff", 19),
                ("forme", N_FORMES), ("active", 3), ("fainted", 3),
                ("gender", N_GENDER + 1), ("level", 102),
                ("teratype", N_TYPES + 1), ("tera", 2), ("statrow", 1)]:
    _SM[_nm] = _o
    _o += _n
assert _o == 232

_SC_FEATS = [
    (0, _OFF["pokedex"], VOC_POKE),
    (3, _OFF["hp2"], 768),
    (4, _OFF["hp2"] + 768, 768),
] + [(6 + k, _OFF["stat5"] + 512 * k, 512) for k in range(5)]
_NSC = len(_SC_FEATS)


def _fusion_body(po_t, po_w, po_b, ab_t, ab_w, ab_b, it_t, it_w, it_b,
                 mv_t, mv_w, mv_b, lm_w, lm_b, st_w, st_b, su_w, su_b,
                 forme_t, active_t, fainted_t, gender_t, level_t,
                 teratype_t, tera_t,
                 hp_oh, stat_oh, status_oh, sleep_oh, toxic_oh, itemeff_oh,
                 ft_ref):
    f32 = jnp.float32
    dot = lambda a, b: jnp.dot(a[...], b[...], preferred_element_type=f32)
    ft_ref[...] = jnp.zeros((_TOTP, DIM), f32)
    ft_ref[_OFF["pokedex"]:_OFF["pokedex"] + VOC_POKE, :] = dot(po_t, po_w) + po_b[...]
    ft_ref[_OFF["ability"]:_OFF["ability"] + VOC_ABIL, :] = dot(ab_t, ab_w) + ab_b[...]
    ft_ref[_OFF["item"]:_OFF["item"] + VOC_ITEM, :] = dot(it_t, it_w[0:AE, :]) + it_b[...]
    ft_ref[_OFF["lastmove"]:_OFF["lastmove"] + VOC_MOVE, :] = dot(mv_t, lm_w) + lm_b[...]
    ft_ref[_OFF["move"]:_OFF["move"] + VOC_MOVE, :] = dot(mv_t, mv_w) + mv_b[...]
    ft_ref[_OFF["hp2"]:_OFF["hp2"] + 768, :] = dot(hp_oh, st_w[0:27, :]) + st_b[...]
    ft_ref[_OFF["hp2"] + 768:_OFF["hp2"] + 1536, :] = dot(hp_oh, st_w[27:54, :])
    for k in range(5):
        ft_ref[_OFF["stat5"] + 512 * k:_OFF["stat5"] + 512 * (k + 1), :] = (
            dot(stat_oh, st_w[55 + 7 * k:62 + 7 * k, :]))
    s = _OFF["small"]
    ft_ref[s + _SM["status"]:s + _SM["status"] + 8, :] = dot(status_oh, su_w[0:7, :]) + su_b[...]
    ft_ref[s + _SM["sleep"]:s + _SM["sleep"] + 4, :] = dot(sleep_oh, su_w[7:10, :])
    ft_ref[s + _SM["toxic"]:s + _SM["toxic"] + 16, :] = dot(toxic_oh, su_w[10:13, :])
    ft_ref[s + _SM["itemeff"]:s + _SM["itemeff"] + 19, :] = dot(itemeff_oh, it_w[AE:AE + 18, :])
    ft_ref[s + _SM["forme"]:s + _SM["forme"] + N_FORMES, :] = forme_t[...]
    ft_ref[s + _SM["active"]:s + _SM["active"] + 3, :] = active_t[...]
    ft_ref[s + _SM["fainted"]:s + _SM["fainted"] + 3, :] = fainted_t[...]
    ft_ref[s + _SM["gender"]:s + _SM["gender"] + N_GENDER + 1, :] = gender_t[...]
    ft_ref[s + _SM["level"]:s + _SM["level"] + 102, :] = level_t[...]
    ft_ref[s + _SM["teratype"]:s + _SM["teratype"] + N_TYPES + 1, :] = teratype_t[...]
    ft_ref[s + _SM["tera"]:s + _SM["tera"] + 2, :] = tera_t[...]
    ft_ref[s + _SM["statrow"]:s + _SM["statrow"] + 1, :] = st_w[54:55, :]


def _build_ft(p):
    consts = [jnp.asarray(a) for a in
              (_HP_OH, _STAT_OH, _STATUS_OH, _SLEEP_OH, _TOXIC_OH, _ITEMEFF_OH)]
    args = [p["pokedex_tab"], p["pokedex_W"], p["pokedex_b"].reshape(1, DIM),
            p["ability_tab"], p["ability_W"], p["ability_b"].reshape(1, DIM),
            p["item_tab"], p["item_W"], p["item_b"].reshape(1, DIM),
            p["move_tab"], p["move_W"], p["move_b"].reshape(1, DIM),
            p["lastmove_W"], p["lastmove_b"].reshape(1, DIM),
            p["stat_W"], p["stat_b"].reshape(1, DIM),
            p["status_W"], p["status_b"].reshape(1, DIM),
            p["forme_tab"], p["active_tab"], p["fainted_tab"],
            p["gender_tab"], p["level_tab"], p["teratype_tab"], p["tera_tab"],
            ] + consts
    return pl.pallas_call(
        _fusion_body,
        out_shape=jax.ShapeDtypeStruct((_TOTP, DIM), jnp.float32),
    )(*args)


_BLK = 128
_NBLK = ROWS // _BLK
_R = 512
_NB = ROWS // _R


_RING = 4


def _sc_body(ft_hbm, idx_hbm, ps_hbm, idx_v, ft_sh, *rest):
    gb = rest[:_RING]
    acc = rest[_RING]
    sb = rest[_RING + 1:2 * _RING + 1]
    nw = 32
    bpw = _NBLK // nw
    sid = lax.axis_index("s")
    wid = sid * 2 + lax.axis_index("c")

    @pl.when(sid == 0)
    def _():
        pltpu.sync_copy(ft_hbm, ft_sh)

    plsc.subcore_barrier()

    def blk_body(j, carry):
        blk = wid * bpw + j
        base = blk * _BLK
        pltpu.sync_copy(idx_hbm.at[blk], idx_v)
        cps = {}

        def start(f):
            cps[f] = pltpu.async_copy(
                ft_sh.at[idx_v.at[f]], gb[f % _RING], sb[f % _RING])

        for f in range(min(_RING, _NSC)):
            start(f)
        for f in range(_NSC):
            cps[f].wait()
            g = gb[f % _RING]

            def rbody(r, _, g=g, first=(f == 0)):
                for k in range(8):
                    sl = (r, pl.ds(k * 16, 16))
                    v = g[sl]
                    if first:
                        acc[sl] = v
                    else:
                        plsc.addupdate(acc.at[sl], v)
                return 0

            lax.fori_loop(0, _BLK, rbody, 0)
            if f + _RING < _NSC:
                start(f + _RING)
        pltpu.sync_copy(acc, ps_hbm.at[pl.ds(base, _BLK)])
        return carry

    lax.fori_loop(0, bpw, blk_body, 0)


@functools.lru_cache(maxsize=1)
def _sc_gather_kernel():
    return pl.kernel(
        _sc_body,
        out_type=jax.ShapeDtypeStruct((ROWS, DIM), jnp.float32),
        mesh=plsc.VectorSubcoreMesh(core_axis_name="c", subcore_axis_name="s"),
        scratch_types=[
            pltpu.VMEM((16, _BLK), jnp.int32),
            pltpu.VMEM_SHARED((_SCROWS, DIM), jnp.float32),
        ] + [pltpu.VMEM((_BLK, DIM), jnp.float32)] * (_RING + 1)
          + [pltpu.SemaphoreType.DMA] * _RING,
    )


def _sc_gather_call(ft, idxs):
    return _sc_gather_kernel()(ft, idxs)


def _oh(idx, V):
    i2 = lax.broadcasted_iota(jnp.int32, (_R, V), 1)
    return (idx == i2).astype(jnp.bfloat16)


def _moves_body(x_ref, ft_ref, mv_ref, msw_ref, idx_ref):
    f32 = jnp.float32
    xb = x_ref[...]
    fl = jnp.floor(xb + 1.0)
    cols = [jnp.clip(fl[:, c:c + 1], 0.0, float(v - 1)) + float(off)
            for (c, off, v) in _SC_FEATS]
    cols += [jnp.zeros((_R, 1), jnp.float32)] * (16 - _NSC)
    mi = jnp.concatenate(cols, axis=1)
    for q in range(_R // _BLK):
        idx_ref[q] = mi[q * _BLK:(q + 1) * _BLK, :].T.astype(jnp.int32)
    longs = (xb + 1.0).astype(jnp.int32)
    col = lambda c: longs[:, c:c + 1]
    dotf = lambda a, b: jnp.dot(a, b, preferred_element_type=f32)
    mvtab = ft_ref[_OFF["move"]:_OFF["move"] + VOC_MOVE, :]
    cnt = jnp.zeros((_R, 1), f32)
    msum = jnp.zeros((_R, DIM), f32)
    for m in range(4):
        me = dotf(_oh(col(25 + m), VOC_MOVE), mvtab)
        mv_ref[:, m, :] = me
        msum += me
        cnt += (col(25 + m) > 0).astype(f32)
    part = msum / jnp.maximum(cnt, 1.0)
    part += dotf(_oh(col(24), VOC_MOVE),
                 ft_ref[_OFF["lastmove"]:_OFF["lastmove"] + VOC_MOVE, :])
    part += dotf(_oh(col(17), VOC_ITEM),
                 ft_ref[_OFF["item"]:_OFF["item"] + VOC_ITEM, :])
    msw_ref[...] = part


def _fin_body(x_ref, ps_ref, msw_ref, ft_ref, w1_ref, b1_ref, g_ref, lb_ref,
              w2_ref, b2_ref, out_ref):
    f32 = jnp.float32
    xb = x_ref[...]
    longs = (xb + 1.0).astype(jnp.int32)
    col = lambda c: longs[:, c:c + 1]
    dotf = lambda a, b: jnp.dot(a, b, preferred_element_type=f32)

    i2 = lax.broadcasted_iota(jnp.int32, (_R, 232), 1)
    mh = jnp.zeros((_R, 232), f32)
    for nm, c in (("status", 21), ("sleep", 22), ("toxic", 23), ("itemeff", 19),
                  ("forme", 1), ("active", 12), ("fainted", 11), ("gender", 14),
                  ("level", 13), ("teratype", 30)):
        mh += (i2 == col(c) + _SM[nm]).astype(f32)
    tera_idx = (col(29) > 0).astype(jnp.int32)
    mh += (i2 == tera_idx + _SM["tera"]).astype(f32)
    mh += (i2 == _SM["statrow"]).astype(f32) * xb[:, 5:6]

    pemb = dotf(mh.astype(jnp.bfloat16),
                ft_ref[_OFF["small"]:_OFF["small"] + 232, :])
    pemb += dotf(_oh(col(15), VOC_ABIL),
                 ft_ref[_OFF["ability"]:_OFF["ability"] + VOC_ABIL, :])
    pemb += ps_ref[...] + msw_ref[...]

    bf = jnp.bfloat16
    h = dotf(pemb.astype(bf), w1_ref[...]) + b1_ref[...]
    h = jnp.maximum(h, 0.0)
    mu = jnp.mean(h, axis=-1, keepdims=True)
    var = jnp.mean((h - mu) ** 2, axis=-1, keepdims=True)
    h = (h - mu) * lax.rsqrt(var + 1e-5) * g_ref[...] + lb_ref[...]
    out_ref[...] = dotf(h.astype(bf), w2_ref[...]) + b2_ref[...]


def kernel(x, params):
    p = params
    ft = _build_ft(p)
    ft_bf = ft.astype(jnp.bfloat16)
    x2 = x.reshape(ROWS, NFEAT)

    row_spec = pl.BlockSpec((_R, NFEAT), lambda i: (i, 0))
    full = lambda shape: pl.BlockSpec(shape, lambda i: tuple(0 for _ in shape))

    mv, msw, idxs = pl.pallas_call(
        _moves_body,
        grid=(_NB,),
        in_specs=[row_spec, full((_TOTP, DIM))],
        out_specs=[pl.BlockSpec((_R, 4, DIM), lambda i: (i, 0, 0)),
                   pl.BlockSpec((_R, DIM), lambda i: (i, 0)),
                   pl.BlockSpec((_R // _BLK, 16, _BLK), lambda i: (i, 0, 0))],
        out_shape=[jax.ShapeDtypeStruct((ROWS, 4, DIM), jnp.float32),
                   jax.ShapeDtypeStruct((ROWS, DIM), jnp.float32),
                   jax.ShapeDtypeStruct((_NBLK, 16, _BLK), jnp.int32)],
    )(x2, ft_bf)

    ps = _sc_gather_call(ft[:_SCROWS], idxs)

    out = pl.pallas_call(
        _fin_body,
        grid=(_NB,),
        in_specs=[row_spec,
                  pl.BlockSpec((_R, DIM), lambda i: (i, 0)),
                  pl.BlockSpec((_R, DIM), lambda i: (i, 0)),
                  full((_TOTP, DIM)), full((DIM, DIM)), full((1, DIM)),
                  full((1, DIM)), full((1, DIM)), full((DIM, DIM)),
                  full((1, DIM))],
        out_specs=pl.BlockSpec((_R, DIM), lambda i: (i, 0)),
        out_shape=jax.ShapeDtypeStruct((ROWS, DIM), jnp.float32),
    )(x2, ps, msw, ft_bf, p["enc_W1"].astype(jnp.bfloat16),
      p["enc_b1"].reshape(1, DIM),
      p["ln_g"].reshape(1, DIM), p["ln_b"].reshape(1, DIM),
      p["enc_W2"].astype(jnp.bfloat16), p["enc_b2"].reshape(1, DIM))

    out = out.reshape(T, B, NPOKE, DIM)
    moves_emb = mv.reshape(T, B, NPOKE, 4, DIM)

    longs = (x + 1.0).astype(jnp.int32)
    mask = (longs[..., 0] == 0) | (longs[..., 11] == 2)
    priv, pub1, pub2 = jnp.split(out, 3, axis=2)
    pm, m1, m2 = jnp.split(mask, 3, axis=2)
    return ((priv, pub1, pub2), (pm, m1, m2), moves_emb)

# --- scband reference (transcript-rebuilt; emitter-appended) ---
"""Pipeline reference for scband-side-encoder-15968688407186 (READ-ONLY COPY).

The authoritative reference and input builder live on the scoring server;
editing this copy changes nothing except your own understanding.
"""

import jax, jax.numpy as jnp
import numpy as np

T, B, NPOKE, NFEAT = 128, 64, 18, 31
DIM, AE = 128, 64
VOC_POKE, VOC_ABIL, VOC_ITEM, VOC_MOVE = 1300, 300, 500, 900
N_ITEM_EFF, N_STATUS, N_GENDER, N_FORMES, N_TYPES = 18, 7, 3, 50, 19


def _sqrt_oh(n):
    idx = np.floor(np.sqrt(np.arange(n))).astype(np.int64)
    return np.eye(int(idx.max()) + 1, dtype=np.float32)[idx]


def _pow_oh(n, p):
    idx = np.floor(np.arange(n) ** p).astype(np.int64)
    return np.eye(int(idx.max()) + 1, dtype=np.float32)[idx]

HP_OH = jnp.asarray(_sqrt_oh(768)[:, 1:])          # [768, 27]
STAT_OH = jnp.asarray(_pow_oh(512, 1.0 / 3.0)[:, 1:])  # [512, 7]
STATUS_OH = jnp.asarray(np.eye(N_STATUS + 1, dtype=np.float32)[:, 1:])
SLEEP_OH = jnp.asarray(np.eye(4, dtype=np.float32)[:, 1:])
TOXIC_OH = jnp.asarray(_sqrt_oh(16)[:, 1:])
ITEMEFF_OH = jnp.asarray(np.eye(N_ITEM_EFF + 1, dtype=np.float32)[:, 1:])


def setup_inputs(seed: int = 0) -> dict:
    key = jax.random.key(seed)
    ks = jax.random.split(key, 40)
    i = [0]
    def w(shape, s=0.02):
        k = ks[i[0]]; i[0] += 1
        return jax.random.normal(k, shape, dtype=jnp.float32) * s
    params = {
        'pokedex_tab': w((VOC_POKE, AE), 0.1), 'pokedex_W': w((AE, DIM)), 'pokedex_b': jnp.zeros((DIM,), jnp.float32),
        'ability_tab': w((VOC_ABIL, AE), 0.1), 'ability_W': w((AE, DIM)), 'ability_b': jnp.zeros((DIM,), jnp.float32),
        'item_tab': w((VOC_ITEM, AE), 0.1), 'item_W': w((AE + N_ITEM_EFF, DIM)), 'item_b': jnp.zeros((DIM,), jnp.float32),
        'move_tab': w((VOC_MOVE, AE), 0.1), 'move_W': w((AE, DIM)), 'move_b': jnp.zeros((DIM,), jnp.float32),
        'lastmove_W': w((AE, DIM)), 'lastmove_b': jnp.zeros((DIM,), jnp.float32),
        'active_tab': w((3, DIM), 0.1), 'fainted_tab': w((3, DIM), 0.1),
        'gender_tab': w((N_GENDER + 1, DIM), 0.1), 'level_tab': w((102, DIM), 0.1),
        'forme_tab': w((N_FORMES, DIM), 0.1),
        'status_W': w((N_STATUS + 3 + 3, DIM)), 'status_b': jnp.zeros((DIM,), jnp.float32),
        'stat_W': w((2 * 27 + 1 + 5 * 7, DIM)), 'stat_b': jnp.zeros((DIM,), jnp.float32),
        'tera_tab': w((2, DIM), 0.1),
        'teratype_tab': w((N_TYPES + 1, DIM), 0.1).at[0].set(0.0),
        'enc_W1': w((DIM, DIM)), 'enc_b1': jnp.zeros((DIM,), jnp.float32),
        'ln_g': jnp.ones((DIM,), jnp.float32), 'ln_b': jnp.zeros((DIM,), jnp.float32),
        'enc_W2': w((DIM, DIM)), 'enc_b2': jnp.zeros((DIM,), jnp.float32),
    }
    x = jax.random.uniform(ks[39], (T, B, NPOKE, NFEAT), dtype=jnp.float32) * 2.0
    return {'x': x, 'params': params}


def reference(x, params):
    p = params
    longs = (x + 1.0).astype(jnp.int32)
    name = longs[..., 0]; forme = longs[..., 1]
    hp = longs[..., 3]; maxhp = longs[..., 4]
    hp_ratio = x[..., 5:6]
    stats = longs[..., 6:11]; fainted = longs[..., 11]; active = longs[..., 12]
    level = longs[..., 13]; gender = longs[..., 14]; ability = longs[..., 15]
    item = longs[..., 17]; item_effect = longs[..., 19]
    status = longs[..., 21]; sleep_t = longs[..., 22]; toxic_t = longs[..., 23]
    last_move = longs[..., 24]; moves = longs[..., 25:29]
    terastallized = longs[..., 29]; teratype = longs[..., 30]

    name_emb = jnp.take(p['pokedex_tab'], name, axis=0) @ p['pokedex_W'] + p['pokedex_b']
    ability_emb = jnp.take(p['ability_tab'], ability, axis=0) @ p['ability_W'] + p['ability_b']
    forme_emb = jnp.take(p['forme_tab'], forme, axis=0)
    hp_emb = HP_OH[hp]; maxhp_emb = HP_OH[maxhp]
    stat_oh = STAT_OH[stats].reshape(stats.shape[:-1] + (-1,))
    stat_emb = jnp.concatenate([hp_emb, maxhp_emb, hp_ratio, stat_oh], axis=-1) @ p['stat_W'] + p['stat_b']
    active_emb = jnp.take(p['active_tab'], active, axis=0)
    fainted_emb = jnp.take(p['fainted_tab'], fainted, axis=0)
    gender_emb = jnp.take(p['gender_tab'], gender, axis=0)
    level_emb = jnp.take(p['level_tab'], level, axis=0)
    item_cat = jnp.concatenate([jnp.take(p['item_tab'], item, axis=0), ITEMEFF_OH[item_effect]], axis=-1)
    item_emb = item_cat @ p['item_W'] + p['item_b']
    status_cat = jnp.concatenate([STATUS_OH[status], SLEEP_OH[sleep_t], TOXIC_OH[toxic_t]], axis=-1)
    status_emb = status_cat @ p['status_W'] + p['status_b']
    moves_ae = jnp.take(p['move_tab'], moves, axis=0)
    moves_emb = moves_ae @ p['move_W'] + p['move_b']
    cnt = jnp.maximum((moves > 0).sum(-1, keepdims=True), 1).astype(jnp.float32)
    moveset_emb = moves_emb.sum(-2) / cnt
    last_move_emb = jnp.take(p['move_tab'], last_move, axis=0) @ p['lastmove_W'] + p['lastmove_b']
    pemb = (name_emb + forme_emb + stat_emb + active_emb + fainted_emb + gender_emb
            + level_emb + ability_emb + item_emb + status_emb + moveset_emb + last_move_emb)
    pemb = pemb + jnp.take(p['teratype_tab'], teratype, axis=0)
    pemb = pemb + jnp.take(p['tera_tab'], (terastallized > 0).astype(jnp.int32), axis=0)
    h = pemb @ p['enc_W1'] + p['enc_b1']
    h = jax.nn.relu(h)
    mu = h.mean(-1, keepdims=True)
    var = ((h - mu) ** 2).mean(-1, keepdims=True)
    h = (h - mu) / jnp.sqrt(var + 1e-5) * p['ln_g'] + p['ln_b']
    out = h @ p['enc_W2'] + p['enc_b2']
    mask = (name == 0) | (fainted == 2)
    priv, pub1, pub2 = jnp.split(out, 3, axis=2)
    pm, m1, m2 = jnp.split(mask, 3, axis=2)
    return ((priv, pub1, pub2), (pm, m1, m2), moves_emb)

if __name__ == "__main__":
    import jax
    _d = setup_inputs()
    print(jax.jit(kernel)(*tuple(_d.values())))

</pallas_src>

<mosaic_0001>
#map = affine_map<(d0, d1) -> (0, 0)>
#map1 = affine_map<(d0, d1) -> (0, 0, 0)>
module attributes {stable_mosaic.version = 14 : i64} {
  func.func @_sc_body(%arg0: i32, %arg1: i32, %arg2: memref<5400x128xf32, #tpu.memory_space<hbm>>, %arg3: memref<1152x16x128xi32, #tpu.memory_space<hbm>>, %arg4: memref<147456x128xf32, #tpu.memory_space<hbm>>, %arg5: memref<16x128xi32, #tpu.memory_space<vmem>>, %arg6: memref<5400x128xf32, #tpu.memory_space<vmem_shared>>, %arg7: memref<128x128xf32, #tpu.memory_space<vmem>>, %arg8: memref<128x128xf32, #tpu.memory_space<vmem>>, %arg9: memref<128x128xf32, #tpu.memory_space<vmem>>, %arg10: memref<128x128xf32, #tpu.memory_space<vmem>>, %arg11: memref<128x128xf32, #tpu.memory_space<vmem>>, %arg12: memref<!tpu.dma_semaphore, #tpu.memory_space<semaphore_mem>>, %arg13: memref<!tpu.dma_semaphore, #tpu.memory_space<semaphore_mem>>, %arg14: memref<!tpu.dma_semaphore, #tpu.memory_space<semaphore_mem>>, %arg15: memref<!tpu.dma_semaphore, #tpu.memory_space<semaphore_mem>>) attributes {dimension_semantics = [#tpu.dimension_semantics<core_parallel>, #tpu.dimension_semantics<subcore_parallel>], iteration_bounds = array<i64: 2, 16>, scalar_prefetch = 0 : i64, scratch_operands = 11 : i64, tpu.core_type = #tpu.core_type<sc_vector_subcore>, window_params = [{transform_indices = #map}, {transform_indices = #map1}, {transform_indices = #map}]} {
    %mul3A = arith.constant 2 : i32
    %mul3A_0 = arith.muli %arg1, %mul3A : i32
    %add3A = arith.addi %mul3A_0, %arg0 : i32
    %eq3A = arith.constant 0 : i32
    %eq3A_1 = arith.cmpi eq, %arg1, %eq3A : i32
    %convert_element_type3A = arith.extui %eq3A_1 : i1 to i32
    %cond3A = arith.constant 0 : i32
    %cond3A_2 = arith.cmpi ne, %convert_element_type3A, %cond3A : i32
    scf.if %cond3A_2 {
      "tpu.region"() ({
        %run_scoped3A = tpu.sem_alloc : memref<!tpu.dma_semaphore, #tpu.memory_space<semaphore_mem>>
        tpu.enqueue_dma source(%arg2 : memref<5400x128xf32, #tpu.memory_space<hbm>>) target(%arg6 : memref<5400x128xf32, #tpu.memory_space<vmem_shared>>) target_semaphore(%run_scoped3A : memref<!tpu.dma_semaphore, #tpu.memory_space<semaphore_mem>>)
        tpu.wait_dma2 semaphore(%run_scoped3A : memref<!tpu.dma_semaphore, #tpu.memory_space<semaphore_mem>>) src(%arg2 : memref<5400x128xf32, #tpu.memory_space<hbm>>) dst(%arg6 : memref<5400x128xf32, #tpu.memory_space<vmem_shared>>)
        tpu.yield
      }) : () -> ()
    } else {
    }
    %barrier3A = arith.constant 0 : index
    tpu.barrier barrier_id(%barrier3A)
    %scan3A = arith.constant 0 : i32
    %scan3A_3 = arith.constant 0 : i32
    %scan3A_4 = arith.constant 36 : i32
    %scan3A_5 = arith.addi %scan3A_3, %scan3A_4 : i32
    %scan3A_6 = arith.constant 1 : i32
    scf.for %scan3A_8 = %scan3A_3 to %scan3A_5 step %scan3A_6  : i32 {
      %mul3A_9 = arith.constant 36 : i32
      %mul3A_10 = arith.muli %add3A, %mul3A_9 : i32
      %add3A_11 = arith.addi %mul3A_10, %scan3A_8 : i32
      %mul3A_12 = arith.constant 128 : i32
      %mul3A_13 = arith.muli %add3A_11, %mul3A_12 : i32
      "tpu.region"() ({
        %run_scoped3A = tpu.sem_alloc : memref<!tpu.dma_semaphore, #tpu.memory_space<semaphore_mem>>
        %dma_start3A_180 = arith.constant 0 : i32
        %dma_start3A_181 = arith.constant 0 : i32
        %dma_start3A_182 = tpu.memref_slice %arg3[%add3A_11, %dma_start3A_180, %dma_start3A_181] : memref<1152x16x128xi32, #tpu.memory_space<hbm>> -> memref<1x16x128xi32, #tpu.memory_space<hbm>>
        %dma_start3A_183 = tpu.memref_squeeze %dma_start3A_182 : memref<1x16x128xi32, #tpu.memory_space<hbm>> -> memref<16x128xi32, #tpu.memory_space<hbm>>
        %dma_start3A_184 = arith.constant 0 : i32
        %dma_start3A_185 = arith.constant 0 : i32
        %dma_start3A_186 = tpu.memref_slice %arg3[%add3A_11, %dma_start3A_184, %dma_start3A_185] : memref<1152x16x128xi32, #tpu.memory_space<hbm>> -> memref<1x16x128xi32, #tpu.memory_space<hbm>>
        %dma_start3A_187 = tpu.memref_squeeze %dma_start3A_186 : memref<1x16x128xi32, #tpu.memory_space<hbm>> -> memref<16x128xi32, #tpu.memory_space<hbm>>
        tpu.enqueue_dma source(%dma_start3A_187 : memref<16x128xi32, #tpu.memory_space<hbm>>) target(%arg5 : memref<16x128xi32, #tpu.memory_space<vmem>>) target_semaphore(%run_scoped3A : memref<!tpu.dma_semaphore, #tpu.memory_space<semaphore_mem>>)
        %dma_wait3A_188 = arith.constant 0 : i32
        %dma_wait3A_189 = arith.constant 0 : i32
        %dma_wait3A_190 = tpu.memref_slice %arg3[%add3A_11, %dma_wait3A_188, %dma_wait3A_189] : memref<1152x16x128xi32, #tpu.memory_space<hbm>> -> memref<1x16x128xi32, #tpu.memory_space<hbm>>
        %dma_wait3A_191 = tpu.memref_squeeze %dma_wait3A_190 : memref<1x16x128xi32, #tpu.memory_space<hbm>> -> memref<16x128xi32, #tpu.memory_space<hbm>>
        %dma_wait3A_192 = arith.constant 0 : i32
        %dma_wait3A_193 = arith.constant 0 : i32
        %dma_wait3A_194 = tpu.memref_slice %arg3[%add3A_11, %dma_wait3A_192, %dma_wait3A_193] : memref<1152x16x128xi32, #tpu.memory_space<hbm>> -> memref<1x16x128xi32, #tpu.memory_space<hbm>>
        %dma_wait3A_195 = tpu.memref_squeeze %dma_wait3A_194 : memref<1x16x128xi32, #tpu.memory_space<hbm>> -> memref<16x128xi32, #tpu.memory_space<hbm>>
        tpu.wait_dma2 semaphore(%run_scoped3A : memref<!tpu.dma_semaphore, #tpu.memory_space<semaphore_mem>>) src(%dma_wait3A_195 : memref<16x128xi32, #tpu.memory_space<hbm>>) dst(%arg5 : memref<16x128xi32, #tpu.memory_space<vmem>>)
        tpu.yield
      }) : () -> ()
      %dma_start3A = arith.constant 0 : i32
      %dma_start3A_14 = arith.constant 0 : i32
      %dma_start3A_15 = tpu.memref_slice %arg5[%dma_start3A, %dma_start3A_14] : memref<16x128xi32, #tpu.memory_space<vmem>> -> memref<1x128xi32, #tpu.memory_space<vmem>>
      %dma_start3A_16 = tpu.memref_squeeze %dma_start3A_15 : memref<1x128xi32, #tpu.memory_space<vmem>> -> memref<128xi32, #tpu.memory_space<vmem>>
      %dma_start3A_17 = arith.constant 0 : i32
      %dma_start3A_18 = arith.constant 0 : i32
      %dma_start3A_19 = tpu.memref_slice %arg6[%dma_start3A_17, %dma_start3A_18] : memref<5400x128xf32, #tpu.memory_space<vmem_shared>> -> memref<5400x128xf32, #tpu.memory_space<vmem_shared>>
      tpu.enqueue_indirect_dma source(%dma_start3A_19 : memref<5400x128xf32, #tpu.memory_space<vmem_shared>>) target(%arg7 : memref<128x128xf32, #tpu.memory_space<vmem>>) offsets(%dma_start3A_16 : memref<128xi32, #tpu.memory_space<vmem>>) semaphore(%arg12 : memref<!tpu.dma_semaphore, #tpu.memory_space<semaphore_mem>>)
      %dma_start3A_20 = arith.constant 1 : i32
      %dma_start3A_21 = arith.constant 0 : i32
      %dma_start3A_22 = tpu.memref_slice %arg5[%dma_start3A_20, %dma_start3A_21] : memref<16x128xi32, #tpu.memory_space<vmem>> -> memref<1x128xi32, #tpu.memory_space<vmem>>
      %dma_start3A_23 = tpu.memref_squeeze %dma_start3A_22 : memref<1x128xi32, #tpu.memory_space<vmem>> -> memref<128xi32, #tpu.memory_space<vmem>>
      %dma_start3A_24 = arith.constant 0 : i32
      %dma_start3A_25 = arith.constant 0 : i32
      %dma_start3A_26 = tpu.memref_slice %arg6[%dma_start3A_24, %dma_start3A_25] : memref<5400x128xf32, #tpu.memory_space<vmem_shared>> -> memref<5400x128xf32, #tpu.memory_space<vmem_shared>>
      tpu.enqueue_indirect_dma source(%dma_start3A_26 : memref<5400x128xf32, #tpu.memory_space<vmem_shared>>) target(%arg8 : memref<128x128xf32, #tpu.memory_space<vmem>>) offsets(%dma_start3A_23 : memref<128xi32, #tpu.memory_space<vmem>>) semaphore(%arg13 : memref<!tpu.dma_semaphore, #tpu.memory_space<semaphore_mem>>)
      %dma_start3A_27 = arith.constant 2 : i32
      %dma_start3A_28 = arith.constant 0 : i32
      %dma_start3A_29 = tpu.memref_slice %arg5[%dma_start3A_27, %dma_start3A_28] : memref<16x128xi32, #tpu.memory_space<vmem>> -> memref<1x128xi32, #tpu.memory_space<vmem>>
      %dma_start3A_30 = tpu.memref_squeeze %dma_start3A_29 : memref<1x128xi32, #tpu.memory_space<vmem>> -> memref<128xi32, #tpu.memory_space<vmem>>
      %dma_start3A_31 = arith.constant 0 : i32
      %dma_start3A_32 = arith.constant 0 : i32
      %dma_start3A_33 = tpu.memref_slice %arg6[%dma_start3A_31, %dma_start3A_32] : memref<5400x128xf32, #tpu.memory_space<vmem_shared>> -> memref<5400x128xf32, #tpu.memory_space<vmem_shared>>
      tpu.enqueue_indirect_dma source(%dma_start3A_33 : memref<5400x128xf32, #tpu.memory_space<vmem_shared>>) target(%arg9 : memref<128x128xf32, #tpu.memory_space<vmem>>) offsets(%dma_start3A_30 : memref<128xi32, #tpu.memory_space<vmem>>) semaphore(%arg14 : memref<!tpu.dma_semaphore, #tpu.memory_space<semaphore_mem>>)
      %dma_start3A_34 = arith.constant 3 : i32
      %dma_start3A_35 = arith.constant 0 : i32
      %dma_start3A_36 = tpu.memref_slice %arg5[%dma_start3A_34, %dma_start3A_35] : memref<16x128xi32, #tpu.memory_space<vmem>> -> memref<1x128xi32, #tpu.memory_space<vmem>>
      %dma_start3A_37 = tpu.memref_squeeze %dma_start3A_36 : memref<1x128xi32, #tpu.memory_space<vmem>> -> memref<128xi32, #tpu.memory_space<vmem>>
      %dma_start3A_38 = arith.constant 0 : i32
      %dma_start3A_39 = arith.constant 0 : i32
      %dma_start3A_40 = tpu.memref_slice %arg6[%dma_start3A_38, %dma_start3A_39] : memref<5400x128xf32, #tpu.memory_space<vmem_shared>> -> memref<5400x128xf32, #tpu.memory_space<vmem_shared>>
      tpu.enqueue_indirect_dma source(%dma_start3A_40 : memref<5400x128xf32, #tpu.memory_space<vmem_shared>>) target(%arg10 : memref<128x128xf32, #tpu.memory_space<vmem>>) offsets(%dma_start3A_37 : memref<128xi32, #tpu.memory_space<vmem>>) semaphore(%arg15 : memref<!tpu.dma_semaphore, #tpu.memory_space<semaphore_mem>>)
      %dma_wait3A = arith.constant 0 : i32
      %dma_wait3A_41 = arith.constant 0 : i32
      %dma_wait3A_42 = tpu.memref_slice %arg5[%dma_wait3A, %dma_wait3A_41] : memref<16x128xi32, #tpu.memory_space<vmem>> -> memref<1x128xi32, #tpu.memory_space<vmem>>
      %dma_wait3A_43 = tpu.memref_squeeze %dma_wait3A_42 : memref<1x128xi32, #tpu.memory_space<vmem>> -> memref<128xi32, #tpu.memory_space<vmem>>
      %dma_wait3A_44 = arith.constant 0 : i32
      %dma_wait3A_45 = arith.constant 0 : i32
      %dma_wait3A_46 = tpu.memref_slice %arg6[%dma_wait3A_44, %dma_wait3A_45] : memref<5400x128xf32, #tpu.memory_space<vmem_shared>> -> memref<5400x128xf32, #tpu.memory_space<vmem_shared>>
      tpu.wait_indirect_dma semaphore(%arg12 : memref<!tpu.dma_semaphore, #tpu.memory_space<semaphore_mem>>) src(%dma_wait3A_46 : memref<5400x128xf32, #tpu.memory_space<vmem_shared>>) dst(%arg7 : memref<128x128xf32, #tpu.memory_space<vmem>>)
      %scan3A_47 = arith.constant 0 : i32
      %scan3A_48 = arith.constant 0 : i32
      %scan3A_49 = arith.constant 128 : i32
      %scan3A_50 = arith.addi %scan3A_48, %scan3A_49 : i32
      %scan3A_51 = arith.constant 1 : i32
      %scan3A_52 = scf.for %scan3A_180 = %scan3A_48 to %scan3A_50 step %scan3A_51 iter_args(%scan3A_181 = %scan3A_47) -> (i32)  : i32 {
        %get3A = arith.index_cast %scan3A_180 : i32 to index
        %get3A_182 = arith.constant 0 : index
        %get3A_183 = tpu.vector_load %arg7[%get3A, %get3A_182] {strides = array<i32>} : memref<128x128xf32, #tpu.memory_space<vmem>>, vector<1x16xf32>,
        %get3A_184 = vector.shape_cast %get3A_183 : vector<1x16xf32> to vector<16xf32>
        %swap3A = arith.index_cast %scan3A_180 : i32 to index
        %swap3A_185 = arith.constant 0 : index
        %swap3A_186 = tpu.vector_load %arg11[%swap3A, %swap3A_185] {strides = array<i32>} : memref<128x128xf32, #tpu.memory_space<vmem>>, vector<1x16xf32>,
        %swap3A_187 = vector.shape_cast %swap3A_186 : vector<1x16xf32> to vector<16xf32>
        %swap3A_188 = vector.shape_cast %get3A_184 : vector<16xf32> to vector<1x16xf32>
        tpu.vector_store %arg11[%swap3A, %swap3A_185], %swap3A_188 {strides = array<i32>} : memref<128x128xf32, #tpu.memory_space<vmem>>, vector<1x16xf32>,
        %get3A_189 = arith.index_cast %scan3A_180 : i32 to index
        %get3A_190 = arith.constant 16 : index
        %get3A_191 = tpu.vector_load %arg7[%get3A_189, %get3A_190] {strides = array<i32>} : memref<128x128xf32, #tpu.memory_space<vmem>>, vector<1x16xf32>,
        %get3A_192 = vector.shape_cast %get3A_191 : vector<1x16xf32> to vector<16xf32>
        %swap3A_193 = arith.index_cast %scan3A_180 : i32 to index
        %swap3A_194 = arith.constant 16 : index
        %swap3A_195 = tpu.vector_load %arg11[%swap3A_193, %swap3A_194] {strides = array<i32>} : memref<128x128xf32, #tpu.memory_space<vmem>>, vector<1x16xf32>,
        %swap3A_196 = vector.shape_cast %swap3A_195 : vector<1x16xf32> to vector<16xf32>
        %swap3A_197 = vector.shape_cast %get3A_192 : vector<16xf32> to vector<1x16xf32>
        tpu.vector_store %arg11[%swap3A_193, %swap3A_194], %swap3A_197 {strides = array<i32>} : memref<128x128xf32, #tpu.memory_space<vmem>>, vector<1x16xf32>,
        %get3A_198 = arith.index_cast %scan3A_180 : i32 to index
        %get3A_199 = arith.constant 32 : index
        %get3A_200 = tpu.vector_load %arg7[%get3A_198, %get3A_199] {strides = array<i32>} : memref<128x128xf32, #tpu.memory_space<vmem>>, vector<1x16xf32>,
        %get3A_201 = vector.shape_cast %get3A_200 : vector<1x16xf32> to vector<16xf32>
        %swap3A_202 = arith.index_cast %scan3A_180 : i32 to index
        %swap3A_203 = arith.constant 32 : index
        %swap3A_204 = tpu.vector_load %arg11[%swap3A_202, %swap3A_203] {strides = array<i32>} : memref<128x128xf32, #tpu.memory_space<vmem>>, vector<1x16xf32>,
        %swap3A_205 = vector.shape_cast %swap3A_204 : vector<1x16xf32> to vector<16xf32>
        %swap3A_206 = vector.shape_cast %get3A_201 : vector<16xf32> to vector<1x16xf32>
        tpu.vector_store %arg11[%swap3A_202, %swap3A_203], %swap3A_206 {strides = array<i32>} : memref<128x128xf32, #tpu.memory_space<vmem>>, vector<1x16xf32>,
        %get3A_207 = arith.index_cast %scan3A_180 : i32 to index
        %get3A_208 = arith.constant 48 : index
        %get3A_209 = tpu.vector_load %arg7[%get3A_207, %get3A_208] {strides = array<i32>} : memref<128x128xf32, #tpu.memory_space<vmem>>, vector<1x16xf32>,
        %get3A_210 = vector.shape_cast %get3A_209 : vector<1x16xf32> to vector<16xf32>
        %swap3A_211 = arith.index_cast %scan3A_180 : i32 to index
        %swap3A_212 = arith.constant 48 : index
        %swap3A_213 = tpu.vector_load %arg11[%swap3A_211, %swap3A_212] {strides = array<i32>} : memref<128x128xf32, #tpu.memory_space<vmem>>, vector<1x16xf32>,
        %swap3A_214 = vector.shape_cast %swap3A_213 : vector<1x16xf32> to vector<16xf32>
        %swap3A_215 = vector.shape_cast %get3A_210 : vector<16xf32> to vector<1x16xf32>
        tpu.vector_store %arg11[%swap3A_211, %swap3A_212], %swap3A_215 {strides = array<i32>} : memref<128x128xf32, #tpu.memory_space<vmem>>, vector<1x16xf32>,
        %get3A_216 = arith.index_cast %scan3A_180 : i32 to index
        %get3A_217 = arith.constant 64 : index
        %get3A_218 = tpu.vector_load %arg7[%get3A_216, %get3A_217] {strides = array<i32>} : memref<128x128xf32, #tpu.memory_space<vmem>>, vector<1x16xf32>,
        %get3A_219 = vector.shape_cast %get3A_218 : vector<1x16xf32> to vector<16xf32>
        %swap3A_220 = arith.index_cast %scan3A_180 : i32 to index
        %swap3A_221 = arith.constant 64 : index
        %swap3A_222 = tpu.vector_load %arg11[%swap3A_220, %swap3A_221] {strides = array<i32>} : memref<128x128xf32, #tpu.memory_space<vmem>>, vector<1x16xf32>,
        %swap3A_223 = vector.shape_cast %swap3A_222 : vector<1x16xf32> to vector<16xf32>
        %swap3A_224 = vector.shape_cast %get3A_219 : vector<16xf32> to vector<1x16xf32>
        tpu.vector_store %arg11[%swap3A_220, %swap3A_221], %swap3A_224 {strides = array<i32>} : memref<128x128xf32, #tpu.memory_space<vmem>>, vector<1x16xf32>,
        %get3A_225 = arith.index_cast %scan3A_180 : i32 to index
        %get3A_226 = arith.constant 80 : index
        %get3A_227 = tpu.vector_load %arg7[%get3A_225, %get3A_226] {strides = array<i32>} : memref<128x128xf32, #tpu.memory_space<vmem>>, vector<1x16xf32>,
        %get3A_228 = vector.shape_cast %get3A_227 : vector<1x16xf32> to vector<16xf32>
        %swap3A_229 = arith.index_cast %scan3A_180 : i32 to index
        %swap3A_230 = arith.constant 80 : index
        %swap3A_231 = tpu.vector_load %arg11[%swap3A_229, %swap3A_230] {strides = array<i32>} : memref<128x128xf32, #tpu.memory_space<vmem>>, vector<1x16xf32>,
        %swap3A_232 = vector.shape_cast %swap3A_231 : vector<1x16xf32> to vector<16xf32>
        %swap3A_233 = vector.shape_cast %get3A_228 : vector<16xf32> to vector<1x16xf32>
        tpu.vector_store %arg11[%swap3A_229, %swap3A_230], %swap3A_233 {strides = array<i32>} : memref<128x128xf32, #tpu.memory_space<vmem>>, vector<1x16xf32>,
        %get3A_234 = arith.index_cast %scan3A_180 : i32 to index
        %get3A_235 = arith.constant 96 : index
        %get3A_236 = tpu.vector_load %arg7[%get3A_234, %get3A_235] {strides = array<i32>} : memref<128x128xf32, #tpu.memory_space<vmem>>, vector<1x16xf32>,
        %get3A_237 = vector.shape_cast %get3A_236 : vector<1x16xf32> to vector<16xf32>
        %swap3A_238 = arith.index_cast %scan3A_180 : i32 to index
        %swap3A_239 = arith.constant 96 : index
        %swap3A_240 = tpu.vector_load %arg11[%swap3A_238, %swap3A_239] {strides = array<i32>} : memref<128x128xf32, #tpu.memory_space<vmem>>, vector<1x16xf32>,
        %swap3A_241 = vector.shape_cast %swap3A_240 : vector<1x16xf32> to vector<16xf32>
        %swap3A_242 = vector.shape_cast %get3A_237 : vector<16xf32> to vector<1x16xf32>
        tpu.vector_store %arg11[%swap3A_238, %swap3A_239], %swap3A_242 {strides = array<i32>} : memref<128x128xf32, #tpu.memory_space<vmem>>, vector<1x16xf32>,
        %get3A_243 = arith.index_cast %scan3A_180 : i32 to index
        %get3A_244 = arith.constant 112 : index
        %get3A_245 = tpu.vector_load %arg7[%get3A_243, %get3A_244] {strides = array<i32>} : memref<128x128xf32, #tpu.memory_space<vmem>>, vector<1x16xf32>,
        %get3A_246 = vector.shape_cast %get3A_245 : vector<1x16xf32> to vector<16xf32>
        %swap3A_247 = arith.index_cast %scan3A_180 : i32 to index
        %swap3A_248 = arith.constant 112 : index
        %swap3A_249 = tpu.vector_load %arg11[%swap3A_247, %swap3A_248] {strides = array<i32>} : memref<128x128xf32, #tpu.memory_space<vmem>>, vector<1x16xf32>,
        %swap3A_250 = vector.shape_cast %swap3A_249 : vector<1x16xf32> to vector<16xf32>
        %swap3A_251 = vector.shape_cast %get3A_246 : vector<16xf32> to vector<1x16xf32>
        tpu.vector_store %arg11[%swap3A_247, %swap3A_248], %swap3A_251 {strides = array<i32>} : memref<128x128xf32, #tpu.memory_space<vmem>>, vector<1x16xf32>,
        %scan3A_252 = arith.constant 0 : i32
        scf.yield %scan3A_252 : i32
      }
      %scan3A_53 = arith.constant 128 : i32
      %dma_start3A_54 = arith.constant 4 : i32
      %dma_start3A_55 = arith.constant 0 : i32
      %dma_start3A_56 = tpu.memref_slice %arg5[%dma_start3A_54, %dma_start3A_55] : memref<16x128xi32, #tpu.memory_space<vmem>> -> memref<1x128xi32, #tpu.memory_space<vmem>>
      %dma_start3A_57 = tpu.memref_squeeze %dma_start3A_56 : memref<1x128xi32, #tpu.memory_space<vmem>> -> memref<128xi32, #tpu.memory_space<vmem>>
      %dma_start3A_58 = arith.constant 0 : i32
      %dma_start3A_59 = arith.constant 0 : i32
      %dma_start3A_60 = tpu.memref_slice %arg6[%dma_start3A_58, %dma_start3A_59] : memref<5400x128xf32, #tpu.memory_space<vmem_shared>> -> memref<5400x128xf32, #tpu.memory_space<vmem_shared>>
      tpu.enqueue_indirect_dma source(%dma_start3A_60 : memref<5400x128xf32, #tpu.memory_space<vmem_shared>>) target(%arg7 : memref<128x128xf32, #tpu.memory_space<vmem>>) offsets(%dma_start3A_57 : memref<128xi32, #tpu.memory_space<vmem>>) semaphore(%arg12 : memref<!tpu.dma_semaphore, #tpu.memory_space<semaphore_mem>>)
      %dma_wait3A_61 = arith.constant 1 : i32
      %dma_wait3A_62 = arith.constant 0 : i32
      %dma_wait3A_63 = tpu.memref_slice %arg5[%dma_wait3A_61, %dma_wait3A_62] : memref<16x128xi32, #tpu.memory_space<vmem>> -> memref<1x128xi32, #tpu.memory_space<vmem>>
      %dma_wait3A_64 = tpu.memref_squeeze %dma_wait3A_63 : memref<1x128xi32, #tpu.memory_space<vmem>> -> memref<128xi32, #tpu.memory_space<vmem>>
      %dma_wait3A_65 = arith.constant 0 : i32
      %dma_wait3A_66 = arith.constant 0 : i32
      %dma_wait3A_67 = tpu.memref_slice %arg6[%dma_wait3A_65, %dma_wait3A_66] : memref<5400x128xf32, #tpu.memory_space<vmem_shared>> -> memref<5400x128xf32, #tpu.memory_space<vmem_shared>>
      tpu.wait_indirect_dma semaphore(%arg13 : memref<!tpu.dma_semaphore, #tpu.memory_space<semaphore_mem>>) src(%dma_wait3A_67 : memref<5400x128xf32, #tpu.memory_space<vmem_shared>>) dst(%arg8 : memref<128x128xf32, #tpu.memory_space<vmem>>)
      %scan3A_68 = arith.constant 0 : i32
      %scan3A_69 = arith.constant 0 : i32
      %scan3A_70 = arith.constant 128 : i32
      %scan3A_71 = arith.addi %scan3A_69, %scan3A_70 : i32
      %scan3A_72 = arith.constant 1 : i32
      %scan3A_73 = scf.for %scan3A_180 = %scan3A_69 to %scan3A_71 step %scan3A_72 iter_args(%scan3A_181 = %scan3A_68) -> (i32)  : i32 {
        %get3A = arith.index_cast %scan3A_180 : i32 to index
        %get3A_182 = arith.constant 0 : index
        %get3A_183 = tpu.vector_load %arg8[%get3A, %get3A_182] {strides = array<i32>} : memref<128x128xf32, #tpu.memory_space<vmem>>, vector<1x16xf32>,
        %get3A_184 = vector.shape_cast %get3A_183 : vector<1x16xf32> to vector<16xf32>
        %swap3A = arith.index_cast %scan3A_180 : i32 to index
        %swap3A_185 = arith.constant 0 : index
        %swap3A_186 = tpu.vector_load %arg11[%swap3A, %swap3A_185] {strides = array<i32>} : memref<128x128xf32, #tpu.memory_space<vmem>>, vector<1x16xf32>,
        %swap3A_187 = vector.shape_cast %swap3A_186 : vector<1x16xf32> to vector<16xf32>
        %swap3A_188 = vector.shape_cast %get3A_184 : vector<16xf32> to vector<1x16xf32>
        tpu.vector_store %arg11[%swap3A, %swap3A_185], %swap3A_188 {add = true, strides = array<i32>} : memref<128x128xf32, #tpu.memory_space<vmem>>, vector<1x16xf32>,
        %get3A_189 = arith.index_cast %scan3A_180 : i32 to index
        %get3A_190 = arith.constant 16 : index
        %get3A_191 = tpu.vector_load %arg8[%get3A_189, %get3A_190] {strides = array<i32>} : memref<128x128xf32, #tpu.memory_space<vmem>>, vector<1x16xf32>,
        %get3A_192 = vector.shape_cast %get3A_191 : vector<1x16xf32> to vector<16xf32>
        %swap3A_193 = arith.index_cast %scan3A_180 : i32 to index
        %swap3A_194 = arith.constant 16 : index
        %swap3A_195 = tpu.vector_load %arg11[%swap3A_193, %swap3A_194] {strides = array<i32>} : memref<128x128xf32, #tpu.memory_space<vmem>>, vector<1x16xf32>,
        %swap3A_196 = vector.shape_cast %swap3A_195 : vector<1x16xf32> to vector<16xf32>
        %swap3A_197 = vector.shape_cast %get3A_192 : vector<16xf32> to vector<1x16xf32>
        tpu.vector_store %arg11[%swap3A_193, %swap3A_194], %swap3A_197 {add = true, strides = array<i32>} : memref<128x128xf32, #tpu.memory_space<vmem>>, vector<1x16xf32>,
        %get3A_198 = arith.index_cast %scan3A_180 : i32 to index
        %get3A_199 = arith.constant 32 : index
        %get3A_200 = tpu.vector_load %arg8[%get3A_198, %get3A_199] {strides = array<i32>} : memref<128x128xf32, #tpu.memory_space<vmem>>, vector<1x16xf32>,
        %get3A_201 = vector.shape_cast %get3A_200 : vector<1x16xf32> to vector<16xf32>
        %swap3A_202 = arith.index_cast %scan3A_180 : i32 to index
        %swap3A_203 = arith.constant 32 : index
        %swap3A_204 = tpu.vector_load %arg11[%swap3A_202, %swap3A_203] {strides = array<i32>} : memref<128x128xf32, #tpu.memory_space<vmem>>, vector<1x16xf32>,
        %swap3A_205 = vector.shape_cast %swap3A_204 : vector<1x16xf32> to vector<16xf32>
        %swap3A_206 = vector.shape_cast %get3A_201 : vector<16xf32> to vector<1x16xf32>
        tpu.vector_store %arg11[%swap3A_202, %swap3A_203], %swap3A_206 {add = true, strides = array<i32>} : memref<128x128xf32, #tpu.memory_space<vmem>>, vector<1x16xf32>,
        %get3A_207 = arith.index_cast %scan3A_180 : i32 to index
        %get3A_208 = arith.constant 48 : index
        %get3A_209 = tpu.vector_load %arg8[%get3A_207, %get3A_208] {strides = array<i32>} : memref<128x128xf32, #tpu.memory_space<vmem>>, vector<1x16xf32>,
        %get3A_210 = vector.shape_cast %get3A_209 : vector<1x16xf32> to vector<16xf32>
        %swap3A_211 = arith.index_cast %scan3A_180 : i32 to index
        %swap3A_212 = arith.constant 48 : index
        %swap3A_213 = tpu.vector_load %arg11[%swap3A_211, %swap3A_212] {strides = array<i32>} : memref<128x128xf32, #tpu.memory_space<vmem>>, vector<1x16xf32>,
        %swap3A_214 = vector.shape_cast %swap3A_213 : vector<1x16xf32> to vector<16xf32>
        %swap3A_215 = vector.shape_cast %get3A_210 : vector<16xf32> to vector<1x16xf32>
        tpu.vector_store %arg11[%swap3A_211, %swap3A_212], %swap3A_215 {add = true, strides = array<i32>} : memref<128x128xf32, #tpu.memory_space<vmem>>, vector<1x16xf32>,
        %get3A_216 = arith.index_cast %scan3A_180 : i32 to index
        %get3A_217 = arith.constant 64 : index
        %get3A_218 = tpu.vector_load %arg8[%get3A_216, %get3A_217] {strides = array<i32>} : memref<128x128xf32, #tpu.memory_space<vmem>>, vector<1x16xf32>,
        %get3A_219 = vector.shape_cast %get3A_218 : vector<1x16xf32> to vector<16xf32>
        %swap3A_220 = arith.index_cast %scan3A_180 : i32 to index
        %swap3A_221 = arith.constant 64 : index
        %swap3A_222 = tpu.vector_load %arg11[%swap3A_220, %swap3A_221] {strides = array<i32>} : memref<128x128xf32, #tpu.memory_space<vmem>>, vector<1x16xf32>,
        %swap3A_223 = vector.shape_cast %swap3A_222 : vector<1x16xf32> to vector<16xf32>
        %swap3A_224 = vector.shape_cast %get3A_219 : vector<16xf32> to vector<1x16xf32>
        tpu.vector_store %arg11[%swap3A_220, %swap3A_221], %swap3A_224 {add = true, strides = array<i32>} : memref<128x128xf32, #tpu.memory_space<vmem>>, vector<1x16xf32>,
        %get3A_225 = arith.index_cast %scan3A_180 : i32 to index
        %get3A_226 = arith.constant 80 : index
        %get3A_227 = tpu.vector_load %arg8[%get3A_225, %get3A_226] {strides = array<i32>} : memref<128x128xf32, #tpu.memory_space<vmem>>, vector<1x16xf32>,
        %get3A_228 = vector.shape_cast %get3A_227 : vector<1x16xf32> to vector<16xf32>
        %swap3A_229 = arith.index_cast %scan3A_180 : i32 to index
        %swap3A_230 = arith.constant 80 : index
        %swap3A_231 = tpu.vector_load %arg11[%swap3A_229, %swap3A_230] {strides = array<i32>} : memref<128x128xf32, #tpu.memory_space<vmem>>, vector<1x16xf32>,
        %swap3A_232 = vector.shape_cast %swap3A_231 : vector<1x16xf32> to vector<16xf32>
        %swap3A_233 = vector.shape_cast %get3A_228 : vector<16xf32> to vector<1x16xf32>
        tpu.vector_store %arg11[%swap3A_229, %swap3A_230], %swap3A_233 {add = true, strides = array<i32>} : memref<128x128xf32, #tpu.memory_space<vmem>>, vector<1x16xf32>,
        %get3A_234 = arith.index_cast %scan3A_180 : i32 to index
        %get3A_235 = arith.constant 96 : index
        %get3A_236 = tpu.vector_load %arg8[%get3A_234, %get3A_235] {strides = array<i32>} : memref<128x128xf32, #tpu.memory_space<vmem>>, vector<1x16xf32>,
        %get3A_237 = vector.shape_cast %get3A_236 : vector<1x16xf32> to vector<16xf32>
        %swap3A_238 = arith.index_cast %scan3A_180 : i32 to index
        %swap3A_239 = arith.constant 96 : index
        %swap3A_240 = tpu.vector_load %arg11[%swap3A_238, %swap3A_239] {strides = array<i32>} : memref<128x128xf32, #tpu.memory_space<vmem>>, vector<1x16xf32>,
        %swap3A_241 = vector.shape_cast %swap3A_240 : vector<1x16xf32> to vector<16xf32>
        %swap3A_242 = vector.shape_cast %get3A_237 : vector<16xf32> to vector<1x16xf32>
        tpu.vector_store %arg11[%swap3A_238, %swap3A_239], %swap3A_242 {add = true, strides = array<i32>} : memref<128x128xf32, #tpu.memory_space<vmem>>, vector<1x16xf32>,
        %get3A_243 = arith.index_cast %scan3A_180 : i32 to index
        %get3A_244 = arith.constant 112 : index
        %get3A_245 = tpu.vector_load %arg8[%get3A_243, %get3A_244] {strides = array<i32>} : memref<128x128xf32, #tpu.memory_space<vmem>>, vector<1x16xf32>,
        %get3A_246 = vector.shape_cast %get3A_245 : vector<1x16xf32> to vector<16xf32>
        %swap3A_247 = arith.index_cast %scan3A_180 : i32 to index
        %swap3A_248 = arith.constant 112 : index
        %swap3A_249 = tpu.vector_load %arg11[%swap3A_247, %swap3A_248] {strides = array<i32>} : memref<128x128xf32, #tpu.memory_space<vmem>>, vector<1x16xf32>,
        %swap3A_250 = vector.shape_cast %swap3A_249 : vector<1x16xf32> to vector<16xf32>
        %swap3A_251 = vector.shape_cast %get3A_246 : vector<16xf32> to vector<1x16xf32>
        tpu.vector_store %arg11[%swap3A_247, %swap3A_248], %swap3A_251 {add = true, strides = array<i32>} : memref<128x128xf32, #tpu.memory_space<vmem>>, vector<1x16xf32>,
        %scan3A_252 = arith.constant 0 : i32
        scf.yield %scan3A_252 : i32
      }
      %scan3A_74 = arith.constant 128 : i32
      %dma_start3A_75 = arith.constant 5 : i32
      %dma_start3A_76 = arith.constant 0 : i32
      %dma_start3A_77 = tpu.memref_slice %arg5[%dma_start3A_75, %dma_start3A_76] : memref<16x128xi32, #tpu.memory_space<vmem>> -> memref<1x128xi32, #tpu.memory_space<vmem>>
      %dma_start3A_78 = tpu.memref_squeeze %dma_start3A_77 : memref<1x128xi32, #tpu.memory_space<vmem>> -> memref<128xi32, #tpu.memory_space<vmem>>
      %dma_start3A_79 = arith.constant 0 : i32
      %dma_start3A_80 = arith.constant 0 : i32
      %dma_start3A_81 = tpu.memref_slice %arg6[%dma_start3A_79, %dma_start3A_80] : memref<5400x128xf32, #tpu.memory_space<vmem_shared>> -> memref<5400x128xf32, #tpu.memory_space<vmem_shared>>
      tpu.enqueue_indirect_dma source(%dma_start3A_81 : memref<5400x128xf32, #tpu.memory_space<vmem_shared>>) target(%arg8 : memref<128x128xf32, #tpu.memory_space<vmem>>) offsets(%dma_start3A_78 : memref<128xi32, #tpu.memory_space<vmem>>) semaphore(%arg13 : memref<!tpu.dma_semaphore, #tpu.memory_space<semaphore_mem>>)
      %dma_wait3A_82 = arith.constant 2 : i32
      %dma_wait3A_83 = arith.constant 0 : i32
      %dma_wait3A_84 = tpu.memref_slice %arg5[%dma_wait3A_82, %dma_wait3A_83] : memref<16x128xi32, #tpu.memory_space<vmem>> -> memref<1x128xi32, #tpu.memory_space<vmem>>
      %dma_wait3A_85 = tpu.memref_squeeze %dma_wait3A_84 : memref<1x128xi32, #tpu.memory_space<vmem>> -> memref<128xi32, #tpu.memory_space<vmem>>
      %dma_wait3A_86 = arith.constant 0 : i32
      %dma_wait3A_87 = arith.constant 0 : i32
      %dma_wait3A_88 = tpu.memref_slice %arg6[%dma_wait3A_86, %dma_wait3A_87] : memref<5400x128xf32, #tpu.memory_space<vmem_shared>> -> memref<5400x128xf32, #tpu.memory_space<vmem_shared>>
      tpu.wait_indirect_dma semaphore(%arg14 : memref<!tpu.dma_semaphore, #tpu.memory_space<semaphore_mem>>) src(%dma_wait3A_88 : memref<5400x128xf32, #tpu.memory_space<vmem_shared>>) dst(%arg9 : memref<128x128xf32, #tpu.memory_space<vmem>>)
      %scan3A_89 = arith.constant 0 : i32
      %scan3A_90 = arith.constant 0 : i32
      %scan3A_91 = arith.constant 128 : i32
      %scan3A_92 = arith.addi %scan3A_90, %scan3A_91 : i32
      %scan3A_93 = arith.constant 1 : i32
      %scan3A_94 = scf.for %scan3A_180 = %scan3A_90 to %scan3A_92 step %scan3A_93 iter_args(%scan3A_181 = %scan3A_89) -> (i32)  : i32 {
        %get3A = arith.index_cast %scan3A_180 : i32 to index
        %get3A_182 = arith.constant 0 : index
        %get3A_183 = tpu.vector_load %arg9[%get3A, %get3A_182] {strides = array<i32>} : memref<128x128xf32, #tpu.memory_space<vmem>>, vector<1x16xf32>,
        %get3A_184 = vector.shape_cast %get3A_183 : vector<1x16xf32> to vector<16xf32>
        %swap3A = arith.index_cast %scan3A_180 : i32 to index
        %swap3A_185 = arith.constant 0 : index
        %swap3A_186 = tpu.vector_load %arg11[%swap3A, %swap3A_185] {strides = array<i32>} : memref<128x128xf32, #tpu.memory_space<vmem>>, vector<1x16xf32>,
        %swap3A_187 = vector.shape_cast %swap3A_186 : vector<1x16xf32> to vector<16xf32>
        %swap3A_188 = vector.shape_cast %get3A_184 : vector<16xf32> to vector<1x16xf32>
        tpu.vector_store %arg11[%swap3A, %swap3A_185], %swap3A_188 {add = true, strides = array<i32>} : memref<128x128xf32, #tpu.memory_space<vmem>>, vector<1x16xf32>,
        %get3A_189 = arith.index_cast %scan3A_180 : i32 to index
        %get3A_190 = arith.constant 16 : index
        %get3A_191 = tpu.vector_load %arg9[%get3A_189, %get3A_190] {strides = array<i32>} : memref<128x128xf32, #tpu.memory_space<vmem>>, vector<1x16xf32>,
        %get3A_192 = vector.shape_cast %get3A_191 : vector<1x16xf32> to vector<16xf32>
        %swap3A_193 = arith.index_cast %scan3A_180 : i32 to index
        %swap3A_194 = arith.constant 16 : index
        %swap3A_195 = tpu.vector_load %arg11[%swap3A_193, %swap3A_194] {strides = array<i32>} : memref<128x128xf32, #tpu.memory_space<vmem>>, vector<1x16xf32>,
        %swap3A_196 = vector.shape_cast %swap3A_195 : vector<1x16xf32> to vector<16xf32>
        %swap3A_197 = vector.shape_cast %get3A_192 : vector<16xf32> to vector<1x16xf32>
        tpu.vector_store %arg11[%swap3A_193, %swap3A_194], %swap3A_197 {add = true, strides = array<i32>} : memref<128x128xf32, #tpu.memory_space<vmem>>, vector<1x16xf32>,
        %get3A_198 = arith.index_cast %scan3A_180 : i32 to index
        %get3A_199 = arith.constant 32 : index
        %get3A_200 = tpu.vector_load %arg9[%get3A_198, %get3A_199] {strides = array<i32>} : memref<128x128xf32, #tpu.memory_space<vmem>>, vector<1x16xf32>,
        %get3A_201 = vector.shape_cast %get3A_200 : vector<1x16xf32> to vector<16xf32>
        %swap3A_202 = arith.index_cast %scan3A_180 : i32 to index
        %swap3A_203 = arith.constant 32 : index
        %swap3A_204 = tpu.vector_load %arg11[%swap3A_202, %swap3A_203] {strides = array<i32>} : memref<128x128xf32, #tpu.memory_space<vmem>>, vector<1x16xf32>,
        %swap3A_205 = vector.shape_cast %swap3A_204 : vector<1x16xf32> to vector<16xf32>
        %swap3A_206 = vector.shape_cast %get3A_201 : vector<16xf32> to vector<1x16xf32>
        tpu.vector_store %arg11[%swap3A_202, %swap3A_203], %swap3A_206 {add = true, strides = array<i32>} : memref<128x128xf32, #tpu.memory_space<vmem>>, vector<1x16xf32>,
        %get3A_207 = arith.index_cast %scan3A_180 : i32 to index
        %get3A_208 = arith.constant 48 : index
        %get3A_209 = tpu.vector_load %arg9[%get3A_207, %get3A_208] {strides = array<i32>} : memref<128x128xf32, #tpu.memory_space<vmem>>, vector<1x16xf32>,
        %get3A_210 = vector.shape_cast %get3A_209 : vector<1x16xf32> to vector<16xf32>
        %swap3A_211 = arith.index_cast %scan3A_180 : i32 to index
        %swap3A_212 = arith.constant 48 : index
        %swap3A_213 = tpu.vector_load %arg11[%swap3A_211, %swap3A_212] {strides = array<i32>} : memref<128x128xf32, #tpu.memory_space<vmem>>, vector<1x16xf32>,
        %swap3A_214 = vector.shape_cast %swap3A_213 : vector<1x16xf32> to vector<16xf32>
        %swap3A_215 = vector.shape_cast %get3A_210 : vector<16xf32> to vector<1x16xf32>
        tpu.vector_store %arg11[%swap3A_211, %swap3A_212], %swap3A_215 {add = true, strides = array<i32>} : memref<128x128xf32, #tpu.memory_space<vmem>>, vector<1x16xf32>,
        %get3A_216 = arith.index_cast %scan3A_180 : i32 to index
        %get3A_217 = arith.constant 64 : index
        %get3A_218 = tpu.vector_load %arg9[%get3A_216, %get3A_217] {strides = array<i32>} : memref<128x128xf32, #tpu.memory_space<vmem>>, vector<1x16xf32>,
        %get3A_219 = vector.shape_cast %get3A_218 : vector<1x16xf32> to vector<16xf32>
        %swap3A_220 = arith.index_cast %scan3A_180 : i32 to index
        %swap3A_221 = arith.constant 64 : index
        %swap3A_222 = tpu.vector_load %arg11[%swap3A_220, %swap3A_221] {strides = array<i32>} : memref<128x128xf32, #tpu.memory_space<vmem>>, vector<1x16xf32>,
        %swap3A_223 = vector.shape_cast %swap3A_222 : vector<1x16xf32> to vector<16xf32>
        %swap3A_224 = vector.shape_cast %get3A_219 : vector<16xf32> to vector<1x16xf32>
        tpu.vector_store %arg11[%swap3A_220, %swap3A_221], %swap3A_224 {add = true, strides = array<i32>} : memref<128x128xf32, #tpu.memory_space<vmem>>, vector<1x16xf32>,
        %get3A_225 = arith.index_cast %scan3A_180 : i32 to index
        %get3A_226 = arith.constant 80 : index
        %get3A_227 = tpu.vector_load %arg9[%get3A_225, %get3A_226] {strides = array<i32>} : memref<128x128xf32, #tpu.memory_space<vmem>>, vector<1x16xf32>,
        %get3A_228 = vector.shape_cast %get3A_227 : vector<1x16xf32> to vector<16xf32>
        %swap3A_229 = arith.index_cast %scan3A_180 : i32 to index
        %swap3A_230 = arith.constant 80 : index
        %swap3A_231 = tpu.vector_load %arg11[%swap3A_229, %swap3A_230] {strides = array<i32>} : memref<128x128xf32, #tpu.memory_space<vmem>>, vector<1x16xf32>,
        %swap3A_232 = vector.shape_cast %swap3A_231 : vector<1x16xf32> to vector<16xf32>
        %swap3A_233 = vector.shape_cast %get3A_228 : vector<16xf32> to vector<1x16xf32>
        tpu.vector_store %arg11[%swap3A_229, %swap3A_230], %swap3A_233 {add = true, strides = array<i32>} : memref<128x128xf32, #tpu.memory_space<vmem>>, vector<1x16xf32>,
        %get3A_234 = arith.index_cast %scan3A_180 : i32 to index
        %get3A_235 = arith.constant 96 : index
        %get3A_236 = tpu.vector_load %arg9[%get3A_234, %get3A_235] {strides = array<i32>} : memref<128x128xf32, #tpu.memory_space<vmem>>, vector<1x16xf32>,
        %get3A_237 = vector.shape_cast %get3A_236 : vector<1x16xf32> to vector<16xf32>
        %swap3A_238 = arith.index_cast %scan3A_180 : i32 to index
        %swap3A_239 = arith.constant 96 : index
        %swap3A_240 = tpu.vector_load %arg11[%swap3A_238, %swap3A_239] {strides = array<i32>} : memref<128x128xf32, #tpu.memory_space<vmem>>, vector<1x16xf32>,
        %swap3A_241 = vector.shape_cast %swap3A_240 : vector<1x16xf32> to vector<16xf32>
        %swap3A_242 = vector.shape_cast %get3A_237 : vector<16xf32> to vector<1x16xf32>
        tpu.vector_store %arg11[%swap3A_238, %swap3A_239], %swap3A_242 {add = true, strides = array<i32>} : memref<128x128xf32, #tpu.memory_space<vmem>>, vector<1x16xf32>,
        %get3A_243 = arith.index_cast %scan3A_180 : i32 to index
        %get3A_244 = arith.constant 112 : index
        %get3A_245 = tpu.vector_load %arg9[%get3A_243, %get3A_244] {strides = array<i32>} : memref<128x128xf32, #tpu.memory_space<vmem>>, vector<1x16xf32>,
        %get3A_246 = vector.shape_cast %get3A_245 : vector<1x16xf32> to vector<16xf32>
        %swap3A_247 = arith.index_cast %scan3A_180 : i32 to index
        %swap3A_248 = arith.constant 112 : index
        %swap3A_249 = tpu.vector_load %arg11[%swap3A_247, %swap3A_248] {strides = array<i32>} : memref<128x128xf32, #tpu.memory_space<vmem>>, vector<1x16xf32>,
        %swap3A_250 = vector.shape_cast %swap3A_249 : vector<1x16xf32> to vector<16xf32>
        %swap3A_251 = vector.shape_cast %get3A_246 : vector<16xf32> to vector<1x16xf32>
        tpu.vector_store %arg11[%swap3A_247, %swap3A_248], %swap3A_251 {add = true, strides = array<i32>} : memref<128x128xf32, #tpu.memory_space<vmem>>, vector<1x16xf32>,
        %scan3A_252 = arith.constant 0 : i32
        scf.yield %scan3A_252 : i32
      }
      %scan3A_95 = arith.constant 128 : i32
      %dma_start3A_96 = arith.constant 6 : i32
      %dma_start3A_97 = arith.constant 0 : i32
      %dma_start3A_98 = tpu.memref_slice %arg5[%dma_start3A_96, %dma_start3A_97] : memref<16x128xi32, #tpu.memory_space<vmem>> -> memref<1x128xi32, #tpu.memory_space<vmem>>
      %dma_start3A_99 = tpu.memref_squeeze %dma_start3A_98 : memref<1x128xi32, #tpu.memory_space<vmem>> -> memref<128xi32, #tpu.memory_space<vmem>>
      %dma_start3A_100 = arith.constant 0 : i32
      %dma_start3A_101 = arith.constant 0 : i32
      %dma_start3A_102 = tpu.memref_slice %arg6[%dma_start3A_100, %dma_start3A_101] : memref<5400x128xf32, #tpu.memory_space<vmem_shared>> -> memref<5400x128xf32, #tpu.memory_space<vmem_shared>>
      tpu.enqueue_indirect_dma source(%dma_start3A_102 : memref<5400x128xf32, #tpu.memory_space<vmem_shared>>) target(%arg9 : memref<128x128xf32, #tpu.memory_space<vmem>>) offsets(%dma_start3A_99 : memref<128xi32, #tpu.memory_space<vmem>>) semaphore(%arg14 : memref<!tpu.dma_semaphore, #tpu.memory_space<semaphore_mem>>)
      %dma_wait3A_103 = arith.constant 3 : i32
      %dma_wait3A_104 = arith.constant 0 : i32
      %dma_wait3A_105 = tpu.memref_slice %arg5[%dma_wait3A_103, %dma_wait3A_104] : memref<16x128xi32, #tpu.memory_space<vmem>> -> memref<1x128xi32, #tpu.memory_space<vmem>>
      %dma_wait3A_106 = tpu.memref_squeeze %dma_wait3A_105 : memref<1x128xi32, #tpu.memory_space<vmem>> -> memref<128xi32, #tpu.memory_space<vmem>>
      %dma_wait3A_107 = arith.constant 0 : i32
      %dma_wait3A_108 = arith.constant 0 : i32
      %dma_wait3A_109 = tpu.memref_slice %arg6[%dma_wait3A_107, %dma_wait3A_108] : memref<5400x128xf32, #tpu.memory_space<vmem_shared>> -> memref<5400x128xf32, #tpu.memory_space<vmem_shared>>
      tpu.wait_indirect_dma semaphore(%arg15 : memref<!tpu.dma_semaphore, #tpu.memory_space<semaphore_mem>>) src(%dma_wait3A_109 : memref<5400x128xf32, #tpu.memory_space<vmem_shared>>) dst(%arg10 : memref<128x128xf32, #tpu.memory_space<vmem>>)
      %scan3A_110 = arith.constant 0 : i32
      %scan3A_111 = arith.constant 0 : i32
      %scan3A_112 = arith.constant 128 : i32
      %scan3A_113 = arith.addi %scan3A_111, %scan3A_112 : i32
      %scan3A_114 = arith.constant 1 : i32
      %scan3A_115 = scf.for %scan3A_180 = %scan3A_111 to %scan3A_113 step %scan3A_114 iter_args(%scan3A_181 = %scan3A_110) -> (i32)  : i32 {
        %get3A = arith.index_cast %scan3A_180 : i32 to index
        %get3A_182 = arith.constant 0 : index
        %get3A_183 = tpu.vector_load %arg10[%get3A, %get3A_182] {strides = array<i32>} : memref<128x128xf32, #tpu.memory_space<vmem>>, vector<1x16xf32>,
        %get3A_184 = vector.shape_cast %get3A_183 : vector<1x16xf32> to vector<16xf32>
        %swap3A = arith.index_cast %scan3A_180 : i32 to index
        %swap3A_185 = arith.constant 0 : index
        %swap3A_186 = tpu.vector_load %arg11[%swap3A, %swap3A_185] {strides = array<i32>} : memref<128x128xf32, #tpu.memory_space<vmem>>, vector<1x16xf32>,
        %swap3A_187 = vector.shape_cast %swap3A_186 : vector<1x16xf32> to vector<16xf32>
        %swap3A_188 = vector.shape_cast %get3A_184 : vector<16xf32> to vector<1x16xf32>
        tpu.vector_store %arg11[%swap3A, %swap3A_185], %swap3A_188 {add = true, strides = array<i32>} : memref<128x128xf32, #tpu.memory_space<vmem>>, vector<1x16xf32>,
        %get3A_189 = arith.index_cast %scan3A_180 : i32 to index
        %get3A_190 = arith.constant 16 : index
        %get3A_191 = tpu.vector_load %arg10[%get3A_189, %get3A_190] {strides = array<i32>} : memref<128x128xf32, #tpu.memory_space<vmem>>, vector<1x16xf32>,
        %get3A_192 = vector.shape_cast %get3A_191 : vector<1x16xf32> to vector<16xf32>
        %swap3A_193 = arith.index_cast %scan3A_180 : i32 to index
        %swap3A_194 = arith.constant 16 : index
        %swap3A_195 = tpu.vector_load %arg11[%swap3A_193, %swap3A_194] {strides = array<i32>} : memref<128x128xf32, #tpu.memory_space<vmem>>, vector<1x16xf32>,
        %swap3A_196 = vector.shape_cast %swap3A_195 : vector<1x16xf32> to vector<16xf32>
        %swap3A_197 = vector.shape_cast %get3A_192 : vector<16xf32> to vector<1x16xf32>
        tpu.vector_store %arg11[%swap3A_193, %swap3A_194], %swap3A_197 {add = true, strides = array<i32>} : memref<128x128xf32, #tpu.memory_space<vmem>>, vector<1x16xf32>,
        %get3A_198 = arith.index_cast %scan3A_180 : i32 to index
        %get3A_199 = arith.constant 32 : index
        %get3A_200 = tpu.vector_load %arg10[%get3A_198, %get3A_199] {strides = array<i32>} : memref<128x128xf32, #tpu.memory_space<vmem>>, vector<1x16xf32>,
        %get3A_201 = vector.shape_cast %get3A_200 : vector<1x16xf32> to vector<16xf32>
        %swap3A_202 = arith.index_cast %scan3A_180 : i32 to index
        %swap3A_203 = arith.constant 32 : index
        %swap3A_204 = tpu.vector_load %arg11[%swap3A_202, %swap3A_203] {strides = array<i32>} : memref<128x128xf32, #tpu.memory_space<vmem>>, vector<1x16xf32>,
        %swap3A_205 = vector.shape_cast %swap3A_204 : vector<1x16xf32> to vector<16xf32>
        %swap3A_206 = vector.shape_cast %get3A_201 : vector<16xf32> to vector<1x16xf32>
        tpu.vector_store %arg11[%swap3A_202, %swap3A_203], %swap3A_206 {add = true, strides = array<i32>} : memref<128x128xf32, #tpu.memory_space<vmem>>, vector<1x16xf32>,
        %get3A_207 = arith.index_cast %scan3A_180 : i32 to index
        %get3A_208 = arith.constant 48 : index
        %get3A_209 = tpu.vector_load %arg10[%get3A_207, %get3A_208] {strides = array<i32>} : memref<128x128xf32, #tpu.memory_space<vmem>>, vector<1x16xf32>,
        %get3A_210 = vector.shape_cast %get3A_209 : vector<1x16xf32> to vector<16xf32>
        %swap3A_211 = arith.index_cast %scan3A_180 : i32 to index
        %swap3A_212 = arith.constant 48 : index
        %swap3A_213 = tpu.vector_load %arg11[%swap3A_211, %swap3A_212] {strides = array<i32>} : memref<128x128xf32, #tpu.memory_space<vmem>>, vector<1x16xf32>,
        %swap3A_214 = vector.shape_cast %swap3A_213 : vector<1x16xf32> to vector<16xf32>
        %swap3A_215 = vector.shape_cast %get3A_210 : vector<16xf32> to vector<1x16xf32>
        tpu.vector_store %arg11[%swap3A_211, %swap3A_212], %swap3A_215 {add = true, strides = array<i32>} : memref<128x128xf32, #tpu.memory_space<vmem>>, vector<1x16xf32>,
        %get3A_216 = arith.index_cast %scan3A_180 : i32 to index
        %get3A_217 = arith.constant 64 : index
        %get3A_218 = tpu.vector_load %arg10[%get3A_216, %get3A_217] {strides = array<i32>} : memref<128x128xf32, #tpu.memory_space<vmem>>, vector<1x16xf32>,
        %get3A_219 = vector.shape_cast %get3A_218 : vector<1x16xf32> to vector<16xf32>
        %swap3A_220 = arith.index_cast %scan3A_180 : i32 to index
        %swap3A_221 = arith.constant 64 : index
        %swap3A_222 = tpu.vector_load %arg11[%swap3A_220, %swap3A_221] {strides = array<i32>} : memref<128x128xf32, #tpu.memory_space<vmem>>, vector<1x16xf32>,
        %swap3A_223 = vector.shape_cast %swap3A_222 : vector<1x16xf32> to vector<16xf32>
        %swap3A_224 = vector.shape_cast %get3A_219 : vector<16xf32> to vector<1x16xf32>
        tpu.vector_store %arg11[%swap3A_220, %swap3A_221], %swap3A_224 {add = true, strides = array<i32>} : memref<128x128xf32, #tpu.memory_space<vmem>>, vector<1x16xf32>,
        %get3A_225 = arith.index_cast %scan3A_180 : i32 to index
        %get3A_226 = arith.constant 80 : index
        %get3A_227 = tpu.vector_load %arg10[%get3A_225, %get3A_226] {strides = array<i32>} : memref<128x128xf32, #tpu.memory_space<vmem>>, vector<1x16xf32>,
        %get3A_228 = vector.shape_cast %get3A_227 : vector<1x16xf32> to vector<16xf32>
        %swap3A_229 = arith.index_cast %scan3A_180 : i32 to index
        %swap3A_230 = arith.constant 80 : index
        %swap3A_231 = tpu.vector_load %arg11[%swap3A_229, %swap3A_230] {strides = array<i32>} : memref<128x128xf32, #tpu.memory_space<vmem>>, vector<1x16xf32>,
        %swap3A_232 = vector.shape_cast %swap3A_231 : vector<1x16xf32> to vector<16xf32>
        %swap3A_233 = vector.shape_cast %get3A_228 : vector<16xf32> to vector<1x16xf32>
        tpu.vector_store %arg11[%swap3A_229, %swap3A_230], %swap3A_233 {add = true, strides = array<i32>} : memref<128x128xf32, #tpu.memory_space<vmem>>, vector<1x16xf32>,
        %get3A_234 = arith.index_cast %scan3A_180 : i32 to index
        %get3A_235 = arith.constant 96 : index
        %get3A_236 = tpu.vector_load %arg10[%get3A_234, %get3A_235] {strides = array<i32>} : memref<128x128xf32, #tpu.memory_space<vmem>>, vector<1x16xf32>,
        %get3A_237 = vector.shape_cast %get3A_236 : vector<1x16xf32> to vector<16xf32>
        %swap3A_238 = arith.index_cast %scan3A_180 : i32 to index
        %swap3A_239 = arith.constant 96 : index
        %swap3A_240 = tpu.vector_load %arg11[%swap3A_238, %swap3A_239] {strides = array<i32>} : memref<128x128xf32, #tpu.memory_space<vmem>>, vector<1x16xf32>,
        %swap3A_241 = vector.shape_cast %swap3A_240 : vector<1x16xf32> to vector<16xf32>
        %swap3A_242 = vector.shape_cast %get3A_237 : vector<16xf32> to vector<1x16xf32>
        tpu.vector_store %arg11[%swap3A_238, %swap3A_239], %swap3A_242 {add = true, strides = array<i32>} : memref<128x128xf32, #tpu.memory_space<vmem>>, vector<1x16xf32>,
        %get3A_243 = arith.index_cast %scan3A_180 : i32 to index
        %get3A_244 = arith.constant 112 : index
        %get3A_245 = tpu.vector_load %arg10[%get3A_243, %get3A_244] {strides = array<i32>} : memref<128x128xf32, #tpu.memory_space<vmem>>, vector<1x16xf32>,
        %get3A_246 = vector.shape_cast %get3A_245 : vector<1x16xf32> to vector<16xf32>
        %swap3A_247 = arith.index_cast %scan3A_180 : i32 to index
        %swap3A_248 = arith.constant 112 : index
        %swap3A_249 = tpu.vector_load %arg11[%swap3A_247, %swap3A_248] {strides = array<i32>} : memref<128x128xf32, #tpu.memory_space<vmem>>, vector<1x16xf32>,
        %swap3A_250 = vector.shape_cast %swap3A_249 : vector<1x16xf32> to vector<16xf32>
        %swap3A_251 = vector.shape_cast %get3A_246 : vector<16xf32> to vector<1x16xf32>
        tpu.vector_store %arg11[%swap3A_247, %swap3A_248], %swap3A_251 {add = true, strides = array<i32>} : memref<128x128xf32, #tpu.memory_space<vmem>>, vector<1x16xf32>,
        %scan3A_252 = arith.constant 0 : i32
        scf.yield %scan3A_252 : i32
      }
      %scan3A_116 = arith.constant 128 : i32
      %dma_start3A_117 = arith.constant 7 : i32
      %dma_start3A_118 = arith.constant 0 : i32
      %dma_start3A_119 = tpu.memref_slice %arg5[%dma_start3A_117, %dma_start3A_118] : memref<16x128xi32, #tpu.memory_space<vmem>> -> memref<1x128xi32, #tpu.memory_space<vmem>>
      %dma_start3A_120 = tpu.memref_squeeze %dma_start3A_119 : memref<1x128xi32, #tpu.memory_space<vmem>> -> memref<128xi32, #tpu.memory_space<vmem>>
      %dma_start3A_121 = arith.constant 0 : i32
      %dma_start3A_122 = arith.constant 0 : i32
      %dma_start3A_123 = tpu.memref_slice %arg6[%dma_start3A_121, %dma_start3A_122] : memref<5400x128xf32, #tpu.memory_space<vmem_shared>> -> memref<5400x128xf32, #tpu.memory_space<vmem_shared>>
      tpu.enqueue_indirect_dma source(%dma_start3A_123 : memref<5400x128xf32, #tpu.memory_space<vmem_shared>>) target(%arg10 : memref<128x128xf32, #tpu.memory_space<vmem>>) offsets(%dma_start3A_120 : memref<128xi32, #tpu.memory_space<vmem>>) semaphore(%arg15 : memref<!tpu.dma_semaphore, #tpu.memory_space<semaphore_mem>>)
      %dma_wait3A_124 = arith.constant 4 : i32
      %dma_wait3A_125 = arith.constant 0 : i32
      %dma_wait3A_126 = tpu.memref_slice %arg5[%dma_wait3A_124, %dma_wait3A_125] : memref<16x128xi32, #tpu.memory_space<vmem>> -> memref<1x128xi32, #tpu.memory_space<vmem>>
      %dma_wait3A_127 = tpu.memref_squeeze %dma_wait3A_126 : memref<1x128xi32, #tpu.memory_space<vmem>> -> memref<128xi32, #tpu.memory_space<vmem>>
      %dma_wait3A_128 = arith.constant 0 : i32
      %dma_wait3A_129 = arith.constant 0 : i32
      %dma_wait3A_130 = tpu.memref_slice %arg6[%dma_wait3A_128, %dma_wait3A_129] : memref<5400x128xf32, #tpu.memory_space<vmem_shared>> -> memref<5400x128xf32, #tpu.memory_space<vmem_shared>>
      tpu.wait_indirect_dma semaphore(%arg12 : memref<!tpu.dma_semaphore, #tpu.memory_space<semaphore_mem>>) src(%dma_wait3A_130 : memref<5400x128xf32, #tpu.memory_space<vmem_shared>>) dst(%arg7 : memref<128x128xf32, #tpu.memory_space<vmem>>)
      %scan3A_131 = arith.constant 0 : i32
      %scan3A_132 = arith.constant 0 : i32
      %scan3A_133 = arith.constant 128 : i32
      %scan3A_134 = arith.addi %scan3A_132, %scan3A_133 : i32
      %scan3A_135 = arith.constant 1 : i32
      %scan3A_136 = scf.for %scan3A_180 = %scan3A_132 to %scan3A_134 step %scan3A_135 iter_args(%scan3A_181 = %scan3A_131) -> (i32)  : i32 {
        %get3A = arith.index_cast %scan3A_180 : i32 to index
        %get3A_182 = arith.constant 0 : index
        %get3A_183 = tpu.vector_load %arg7[%get3A, %get3A_182] {strides = array<i32>} : memref<128x128xf32, #tpu.memory_space<vmem>>, vector<1x16xf32>,
        %get3A_184 = vector.shape_cast %get3A_183 : vector<1x16xf32> to vector<16xf32>
        %swap3A = arith.index_cast %scan3A_180 : i32 to index
        %swap3A_185 = arith.constant 0 : index
        %swap3A_186 = tpu.vector_load %arg11[%swap3A, %swap3A_185] {strides = array<i32>} : memref<128x128xf32, #tpu.memory_space<vmem>>, vector<1x16xf32>,
        %swap3A_187 = vector.shape_cast %swap3A_186 : vector<1x16xf32> to vector<16xf32>
        %swap3A_188 = vector.shape_cast %get3A_184 : vector<16xf32> to vector<1x16xf32>
        tpu.vector_store %arg11[%swap3A, %swap3A_185], %swap3A_188 {add = true, strides = array<i32>} : memref<128x128xf32, #tpu.memory_space<vmem>>, vector<1x16xf32>,
        %get3A_189 = arith.index_cast %scan3A_180 : i32 to index
        %get3A_190 = arith.constant 16 : index
        %get3A_191 = tpu.vector_load %arg7[%get3A_189, %get3A_190] {strides = array<i32>} : memref<128x128xf32, #tpu.memory_space<vmem>>, vector<1x16xf32>,
        %get3A_192 = vector.shape_cast %get3A_191 : vector<1x16xf32> to vector<16xf32>
        %swap3A_193 = arith.index_cast %scan3A_180 : i32 to index
        %swap3A_194 = arith.constant 16 : index
        %swap3A_195 = tpu.vector_load %arg11[%swap3A_193, %swap3A_194] {strides = array<i32>} : memref<128x128xf32, #tpu.memory_space<vmem>>, vector<1x16xf32>,
        %swap3A_196 = vector.shape_cast %swap3A_195 : vector<1x16xf32> to vector<16xf32>
        %swap3A_197 = vector.shape_cast %get3A_192 : vector<16xf32> to vector<1x16xf32>
        tpu.vector_store %arg11[%swap3A_193, %swap3A_194], %swap3A_197 {add = true, strides = array<i32>} : memref<128x128xf32, #tpu.memory_space<vmem>>, vector<1x16xf32>,
        %get3A_198 = arith.index_cast %scan3A_180 : i32 to index
        %get3A_199 = arith.constant 32 : index
        %get3A_200 = tpu.vector_load %arg7[%get3A_198, %get3A_199] {strides = array<i32>} : memref<128x128xf32, #tpu.memory_space<vmem>>, vector<1x16xf32>,
        %get3A_201 = vector.shape_cast %get3A_200 : vector<1x16xf32> to vector<16xf32>
        %swap3A_202 = arith.index_cast %scan3A_180 : i32 to index
        %swap3A_203 = arith.constant 32 : index
        %swap3A_204 = tpu.vector_load %arg11[%swap3A_202, %swap3A_203] {strides = array<i32>} : memref<128x128xf32, #tpu.memory_space<vmem>>, vector<1x16xf32>,
        %swap3A_205 = vector.shape_cast %swap3A_204 : vector<1x16xf32> to vector<16xf32>
        %swap3A_206 = vector.shape_cast %get3A_201 : vector<16xf32> to vector<1x16xf32>
        tpu.vector_store %arg11[%swap3A_202, %swap3A_203], %swap3A_206 {add = true, strides = array<i32>} : memref<128x128xf32, #tpu.memory_space<vmem>>, vector<1x16xf32>,
        %get3A_207 = arith.index_cast %scan3A_180 : i32 to index
        %get3A_208 = arith.constant 48 : index
        %get3A_209 = tpu.vector_load %arg7[%get3A_207, %get3A_208] {strides = array<i32>} : memref<128x128xf32, #tpu.memory_space<vmem>>, vector<1x16xf32>,
        %get3A_210 = vector.shape_cast %get3A_209 : vector<1x16xf32> to vector<16xf32>
        %swap3A_211 = arith.index_cast %scan3A_180 : i32 to index
        %swap3A_212 = arith.constant 48 : index
        %swap3A_213 = tpu.vector_load %arg11[%swap3A_211, %swap3A_212] {strides = array<i32>} : memref<128x128xf32, #tpu.memory_space<vmem>>, vector<1x16xf32>,
        %swap3A_214 = vector.shape_cast %swap3A_213 : vector<1x16xf32> to vector<16xf32>
        %swap3A_215 = vector.shape_cast %get3A_210 : vector<16xf32> to vector<1x16xf32>
        tpu.vector_store %arg11[%swap3A_211, %swap3A_212], %swap3A_215 {add = true, strides = array<i32>} : memref<128x128xf32, #tpu.memory_space<vmem>>, vector<1x16xf32>,
        %get3A_216 = arith.index_cast %scan3A_180 : i32 to index
        %get3A_217 = arith.constant 64 : index
        %get3A_218 = tpu.vector_load %arg7[%get3A_216, %get3A_217] {strides = array<i32>} : memref<128x128xf32, #tpu.memory_space<vmem>>, vector<1x16xf32>,
        %get3A_219 = vector.shape_cast %get3A_218 : vector<1x16xf32> to vector<16xf32>
        %swap3A_220 = arith.index_cast %scan3A_180 : i32 to index
        %swap3A_221 = arith.constant 64 : index
        %swap3A_222 = tpu.vector_load %arg11[%swap3A_220, %swap3A_221] {strides = array<i32>} : memref<128x128xf32, #tpu.memory_space<vmem>>, vector<1x16xf32>,
        %swap3A_223 = vector.shape_cast %swap3A_222 : vector<1x16xf32> to vector<16xf32>
        %swap3A_224 = vector.shape_cast %get3A_219 : vector<16xf32> to vector<1x16xf32>
        tpu.vector_store %arg11[%swap3A_220, %swap3A_221], %swap3A_224 {add = true, strides = array<i32>} : memref<128x128xf32, #tpu.memory_space<vmem>>, vector<1x16xf32>,
        %get3A_225 = arith.index_cast %scan3A_180 : i32 to index
        %get3A_226 = arith.constant 80 : index
        %get3A_227 = tpu.vector_load %arg7[%get3A_225, %get3A_226] {strides = array<i32>} : memref<128x128xf32, #tpu.memory_space<vmem>>, vector<1x16xf32>,
        %get3A_228 = vector.shape_cast %get3A_227 : vector<1x16xf32> to vector<16xf32>
        %swap3A_229 = arith.index_cast %scan3A_180 : i32 to index
        %swap3A_230 = arith.constant 80 : index
        %swap3A_231 = tpu.vector_load %arg11[%swap3A_229, %swap3A_230] {strides = array<i32>} : memref<128x128xf32, #tpu.memory_space<vmem>>, vector<1x16xf32>,
        %swap3A_232 = vector.shape_cast %swap3A_231 : vector<1x16xf32> to vector<16xf32>
        %swap3A_233 = vector.shape_cast %get3A_228 : vector<16xf32> to vector<1x16xf32>
        tpu.vector_store %arg11[%swap3A_229, %swap3A_230], %swap3A_233 {add = true, strides = array<i32>} : memref<128x128xf32, #tpu.memory_space<vmem>>, vector<1x16xf32>,
        %get3A_234 = arith.index_cast %scan3A_180 : i32 to index
        %get3A_235 = arith.constant 96 : index
        %get3A_236 = tpu.vector_load %arg7[%get3A_234, %get3A_235] {strides = array<i32>} : memref<128x128xf32, #tpu.memory_space<vmem>>, vector<1x16xf32>,
        %get3A_237 = vector.shape_cast %get3A_236 : vector<1x16xf32> to vector<16xf32>
        %swap3A_238 = arith.index_cast %scan3A_180 : i32 to index
        %swap3A_239 = arith.constant 96 : index
        %swap3A_240 = tpu.vector_load %arg11[%swap3A_238, %swap3A_239] {strides = array<i32>} : memref<128x128xf32, #tpu.memory_space<vmem>>, vector<1x16xf32>,
        %swap3A_241 = vector.shape_cast %swap3A_240 : vector<1x16xf32> to vector<16xf32>
        %swap3A_242 = vector.shape_cast %get3A_237 : vector<16xf32> to vector<1x16xf32>
        tpu.vector_store %arg11[%swap3A_238, %swap3A_239], %swap3A_242 {add = true, strides = array<i32>} : memref<128x128xf32, #tpu.memory_space<vmem>>, vector<1x16xf32>,
        %get3A_243 = arith.index_cast %scan3A_180 : i32 to index
        %get3A_244 = arith.constant 112 : index
        %get3A_245 = tpu.vector_load %arg7[%get3A_243, %get3A_244] {strides = array<i32>} : memref<128x128xf32, #tpu.memory_space<vmem>>, vector<1x16xf32>,
        %get3A_246 = vector.shape_cast %get3A_245 : vector<1x16xf32> to vector<16xf32>
        %swap3A_247 = arith.index_cast %scan3A_180 : i32 to index
        %swap3A_248 = arith.constant 112 : index
        %swap3A_249 = tpu.vector_load %arg11[%swap3A_247, %swap3A_248] {strides = array<i32>} : memref<128x128xf32, #tpu.memory_space<vmem>>, vector<1x16xf32>,
        %swap3A_250 = vector.shape_cast %swap3A_249 : vector<1x16xf32> to vector<16xf32>
        %swap3A_251 = vector.shape_cast %get3A_246 : vector<16xf32> to vector<1x16xf32>
        tpu.vector_store %arg11[%swap3A_247, %swap3A_248], %swap3A_251 {add = true, strides = array<i32>} : memref<128x128xf32, #tpu.memory_space<vmem>>, vector<1x16xf32>,
        %scan3A_252 = arith.constant 0 : i32
        scf.yield %scan3A_252 : i32
      }
      %scan3A_137 = arith.constant 128 : i32
      %dma_wait3A_138 = arith.constant 5 : i32
      %dma_wait3A_139 = arith.constant 0 : i32
      %dma_wait3A_140 = tpu.memref_slice %arg5[%dma_wait3A_138, %dma_wait3A_139] : memref<16x128xi32, #tpu.memory_space<vmem>> -> memref<1x128xi32, #tpu.memory_space<vmem>>
      %dma_wait3A_141 = tpu.memref_squeeze %dma_wait3A_140 : memref<1x128xi32, #tpu.memory_space<vmem>> -> memref<128xi32, #tpu.memory_space<vmem>>
      %dma_wait3A_142 = arith.constant 0 : i32
      %dma_wait3A_143 = arith.constant 0 : i32
      %dma_wait3A_144 = tpu.memref_slice %arg6[%dma_wait3A_142, %dma_wait3A_143] : memref<5400x128xf32, #tpu.memory_space<vmem_shared>> -> memref<5400x128xf32, #tpu.memory_space<vmem_shared>>
      tpu.wait_indirect_dma semaphore(%arg13 : memref<!tpu.dma_semaphore, #tpu.memory_space<semaphore_mem>>) src(%dma_wait3A_144 : memref<5400x128xf32, #tpu.memory_space<vmem_shared>>) dst(%arg8 : memref<128x128xf32, #tpu.memory_space<vmem>>)
      %scan3A_145 = arith.constant 0 : i32
      %scan3A_146 = arith.constant 0 : i32
      %scan3A_147 = arith.constant 128 : i32
      %scan3A_148 = arith.addi %scan3A_146, %scan3A_147 : i32
      %scan3A_149 = arith.constant 1 : i32
      %scan3A_150 = scf.for %scan3A_180 = %scan3A_146 to %scan3A_148 step %scan3A_149 iter_args(%scan3A_181 = %scan3A_145) -> (i32)  : i32 {
        %get3A = arith.index_cast %scan3A_180 : i32 to index
        %get3A_182 = arith.constant 0 : index
        %get3A_183 = tpu.vector_load %arg8[%get3A, %get3A_182] {strides = array<i32>} : memref<128x128xf32, #tpu.memory_space<vmem>>, vector<1x16xf32>,
        %get3A_184 = vector.shape_cast %get3A_183 : vector<1x16xf32> to vector<16xf32>
        %swap3A = arith.index_cast %scan3A_180 : i32 to index
        %swap3A_185 = arith.constant 0 : index
        %swap3A_186 = tpu.vector_load %arg11[%swap3A, %swap3A_185] {strides = array<i32>} : memref<128x128xf32, #tpu.memory_space<vmem>>, vector<1x16xf32>,
        %swap3A_187 = vector.shape_cast %swap3A_186 : vector<1x16xf32> to vector<16xf32>
        %swap3A_188 = vector.shape_cast %get3A_184 : vector<16xf32> to vector<1x16xf32>
        tpu.vector_store %arg11[%swap3A, %swap3A_185], %swap3A_188 {add = true, strides = array<i32>} : memref<128x128xf32, #tpu.memory_space<vmem>>, vector<1x16xf32>,
        %get3A_189 = arith.index_cast %scan3A_180 : i32 to index
        %get3A_190 = arith.constant 16 : index
        %get3A_191 = tpu.vector_load %arg8[%get3A_189, %get3A_190] {strides = array<i32>} : memref<128x128xf32, #tpu.memory_space<vmem>>, vector<1x16xf32>,
        %get3A_192 = vector.shape_cast %get3A_191 : vector<1x16xf32> to vector<16xf32>
        %swap3A_193 = arith.index_cast %scan3A_180 : i32 to index
        %swap3A_194 = arith.constant 16 : index
        %swap3A_195 = tpu.vector_load %arg11[%swap3A_193, %swap3A_194] {strides = array<i32>} : memref<128x128xf32, #tpu.memory_space<vmem>>, vector<1x16xf32>,
        %swap3A_196 = vector.shape_cast %swap3A_195 : vector<1x16xf32> to vector<16xf32>
        %swap3A_197 = vector.shape_cast %get3A_192 : vector<16xf32> to vector<1x16xf32>
        tpu.vector_store %arg11[%swap3A_193, %swap3A_194], %swap3A_197 {add = true, strides = array<i32>} : memref<128x128xf32, #tpu.memory_space<vmem>>, vector<1x16xf32>,
        %get3A_198 = arith.index_cast %scan3A_180 : i32 to index
        %get3A_199 = arith.constant 32 : index
        %get3A_200 = tpu.vector_load %arg8[%get3A_198, %get3A_199] {strides = array<i32>} : memref<128x128xf32, #tpu.memory_space<vmem>>, vector<1x16xf32>,
        %get3A_201 = vector.shape_cast %get3A_200 : vector<1x16xf32> to vector<16xf32>
        %swap3A_202 = arith.index_cast %scan3A_180 : i32 to index
        %swap3A_203 = arith.constant 32 : index
        %swap3A_204 = tpu.vector_load %arg11[%swap3A_202, %swap3A_203] {strides = array<i32>} : memref<128x128xf32, #tpu.memory_space<vmem>>, vector<1x16xf32>,
        %swap3A_205 = vector.shape_cast %swap3A_204 : vector<1x16xf32> to vector<16xf32>
        %swap3A_206 = vector.shape_cast %get3A_201 : vector<16xf32> to vector<1x16xf32>
        tpu.vector_store %arg11[%swap3A_202, %swap3A_203], %swap3A_206 {add = true, strides = array<i32>} : memref<128x128xf32, #tpu.memory_space<vmem>>, vector<1x16xf32>,
        %get3A_207 = arith.index_cast %scan3A_180 : i32 to index
        %get3A_208 = arith.constant 48 : index
        %get3A_209 = tpu.vector_load %arg8[%get3A_207, %get3A_208] {strides = array<i32>} : memref<128x128xf32, #tpu.memory_space<vmem>>, vector<1x16xf32>,
        %get3A_210 = vector.shape_cast %get3A_209 : vector<1x16xf32> to vector<16xf32>
        %swap3A_211 = arith.index_cast %scan3A_180 : i32 to index
        %swap3A_212 = arith.constant 48 : index
        %swap3A_213 = tpu.vector_load %arg11[%swap3A_211, %swap3A_212] {strides = array<i32>} : memref<128x128xf32, #tpu.memory_space<vmem>>, vector<1x16xf32>,
        %swap3A_214 = vector.shape_cast %swap3A_213 : vector<1x16xf32> to vector<16xf32>
        %swap3A_215 = vector.shape_cast %get3A_210 : vector<16xf32> to vector<1x16xf32>
        tpu.vector_store %arg11[%swap3A_211, %swap3A_212], %swap3A_215 {add = true, strides = array<i32>} : memref<128x128xf32, #tpu.memory_space<vmem>>, vector<1x16xf32>,
        %get3A_216 = arith.index_cast %scan3A_180 : i32 to index
        %get3A_217 = arith.constant 64 : index
        %get3A_218 = tpu.vector_load %arg8[%get3A_216, %get3A_217] {strides = array<i32>} : memref<128x128xf32, #tpu.memory_space<vmem>>, vector<1x16xf32>,
        %get3A_219 = vector.shape_cast %get3A_218 : vector<1x16xf32> to vector<16xf32>
        %swap3A_220 = arith.index_cast %scan3A_180 : i32 to index
        %swap3A_221 = arith.constant 64 : index
        %swap3A_222 = tpu.vector_load %arg11[%swap3A_220, %swap3A_221] {strides = array<i32>} : memref<128x128xf32, #tpu.memory_space<vmem>>, vector<1x16xf32>,
        %swap3A_223 = vector.shape_cast %swap3A_222 : vector<1x16xf32> to vector<16xf32>
        %swap3A_224 = vector.shape_cast %get3A_219 : vector<16xf32> to vector<1x16xf32>
        tpu.vector_store %arg11[%swap3A_220, %swap3A_221], %swap3A_224 {add = true, strides = array<i32>} : memref<128x128xf32, #tpu.memory_space<vmem>>, vector<1x16xf32>,
        %get3A_225 = arith.index_cast %scan3A_180 : i32 to index
        %get3A_226 = arith.constant 80 : index
        %get3A_227 = tpu.vector_load %arg8[%get3A_225, %get3A_226] {strides = array<i32>} : memref<128x128xf32, #tpu.memory_space<vmem>>, vector<1x16xf32>,
        %get3A_228 = vector.shape_cast %get3A_227 : vector<1x16xf32> to vector<16xf32>
        %swap3A_229 = arith.index_cast %scan3A_180 : i32 to index
        %swap3A_230 = arith.constant 80 : index
        %swap3A_231 = tpu.vector_load %arg11[%swap3A_229, %swap3A_230] {strides = array<i32>} : memref<128x128xf32, #tpu.memory_space<vmem>>, vector<1x16xf32>,
        %swap3A_232 = vector.shape_cast %swap3A_231 : vector<1x16xf32> to vector<16xf32>
        %swap3A_233 = vector.shape_cast %get3A_228 : vector<16xf32> to vector<1x16xf32>
        tpu.vector_store %arg11[%swap3A_229, %swap3A_230], %swap3A_233 {add = true, strides = array<i32>} : memref<128x128xf32, #tpu.memory_space<vmem>>, vector<1x16xf32>,
        %get3A_234 = arith.index_cast %scan3A_180 : i32 to index
        %get3A_235 = arith.constant 96 : index
        %get3A_236 = tpu.vector_load %arg8[%get3A_234, %get3A_235] {strides = array<i32>} : memref<128x128xf32, #tpu.memory_space<vmem>>, vector<1x16xf32>,
        %get3A_237 = vector.shape_cast %get3A_236 : vector<1x16xf32> to vector<16xf32>
        %swap3A_238 = arith.index_cast %scan3A_180 : i32 to index
        %swap3A_239 = arith.constant 96 : index
        %swap3A_240 = tpu.vector_load %arg11[%swap3A_238, %swap3A_239] {strides = array<i32>} : memref<128x128xf32, #tpu.memory_space<vmem>>, vector<1x16xf32>,
        %swap3A_241 = vector.shape_cast %swap3A_240 : vector<1x16xf32> to vector<16xf32>
        %swap3A_242 = vector.shape_cast %get3A_237 : vector<16xf32> to vector<1x16xf32>
        tpu.vector_store %arg11[%swap3A_238, %swap3A_239], %swap3A_242 {add = true, strides = array<i32>} : memref<128x128xf32, #tpu.memory_space<vmem>>, vector<1x16xf32>,
        %get3A_243 = arith.index_cast %scan3A_180 : i32 to index
        %get3A_244 = arith.constant 112 : index
        %get3A_245 = tpu.vector_load %arg8[%get3A_243, %get3A_244] {strides = array<i32>} : memref<128x128xf32, #tpu.memory_space<vmem>>, vector<1x16xf32>,
        %get3A_246 = vector.shape_cast %get3A_245 : vector<1x16xf32> to vector<16xf32>
        %swap3A_247 = arith.index_cast %scan3A_180 : i32 to index
        %swap3A_248 = arith.constant 112 : index
        %swap3A_249 = tpu.vector_load %arg11[%swap3A_247, %swap3A_248] {strides = array<i32>} : memref<128x128xf32, #tpu.memory_space<vmem>>, vector<1x16xf32>,
        %swap3A_250 = vector.shape_cast %swap3A_249 : vector<1x16xf32> to vector<16xf32>
        %swap3A_251 = vector.shape_cast %get3A_246 : vector<16xf32> to vector<1x16xf32>
        tpu.vector_store %arg11[%swap3A_247, %swap3A_248], %swap3A_251 {add = true, strides = array<i32>} : memref<128x128xf32, #tpu.memory_space<vmem>>, vector<1x16xf32>,
        %scan3A_252 = arith.constant 0 : i32
        scf.yield %scan3A_252 : i32
      }
      %scan3A_151 = arith.constant 128 : i32
      %dma_wait3A_152 = arith.constant 6 : i32
      %dma_wait3A_153 = arith.constant 0 : i32
      %dma_wait3A_154 = tpu.memref_slice %arg5[%dma_wait3A_152, %dma_wait3A_153] : memref<16x128xi32, #tpu.memory_space<vmem>> -> memref<1x128xi32, #tpu.memory_space<vmem>>
      %dma_wait3A_155 = tpu.memref_squeeze %dma_wait3A_154 : memref<1x128xi32, #tpu.memory_space<vmem>> -> memref<128xi32, #tpu.memory_space<vmem>>
      %dma_wait3A_156 = arith.constant 0 : i32
      %dma_wait3A_157 = arith.constant 0 : i32
      %dma_wait3A_158 = tpu.memref_slice %arg6[%dma_wait3A_156, %dma_wait3A_157] : memref<5400x128xf32, #tpu.memory_space<vmem_shared>> -> memref<5400x128xf32, #tpu.memory_space<vmem_shared>>
      tpu.wait_indirect_dma semaphore(%arg14 : memref<!tpu.dma_semaphore, #tpu.memory_space<semaphore_mem>>) src(%dma_wait3A_158 : memref<5400x128xf32, #tpu.memory_space<vmem_shared>>) dst(%arg9 : memref<128x128xf32, #tpu.memory_space<vmem>>)
      %scan3A_159 = arith.constant 0 : i32
      %scan3A_160 = arith.constant 0 : i32
      %scan3A_161 = arith.constant 128 : i32
      %scan3A_162 = arith.addi %scan3A_160, %scan3A_161 : i32
      %scan3A_163 = arith.constant 1 : i32
      %scan3A_164 = scf.for %scan3A_180 = %scan3A_160 to %scan3A_162 step %scan3A_163 iter_args(%scan3A_181 = %scan3A_159) -> (i32)  : i32 {
        %get3A = arith.index_cast %scan3A_180 : i32 to index
        %get3A_182 = arith.constant 0 : index
        %get3A_183 = tpu.vector_load %arg9[%get3A, %get3A_182] {strides = array<i32>} : memref<128x128xf32, #tpu.memory_space<vmem>>, vector<1x16xf32>,
        %get3A_184 = vector.shape_cast %get3A_183 : vector<1x16xf32> to vector<16xf32>
        %swap3A = arith.index_cast %scan3A_180 : i32 to index
        %swap3A_185 = arith.constant 0 : index
        %swap3A_186 = tpu.vector_load %arg11[%swap3A, %swap3A_185] {strides = array<i32>} : memref<128x128xf32, #tpu.memory_space<vmem>>, vector<1x16xf32>,
        %swap3A_187 = vector.shape_cast %swap3A_186 : vector<1x16xf32> to vector<16xf32>
        %swap3A_188 = vector.shape_cast %get3A_184 : vector<16xf32> to vector<1x16xf32>
        tpu.vector_store %arg11[%swap3A, %swap3A_185], %swap3A_188 {add = true, strides = array<i32>} : memref<128x128xf32, #tpu.memory_space<vmem>>, vector<1x16xf32>,
        %get3A_189 = arith.index_cast %scan3A_180 : i32 to index
        %get3A_190 = arith.constant 16 : index
        %get3A_191 = tpu.vector_load %arg9[%get3A_189, %get3A_190] {strides = array<i32>} : memref<128x128xf32, #tpu.memory_space<vmem>>, vector<1x16xf32>,
        %get3A_192 = vector.shape_cast %get3A_191 : vector<1x16xf32> to vector<16xf32>
        %swap3A_193 = arith.index_cast %scan3A_180 : i32 to index
        %swap3A_194 = arith.constant 16 : index
        %swap3A_195 = tpu.vector_load %arg11[%swap3A_193, %swap3A_194] {strides = array<i32>} : memref<128x128xf32, #tpu.memory_space<vmem>>, vector<1x16xf32>,
        %swap3A_196 = vector.shape_cast %swap3A_195 : vector<1x16xf32> to vector<16xf32>
        %swap3A_197 = vector.shape_cast %get3A_192 : vector<16xf32> to vector<1x16xf32>
        tpu.vector_store %arg11[%swap3A_193, %swap3A_194], %swap3A_197 {add = true, strides = array<i32>} : memref<128x128xf32, #tpu.memory_space<vmem>>, vector<1x16xf32>,
        %get3A_198 = arith.index_cast %scan3A_180 : i32 to index
        %get3A_199 = arith.constant 32 : index
        %get3A_200 = tpu.vector_load %arg9[%get3A_198, %get3A_199] {strides = array<i32>} : memref<128x128xf32, #tpu.memory_space<vmem>>, vector<1x16xf32>,
        %get3A_201 = vector.shape_cast %get3A_200 : vector<1x16xf32> to vector<16xf32>
        %swap3A_202 = arith.index_cast %scan3A_180 : i32 to index
        %swap3A_203 = arith.constant 32 : index
        %swap3A_204 = tpu.vector_load %arg11[%swap3A_202, %swap3A_203] {strides = array<i32>} : memref<128x128xf32, #tpu.memory_space<vmem>>, vector<1x16xf32>,
        %swap3A_205 = vector.shape_cast %swap3A_204 : vector<1x16xf32> to vector<16xf32>
        %swap3A_206 = vector.shape_cast %get3A_201 : vector<16xf32> to vector<1x16xf32>
        tpu.vector_store %arg11[%swap3A_202, %swap3A_203], %swap3A_206 {add = true, strides = array<i32>} : memref<128x128xf32, #tpu.memory_space<vmem>>, vector<1x16xf32>,
        %get3A_207 = arith.index_cast %scan3A_180 : i32 to index
        %get3A_208 = arith.constant 48 : index
        %get3A_209 = tpu.vector_load %arg9[%get3A_207, %get3A_208] {strides = array<i32>} : memref<128x128xf32, #tpu.memory_space<vmem>>, vector<1x16xf32>,
        %get3A_210 = vector.shape_cast %get3A_209 : vector<1x16xf32> to vector<16xf32>
        %swap3A_211 = arith.index_cast %scan3A_180 : i32 to index
        %swap3A_212 = arith.constant 48 : index
        %swap3A_213 = tpu.vector_load %arg11[%swap3A_211, %swap3A_212] {strides = array<i32>} : memref<128x128xf32, #tpu.memory_space<vmem>>, vector<1x16xf32>,
        %swap3A_214 = vector.shape_cast %swap3A_213 : vector<1x16xf32> to vector<16xf32>
        %swap3A_215 = vector.shape_cast %get3A_210 : vector<16xf32> to vector<1x16xf32>
        tpu.vector_store %arg11[%swap3A_211, %swap3A_212], %swap3A_215 {add = true, strides = array<i32>} : memref<128x128xf32, #tpu.memory_space<vmem>>, vector<1x16xf32>,
        %get3A_216 = arith.index_cast %scan3A_180 : i32 to index
        %get3A_217 = arith.constant 64 : index
        %get3A_218 = tpu.vector_load %arg9[%get3A_216, %get3A_217] {strides = array<i32>} : memref<128x128xf32, #tpu.memory_space<vmem>>, vector<1x16xf32>,
        %get3A_219 = vector.shape_cast %get3A_218 : vector<1x16xf32> to vector<16xf32>
        %swap3A_220 = arith.index_cast %scan3A_180 : i32 to index
        %swap3A_221 = arith.constant 64 : index
        %swap3A_222 = tpu.vector_load %arg11[%swap3A_220, %swap3A_221] {strides = array<i32>} : memref<128x128xf32, #tpu.memory_space<vmem>>, vector<1x16xf32>,
        %swap3A_223 = vector.shape_cast %swap3A_222 : vector<1x16xf32> to vector<16xf32>
        %swap3A_224 = vector.shape_cast %get3A_219 : vector<16xf32> to vector<1x16xf32>
        tpu.vector_store %arg11[%swap3A_220, %swap3A_221], %swap3A_224 {add = true, strides = array<i32>} : memref<128x128xf32, #tpu.memory_space<vmem>>, vector<1x16xf32>,
        %get3A_225 = arith.index_cast %scan3A_180 : i32 to index
        %get3A_226 = arith.constant 80 : index
        %get3A_227 = tpu.vector_load %arg9[%get3A_225, %get3A_226] {strides = array<i32>} : memref<128x128xf32, #tpu.memory_space<vmem>>, vector<1x16xf32>,
        %get3A_228 = vector.shape_cast %get3A_227 : vector<1x16xf32> to vector<16xf32>
        %swap3A_229 = arith.index_cast %scan3A_180 : i32 to index
        %swap3A_230 = arith.constant 80 : index
        %swap3A_231 = tpu.vector_load %arg11[%swap3A_229, %swap3A_230] {strides = array<i32>} : memref<128x128xf32, #tpu.memory_space<vmem>>, vector<1x16xf32>,
        %swap3A_232 = vector.shape_cast %swap3A_231 : vector<1x16xf32> to vector<16xf32>
        %swap3A_233 = vector.shape_cast %get3A_228 : vector<16xf32> to vector<1x16xf32>
        tpu.vector_store %arg11[%swap3A_229, %swap3A_230], %swap3A_233 {add = true, strides = array<i32>} : memref<128x128xf32, #tpu.memory_space<vmem>>, vector<1x16xf32>,
        %get3A_234 = arith.index_cast %scan3A_180 : i32 to index
        %get3A_235 = arith.constant 96 : index
        %get3A_236 = tpu.vector_load %arg9[%get3A_234, %get3A_235] {strides = array<i32>} : memref<128x128xf32, #tpu.memory_space<vmem>>, vector<1x16xf32>,
        %get3A_237 = vector.shape_cast %get3A_236 : vector<1x16xf32> to vector<16xf32>
        %swap3A_238 = arith.index_cast %scan3A_180 : i32 to index
        %swap3A_239 = arith.constant 96 : index
        %swap3A_240 = tpu.vector_load %arg11[%swap3A_238, %swap3A_239] {strides = array<i32>} : memref<128x128xf32, #tpu.memory_space<vmem>>, vector<1x16xf32>,
        %swap3A_241 = vector.shape_cast %swap3A_240 : vector<1x16xf32> to vector<16xf32>
        %swap3A_242 = vector.shape_cast %get3A_237 : vector<16xf32> to vector<1x16xf32>
        tpu.vector_store %arg11[%swap3A_238, %swap3A_239], %swap3A_242 {add = true, strides = array<i32>} : memref<128x128xf32, #tpu.memory_space<vmem>>, vector<1x16xf32>,
        %get3A_243 = arith.index_cast %scan3A_180 : i32 to index
        %get3A_244 = arith.constant 112 : index
        %get3A_245 = tpu.vector_load %arg9[%get3A_243, %get3A_244] {strides = array<i32>} : memref<128x128xf32, #tpu.memory_space<vmem>>, vector<1x16xf32>,
        %get3A_246 = vector.shape_cast %get3A_245 : vector<1x16xf32> to vector<16xf32>
        %swap3A_247 = arith.index_cast %scan3A_180 : i32 to index
        %swap3A_248 = arith.constant 112 : index
        %swap3A_249 = tpu.vector_load %arg11[%swap3A_247, %swap3A_248] {strides = array<i32>} : memref<128x128xf32, #tpu.memory_space<vmem>>, vector<1x16xf32>,
        %swap3A_250 = vector.shape_cast %swap3A_249 : vector<1x16xf32> to vector<16xf32>
        %swap3A_251 = vector.shape_cast %get3A_246 : vector<16xf32> to vector<1x16xf32>
        tpu.vector_store %arg11[%swap3A_247, %swap3A_248], %swap3A_251 {add = true, strides = array<i32>} : memref<128x128xf32, #tpu.memory_space<vmem>>, vector<1x16xf32>,
        %scan3A_252 = arith.constant 0 : i32
        scf.yield %scan3A_252 : i32
      }
      %scan3A_165 = arith.constant 128 : i32
      %dma_wait3A_166 = arith.constant 7 : i32
      %dma_wait3A_167 = arith.constant 0 : i32
      %dma_wait3A_168 = tpu.memref_slice %arg5[%dma_wait3A_166, %dma_wait3A_167] : memref<16x128xi32, #tpu.memory_space<vmem>> -> memref<1x128xi32, #tpu.memory_space<vmem>>
      %dma_wait3A_169 = tpu.memref_squeeze %dma_wait3A_168 : memref<1x128xi32, #tpu.memory_space<vmem>> -> memref<128xi32, #tpu.memory_space<vmem>>
      %dma_wait3A_170 = arith.constant 0 : i32
      %dma_wait3A_171 = arith.constant 0 : i32
      %dma_wait3A_172 = tpu.memref_slice %arg6[%dma_wait3A_170, %dma_wait3A_171] : memref<5400x128xf32, #tpu.memory_space<vmem_shared>> -> memref<5400x128xf32, #tpu.memory_space<vmem_shared>>
      tpu.wait_indirect_dma semaphore(%arg15 : memref<!tpu.dma_semaphore, #tpu.memory_space<semaphore_mem>>) src(%dma_wait3A_172 : memref<5400x128xf32, #tpu.memory_space<vmem_shared>>) dst(%arg10 : memref<128x128xf32, #tpu.memory_space<vmem>>)
      %scan3A_173 = arith.constant 0 : i32
      %scan3A_174 = arith.constant 0 : i32
      %scan3A_175 = arith.constant 128 : i32
      %scan3A_176 = arith.addi %scan3A_174, %scan3A_175 : i32
      %scan3A_177 = arith.constant 1 : i32
      %scan3A_178 = scf.for %scan3A_180 = %scan3A_174 to %scan3A_176 step %scan3A_177 iter_args(%scan3A_181 = %scan3A_173) -> (i32)  : i32 {
        %get3A = arith.index_cast %scan3A_180 : i32 to index
        %get3A_182 = arith.constant 0 : index
        %get3A_183 = tpu.vector_load %arg10[%get3A, %get3A_182] {strides = array<i32>} : memref<128x128xf32, #tpu.memory_space<vmem>>, vector<1x16xf32>,
        %get3A_184 = vector.shape_cast %get3A_183 : vector<1x16xf32> to vector<16xf32>
        %swap3A = arith.index_cast %scan3A_180 : i32 to index
        %swap3A_185 = arith.constant 0 : index
        %swap3A_186 = tpu.vector_load %arg11[%swap3A, %swap3A_185] {strides = array<i32>} : memref<128x128xf32, #tpu.memory_space<vmem>>, vector<1x16xf32>,
        %swap3A_187 = vector.shape_cast %swap3A_186 : vector<1x16xf32> to vector<16xf32>
        %swap3A_188 = vector.shape_cast %get3A_184 : vector<16xf32> to vector<1x16xf32>
        tpu.vector_store %arg11[%swap3A, %swap3A_185], %swap3A_188 {add = true, strides = array<i32>} : memref<128x128xf32, #tpu.memory_space<vmem>>, vector<1x16xf32>,
        %get3A_189 = arith.index_cast %scan3A_180 : i32 to index
        %get3A_190 = arith.constant 16 : index
        %get3A_191 = tpu.vector_load %arg10[%get3A_189, %get3A_190] {strides = array<i32>} : memref<128x128xf32, #tpu.memory_space<vmem>>, vector<1x16xf32>,
        %get3A_192 = vector.shape_cast %get3A_191 : vector<1x16xf32> to vector<16xf32>
        %swap3A_193 = arith.index_cast %scan3A_180 : i32 to index
        %swap3A_194 = arith.constant 16 : index
        %swap3A_195 = tpu.vector_load %arg11[%swap3A_193, %swap3A_194] {strides = array<i32>} : memref<128x128xf32, #tpu.memory_space<vmem>>, vector<1x16xf32>,
        %swap3A_196 = vector.shape_cast %swap3A_195 : vector<1x16xf32> to vector<16xf32>
        %swap3A_197 = vector.shape_cast %get3A_192 : vector<16xf32> to vector<1x16xf32>
        tpu.vector_store %arg11[%swap3A_193, %swap3A_194], %swap3A_197 {add = true, strides = array<i32>} : memref<128x128xf32, #tpu.memory_space<vmem>>, vector<1x16xf32>,
        %get3A_198 = arith.index_cast %scan3A_180 : i32 to index
        %get3A_199 = arith.constant 32 : index
        %get3A_200 = tpu.vector_load %arg10[%get3A_198, %get3A_199] {strides = array<i32>} : memref<128x128xf32, #tpu.memory_space<vmem>>, vector<1x16xf32>,
        %get3A_201 = vector.shape_cast %get3A_200 : vector<1x16xf32> to vector<16xf32>
        %swap3A_202 = arith.index_cast %scan3A_180 : i32 to index
        %swap3A_203 = arith.constant 32 : index
        %swap3A_204 = tpu.vector_load %arg11[%swap3A_202, %swap3A_203] {strides = array<i32>} : memref<128x128xf32, #tpu.memory_space<vmem>>, vector<1x16xf32>,
        %swap3A_205 = vector.shape_cast %swap3A_204 : vector<1x16xf32> to vector<16xf32>
        %swap3A_206 = vector.shape_cast %get3A_201 : vector<16xf32> to vector<1x16xf32>
        tpu.vector_store %arg11[%swap3A_202, %swap3A_203], %swap3A_206 {add = true, strides = array<i32>} : memref<128x128xf32, #tpu.memory_space<vmem>>, vector<1x16xf32>,
        %get3A_207 = arith.index_cast %scan3A_180 : i32 to index
        %get3A_208 = arith.constant 48 : index
        %get3A_209 = tpu.vector_load %arg10[%get3A_207, %get3A_208] {strides = array<i32>} : memref<128x128xf32, #tpu.memory_space<vmem>>, vector<1x16xf32>,
        %get3A_210 = vector.shape_cast %get3A_209 : vector<1x16xf32> to vector<16xf32>
        %swap3A_211 = arith.index_cast %scan3A_180 : i32 to index
        %swap3A_212 = arith.constant 48 : index
        %swap3A_213 = tpu.vector_load %arg11[%swap3A_211, %swap3A_212] {strides = array<i32>} : memref<128x128xf32, #tpu.memory_space<vmem>>, vector<1x16xf32>,
        %swap3A_214 = vector.shape_cast %swap3A_213 : vector<1x16xf32> to vector<16xf32>
        %swap3A_215 = vector.shape_cast %get3A_210 : vector<16xf32> to vector<1x16xf32>
        tpu.vector_store %arg11[%swap3A_211, %swap3A_212], %swap3A_215 {add = true, strides = array<i32>} : memref<128x128xf32, #tpu.memory_space<vmem>>, vector<1x16xf32>,
        %get3A_216 = arith.index_cast %scan3A_180 : i32 to index
        %get3A_217 = arith.constant 64 : index
        %get3A_218 = tpu.vector_load %arg10[%get3A_216, %get3A_217] {strides = array<i32>} : memref<128x128xf32, #tpu.memory_space<vmem>>, vector<1x16xf32>,
        %get3A_219 = vector.shape_cast %get3A_218 : vector<1x16xf32> to vector<16xf32>
        %swap3A_220 = arith.index_cast %scan3A_180 : i32 to index
        %swap3A_221 = arith.constant 64 : index
        %swap3A_222 = tpu.vector_load %arg11[%swap3A_220, %swap3A_221] {strides = array<i32>} : memref<128x128xf32, #tpu.memory_space<vmem>>, vector<1x16xf32>,
        %swap3A_223 = vector.shape_cast %swap3A_222 : vector<1x16xf32> to vector<16xf32>
        %swap3A_224 = vector.shape_cast %get3A_219 : vector<16xf32> to vector<1x16xf32>
        tpu.vector_store %arg11[%swap3A_220, %swap3A_221], %swap3A_224 {add = true, strides = array<i32>} : memref<128x128xf32, #tpu.memory_space<vmem>>, vector<1x16xf32>,
        %get3A_225 = arith.index_cast %scan3A_180 : i32 to index
        %get3A_226 = arith.constant 80 : index
        %get3A_227 = tpu.vector_load %arg10[%get3A_225, %get3A_226] {strides = array<i32>} : memref<128x128xf32, #tpu.memory_space<vmem>>, vector<1x16xf32>,
        %get3A_228 = vector.shape_cast %get3A_227 : vector<1x16xf32> to vector<16xf32>
        %swap3A_229 = arith.index_cast %scan3A_180 : i32 to index
        %swap3A_230 = arith.constant 80 : index
        %swap3A_231 = tpu.vector_load %arg11[%swap3A_229, %swap3A_230] {strides = array<i32>} : memref<128x128xf32, #tpu.memory_space<vmem>>, vector<1x16xf32>,
        %swap3A_232 = vector.shape_cast %swap3A_231 : vector<1x16xf32> to vector<16xf32>
        %swap3A_233 = vector.shape_cast %get3A_228 : vector<16xf32> to vector<1x16xf32>
        tpu.vector_store %arg11[%swap3A_229, %swap3A_230], %swap3A_233 {add = true, strides = array<i32>} : memref<128x128xf32, #tpu.memory_space<vmem>>, vector<1x16xf32>,
        %get3A_234 = arith.index_cast %scan3A_180 : i32 to index
        %get3A_235 = arith.constant 96 : index
        %get3A_236 = tpu.vector_load %arg10[%get3A_234, %get3A_235] {strides = array<i32>} : memref<128x128xf32, #tpu.memory_space<vmem>>, vector<1x16xf32>,
        %get3A_237 = vector.shape_cast %get3A_236 : vector<1x16xf32> to vector<16xf32>
        %swap3A_238 = arith.index_cast %scan3A_180 : i32 to index
        %swap3A_239 = arith.constant 96 : index
        %swap3A_240 = tpu.vector_load %arg11[%swap3A_238, %swap3A_239] {strides = array<i32>} : memref<128x128xf32, #tpu.memory_space<vmem>>, vector<1x16xf32>,
        %swap3A_241 = vector.shape_cast %swap3A_240 : vector<1x16xf32> to vector<16xf32>
        %swap3A_242 = vector.shape_cast %get3A_237 : vector<16xf32> to vector<1x16xf32>
        tpu.vector_store %arg11[%swap3A_238, %swap3A_239], %swap3A_242 {add = true, strides = array<i32>} : memref<128x128xf32, #tpu.memory_space<vmem>>, vector<1x16xf32>,
        %get3A_243 = arith.index_cast %scan3A_180 : i32 to index
        %get3A_244 = arith.constant 112 : index
        %get3A_245 = tpu.vector_load %arg10[%get3A_243, %get3A_244] {strides = array<i32>} : memref<128x128xf32, #tpu.memory_space<vmem>>, vector<1x16xf32>,
        %get3A_246 = vector.shape_cast %get3A_245 : vector<1x16xf32> to vector<16xf32>
        %swap3A_247 = arith.index_cast %scan3A_180 : i32 to index
        %swap3A_248 = arith.constant 112 : index
        %swap3A_249 = tpu.vector_load %arg11[%swap3A_247, %swap3A_248] {strides = array<i32>} : memref<128x128xf32, #tpu.memory_space<vmem>>, vector<1x16xf32>,
        %swap3A_250 = vector.shape_cast %swap3A_249 : vector<1x16xf32> to vector<16xf32>
        %swap3A_251 = vector.shape_cast %get3A_246 : vector<16xf32> to vector<1x16xf32>
        tpu.vector_store %arg11[%swap3A_247, %swap3A_248], %swap3A_251 {add = true, strides = array<i32>} : memref<128x128xf32, #tpu.memory_space<vmem>>, vector<1x16xf32>,
        %scan3A_252 = arith.constant 0 : i32
        scf.yield %scan3A_252 : i32
      }
      %scan3A_179 = arith.constant 128 : i32
      "tpu.region"() ({
        %run_scoped3A = tpu.sem_alloc : memref<!tpu.dma_semaphore, #tpu.memory_space<semaphore_mem>>
        %dma_start3A_180 = arith.constant 0 : i32
        %dma_start3A_181 = tpu.memref_slice %arg4[%mul3A_13, %dma_start3A_180] : memref<147456x128xf32, #tpu.memory_space<hbm>> -> memref<128x128xf32, #tpu.memory_space<hbm>>
        %dma_start3A_182 = arith.constant 0 : i32
        %dma_start3A_183 = tpu.memref_slice %arg4[%mul3A_13, %dma_start3A_182] : memref<147456x128xf32, #tpu.memory_space<hbm>> -> memref<128x128xf32, #tpu.memory_space<hbm>>
        tpu.enqueue_dma source(%arg11 : memref<128x128xf32, #tpu.memory_space<vmem>>) target(%dma_start3A_183 : memref<128x128xf32, #tpu.memory_space<hbm>>) target_semaphore(%run_scoped3A : memref<!tpu.dma_semaphore, #tpu.memory_space<semaphore_mem>>)
        %dma_wait3A_184 = arith.constant 0 : i32
        %dma_wait3A_185 = tpu.memref_slice %arg4[%mul3A_13, %dma_wait3A_184] : memref<147456x128xf32, #tpu.memory_space<hbm>> -> memref<128x128xf32, #tpu.memory_space<hbm>>
        %dma_wait3A_186 = arith.constant 0 : i32
        %dma_wait3A_187 = tpu.memref_slice %arg4[%mul3A_13, %dma_wait3A_186] : memref<147456x128xf32, #tpu.memory_space<hbm>> -> memref<128x128xf32, #tpu.memory_space<hbm>>
        tpu.wait_dma2 semaphore(%run_scoped3A : memref<!tpu.dma_semaphore, #tpu.memory_space<semaphore_mem>>) src(%arg11 : memref<128x128xf32, #tpu.memory_space<vmem>>) dst(%dma_wait3A_187 : memref<128x128xf32, #tpu.memory_space<hbm>>)
        tpu.yield
      }) : () -> ()
    }
    %scan3A_7 = arith.constant 36 : i32
    return
  }
}

module attributes {stable_mosaic.version = 14 : i64} {
  func.func @_fusion_body(%arg0: memref<1300x64xf32, #tpu.memory_space<vmem>>, %arg1: memref<64x128xf32, #tpu.memory_space<vmem>>, %arg2: memref<1x128xf32, #tpu.memory_space<vmem>>, %arg3: memref<300x64xf32, #tpu.memory_space<vmem>>, %arg4: memref<64x128xf32, #tpu.memory_space<vmem>>, %arg5: memref<1x128xf32, #tpu.memory_space<vmem>>, %arg6: memref<500x64xf32, #tpu.memory_space<vmem>>, %arg7: memref<82x128xf32, #tpu.memory_space<vmem>>, %arg8: memref<1x128xf32, #tpu.memory_space<vmem>>, %arg9: memref<900x64xf32, #tpu.memory_space<vmem>>, %arg10: memref<64x128xf32, #tpu.memory_space<vmem>>, %arg11: memref<1x128xf32, #tpu.memory_space<vmem>>, %arg12: memref<64x128xf32, #tpu.memory_space<vmem>>, %arg13: memref<1x128xf32, #tpu.memory_space<vmem>>, %arg14: memref<90x128xf32, #tpu.memory_space<vmem>>, %arg15: memref<1x128xf32, #tpu.memory_space<vmem>>, %arg16: memref<13x128xf32, #tpu.memory_space<vmem>>, %arg17: memref<1x128xf32, #tpu.memory_space<vmem>>, %arg18: memref<50x128xf32, #tpu.memory_space<vmem>>, %arg19: memref<3x128xf32, #tpu.memory_space<vmem>>, %arg20: memref<3x128xf32, #tpu.memory_space<vmem>>, %arg21: memref<4x128xf32, #tpu.memory_space<vmem>>, %arg22: memref<102x128xf32, #tpu.memory_space<vmem>>, %arg23: memref<20x128xf32, #tpu.memory_space<vmem>>, %arg24: memref<2x128xf32, #tpu.memory_space<vmem>>, %arg25: memref<768x27xf32, #tpu.memory_space<vmem>>, %arg26: memref<512x7xf32, #tpu.memory_space<vmem>>, %arg27: memref<8x7xf32, #tpu.memory_space<vmem>>, %arg28: memref<4x3xf32, #tpu.memory_space<vmem>>, %arg29: memref<16x3xf32, #tpu.memory_space<vmem>>, %arg30: memref<19x18xf32, #tpu.memory_space<vmem>>, %arg31: memref<8248x128xf32, #tpu.memory_space<vmem>>) attributes {dimension_semantics = [], scalar_prefetch = 0 : i64, scratch_operands = 0 : i64, tpu.core_type = #tpu.core_type<tc>} {
    %broadcast_in_dim3A = arith.constant 0.000000e+00 : f32
    %broadcast_in_dim3A_0 = vector.broadcast %broadcast_in_dim3A : f32 to vector<8248x128xf32>
    %swap3A = arith.constant 0 : index
    %swap3A_1 = arith.constant 0 : index
    %swap3A_2 = vector.load %arg31[%swap3A, %swap3A_1] : memref<8248x128xf32, #tpu.memory_space<vmem>>, vector<8248x128xf32>
    tpu.vector_store %arg31[%swap3A, %swap3A_1], %broadcast_in_dim3A_0 {strides = array<i32>} : memref<8248x128xf32, #tpu.memory_space<vmem>>, vector<8248x128xf32>,
    %get3A = arith.constant 0 : index
    %get3A_3 = arith.constant 0 : index
    %get3A_4 = vector.load %arg0[%get3A, %get3A_3] : memref<1300x64xf32, #tpu.memory_space<vmem>>, vector<1300x64xf32>
    %get3A_5 = arith.constant 0 : index
    %get3A_6 = arith.constant 0 : index
    %get3A_7 = vector.load %arg1[%get3A_5, %get3A_6] : memref<64x128xf32, #tpu.memory_space<vmem>>, vector<64x128xf32>
    %dot_general3A = arith.constant dense<0.000000e+00> : vector<1300x128xf32>
    %dot_general3A_8 = tpu.matmul %get3A_4, %get3A_7, %dot_general3A {dimension_numbers = #tpu.dot_dimension_numbers<[1], [0], [0], [1], [0, 0, 1, 1], [], []>, transpose_lhs_hint = false} : vector<1300x64xf32>, vector<64x128xf32>, vector<1300x128xf32> -> vector<1300x128xf32>
    %get3A_9 = arith.constant 0 : index
    %get3A_10 = arith.constant 0 : index
    %get3A_11 = vector.load %arg2[%get3A_9, %get3A_10] : memref<1x128xf32, #tpu.memory_space<vmem>>, vector<1x128xf32>
    %add3A = vector.broadcast %get3A_11 : vector<1x128xf32> to vector<1300x128xf32>
    %add3A_12 = arith.addf %dot_general3A_8, %add3A : vector<1300x128xf32>
    %swap3A_13 = arith.constant 0 : index
    %swap3A_14 = arith.constant 0 : index
    %swap3A_15 = vector.load %arg31[%swap3A_13, %swap3A_14] : memref<8248x128xf32, #tpu.memory_space<vmem>>, vector<1300x128xf32>
    tpu.vector_store %arg31[%swap3A_13, %swap3A_14], %add3A_12 {strides = array<i32>} : memref<8248x128xf32, #tpu.memory_space<vmem>>, vector<1300x128xf32>,
    %get3A_16 = arith.constant 0 : index
    %get3A_17 = arith.constant 0 : index
    %get3A_18 = vector.load %arg3[%get3A_16, %get3A_17] : memref<300x64xf32, #tpu.memory_space<vmem>>, vector<300x64xf32>
    %get3A_19 = arith.constant 0 : index
    %get3A_20 = arith.constant 0 : index
    %get3A_21 = vector.load %arg4[%get3A_19, %get3A_20] : memref<64x128xf32, #tpu.memory_space<vmem>>, vector<64x128xf32>
    %dot_general3A_22 = arith.constant dense<0.000000e+00> : vector<300x128xf32>
    %dot_general3A_23 = tpu.matmul %get3A_18, %get3A_21, %dot_general3A_22 {dimension_numbers = #tpu.dot_dimension_numbers<[1], [0], [0], [1], [0, 0, 1, 1], [], []>, transpose_lhs_hint = false} : vector<300x64xf32>, vector<64x128xf32>, vector<300x128xf32> -> vector<300x128xf32>
    %get3A_24 = arith.constant 0 : index
    %get3A_25 = arith.constant 0 : index
    %get3A_26 = vector.load %arg5[%get3A_24, %get3A_25] : memref<1x128xf32, #tpu.memory_space<vmem>>, vector<1x128xf32>
    %add3A_27 = vector.broadcast %get3A_26 : vector<1x128xf32> to vector<300x128xf32>
    %add3A_28 = arith.addf %dot_general3A_23, %add3A_27 : vector<300x128xf32>
    %swap3A_29 = arith.constant 7712 : index
    %swap3A_30 = arith.constant 0 : index
    %swap3A_31 = vector.load %arg31[%swap3A_29, %swap3A_30] : memref<8248x128xf32, #tpu.memory_space<vmem>>, vector<300x128xf32>
    tpu.vector_store %arg31[%swap3A_29, %swap3A_30], %add3A_28 {strides = array<i32>} : memref<8248x128xf32, #tpu.memory_space<vmem>>, vector<300x128xf32>,
    %get3A_32 = arith.constant 0 : index
    %get3A_33 = arith.constant 0 : index
    %get3A_34 = vector.load %arg7[%get3A_32, %get3A_33] : memref<82x128xf32, #tpu.memory_space<vmem>>, vector<64x128xf32>
    %get3A_35 = arith.constant 0 : index
    %get3A_36 = arith.constant 0 : index
    %get3A_37 = vector.load %arg6[%get3A_35, %get3A_36] : memref<500x64xf32, #tpu.memory_space<vmem>>, vector<500x64xf32>
    %dot_general3A_38 = arith.constant dense<0.000000e+00> : vector<500x128xf32>
    %dot_general3A_39 = tpu.matmul %get3A_37, %get3A_34, %dot_general3A_38 {dimension_numbers = #tpu.dot_dimension_numbers<[1], [0], [0], [1], [0, 0, 1, 1], [], []>, transpose_lhs_hint = false} : vector<500x64xf32>, vector<64x128xf32>, vector<500x128xf32> -> vector<500x128xf32>
    %get3A_40 = arith.constant 0 : index
    %get3A_41 = arith.constant 0 : index
    %get3A_42 = vector.load %arg8[%get3A_40, %get3A_41] : memref<1x128xf32, #tpu.memory_space<vmem>>, vector<1x128xf32>
    %add3A_43 = vector.broadcast %get3A_42 : vector<1x128xf32> to vector<500x128xf32>
    %add3A_44 = arith.addf %dot_general3A_39, %add3A_43 : vector<500x128xf32>
    %swap3A_45 = arith.constant 7208 : index
    %swap3A_46 = arith.constant 0 : index
    %swap3A_47 = vector.load %arg31[%swap3A_45, %swap3A_46] : memref<8248x128xf32, #tpu.memory_space<vmem>>, vector<500x128xf32>
    tpu.vector_store %arg31[%swap3A_45, %swap3A_46], %add3A_44 {strides = array<i32>} : memref<8248x128xf32, #tpu.memory_space<vmem>>, vector<500x128xf32>,
    %get3A_48 = arith.constant 0 : index
    %get3A_49 = arith.constant 0 : index
    %get3A_50 = vector.load %arg9[%get3A_48, %get3A_49] : memref<900x64xf32, #tpu.memory_space<vmem>>, vector<900x64xf32>
    %get3A_51 = arith.constant 0 : index
    %get3A_52 = arith.constant 0 : index
    %get3A_53 = vector.load %arg12[%get3A_51, %get3A_52] : memref<64x128xf32, #tpu.memory_space<vmem>>, vector<64x128xf32>
    %dot_general3A_54 = arith.constant dense<0.000000e+00> : vector<900x128xf32>
    %dot_general3A_55 = tpu.matmul %get3A_50, %get3A_53, %dot_general3A_54 {dimension_numbers = #tpu.dot_dimension_numbers<[1], [0], [0], [1], [0, 0, 1, 1], [], []>, transpose_lhs_hint = false} : vector<900x64xf32>, vector<64x128xf32>, vector<900x128xf32> -> vector<900x128xf32>
    %get3A_56 = arith.constant 0 : index
    %get3A_57 = arith.constant 0 : index
    %get3A_58 = vector.load %arg13[%get3A_56, %get3A_57] : memref<1x128xf32, #tpu.memory_space<vmem>>, vector<1x128xf32>
    %add3A_59 = vector.broadcast %get3A_58 : vector<1x128xf32> to vector<900x128xf32>
    %add3A_60 = arith.addf %dot_general3A_55, %add3A_59 : vector<900x128xf32>
    %swap3A_61 = arith.constant 6304 : index
    %swap3A_62 = arith.constant 0 : index
    %swap3A_63 = vector.load %arg31[%swap3A_61, %swap3A_62] : memref<8248x128xf32, #tpu.memory_space<vmem>>, vector<900x128xf32>
    tpu.vector_store %arg31[%swap3A_61, %swap3A_62], %add3A_60 {strides = array<i32>} : memref<8248x128xf32, #tpu.memory_space<vmem>>, vector<900x128xf32>,
    %get3A_64 = arith.constant 0 : index
    %get3A_65 = arith.constant 0 : index
    %get3A_66 = vector.load %arg9[%get3A_64, %get3A_65] : memref<900x64xf32, #tpu.memory_space<vmem>>, vector<900x64xf32>
    %get3A_67 = arith.constant 0 : index
    %get3A_68 = arith.constant 0 : index
    %get3A_69 = vector.load %arg10[%get3A_67, %get3A_68] : memref<64x128xf32, #tpu.memory_space<vmem>>, vector<64x128xf32>
    %dot_general3A_70 = arith.constant dense<0.000000e+00> : vector<900x128xf32>
    %dot_general3A_71 = tpu.matmul %get3A_66, %get3A_69, %dot_general3A_70 {dimension_numbers = #tpu.dot_dimension_numbers<[1], [0], [0], [1], [0, 0, 1, 1], [], []>, transpose_lhs_hint = false} : vector<900x64xf32>, vector<64x128xf32>, vector<900x128xf32> -> vector<900x128xf32>
    %get3A_72 = arith.constant 0 : index
    %get3A_73 = arith.constant 0 : index
    %get3A_74 = vector.load %arg11[%get3A_72, %get3A_73] : memref<1x128xf32, #tpu.memory_space<vmem>>, vector<1x128xf32>
    %add3A_75 = vector.broadcast %get3A_74 : vector<1x128xf32> to vector<900x128xf32>
    %add3A_76 = arith.addf %dot_general3A_71, %add3A_75 : vector<900x128xf32>
    %swap3A_77 = arith.constant 5400 : index
    %swap3A_78 = arith.constant 0 : index
    %swap3A_79 = vector.load %arg31[%swap3A_77, %swap3A_78] : memref<8248x128xf32, #tpu.memory_space<vmem>>, vector<900x128xf32>
    tpu.vector_store %arg31[%swap3A_77, %swap3A_78], %add3A_76 {strides = array<i32>} : memref<8248x128xf32, #tpu.memory_space<vmem>>, vector<900x128xf32>,
    %get3A_80 = arith.constant 0 : index
    %get3A_81 = arith.constant 0 : index
    %get3A_82 = vector.load %arg14[%get3A_80, %get3A_81] : memref<90x128xf32, #tpu.memory_space<vmem>>, vector<27x128xf32>
    %get3A_83 = arith.constant 0 : index
    %get3A_84 = arith.constant 0 : index
    %get3A_85 = vector.load %arg25[%get3A_83, %get3A_84] : memref<768x27xf32, #tpu.memory_space<vmem>>, vector<768x27xf32>
    %dot_general3A_86 = arith.constant dense<0.000000e+00> : vector<768x128xf32>
    %dot_general3A_87 = tpu.matmul %get3A_85, %get3A_82, %dot_general3A_86 {dimension_numbers = #tpu.dot_dimension_numbers<[1], [0], [0], [1], [0, 0, 1, 1], [], []>, transpose_lhs_hint = false} : vector<768x27xf32>, vector<27x128xf32>, vector<768x128xf32> -> vector<768x128xf32>
    %get3A_88 = arith.constant 0 : index
    %get3A_89 = arith.constant 0 : index
    %get3A_90 = vector.load %arg15[%get3A_88, %get3A_89] : memref<1x128xf32, #tpu.memory_space<vmem>>, vector<1x128xf32>
    %add3A_91 = vector.broadcast %get3A_90 : vector<1x128xf32> to vector<768x128xf32>
    %add3A_92 = arith.addf %dot_general3A_87, %add3A_91 : vector<768x128xf32>
    %swap3A_93 = arith.constant 1304 : index
    %swap3A_94 = arith.constant 0 : index
    %swap3A_95 = vector.load %arg31[%swap3A_93, %swap3A_94] : memref<8248x128xf32, #tpu.memory_space<vmem>>, vector<768x128xf32>
    tpu.vector_store %arg31[%swap3A_93, %swap3A_94], %add3A_92 {strides = array<i32>} : memref<8248x128xf32, #tpu.memory_space<vmem>>, vector<768x128xf32>,
    %get3A_96 = arith.constant 27 : index
    %get3A_97 = arith.constant 0 : index
    %get3A_98 = vector.load %arg14[%get3A_96, %get3A_97] : memref<90x128xf32, #tpu.memory_space<vmem>>, vector<27x128xf32>
    %get3A_99 = arith.constant 0 : index
    %get3A_100 = arith.constant 0 : index
    %get3A_101 = vector.load %arg25[%get3A_99, %get3A_100] : memref<768x27xf32, #tpu.memory_space<vmem>>, vector<768x27xf32>
    %dot_general3A_102 = arith.constant dense<0.000000e+00> : vector<768x128xf32>
    %dot_general3A_103 = tpu.matmul %get3A_101, %get3A_98, %dot_general3A_102 {dimension_numbers = #tpu.dot_dimension_numbers<[1], [0], [0], [1], [0, 0, 1, 1], [], []>, transpose_lhs_hint = false} : vector<768x27xf32>, vector<27x128xf32>, vector<768x128xf32> -> vector<768x128xf32>
    %swap3A_104 = arith.constant 2072 : index
    %swap3A_105 = arith.constant 0 : index
    %swap3A_106 = vector.load %arg31[%swap3A_104, %swap3A_105] : memref<8248x128xf32, #tpu.memory_space<vmem>>, vector<768x128xf32>
    tpu.vector_store %arg31[%swap3A_104, %swap3A_105], %dot_general3A_103 {strides = array<i32>} : memref<8248x128xf32, #tpu.memory_space<vmem>>, vector<768x128xf32>,
    %get3A_107 = arith.constant 55 : index
    %get3A_108 = arith.constant 0 : index
    %get3A_109 = vector.load %arg14[%get3A_107, %get3A_108] : memref<90x128xf32, #tpu.memory_space<vmem>>, vector<7x128xf32>
    %get3A_110 = arith.constant 0 : index
    %get3A_111 = arith.constant 0 : index
    %get3A_112 = vector.load %arg26[%get3A_110, %get3A_111] : memref<512x7xf32, #tpu.memory_space<vmem>>, vector<512x7xf32>
    %dot_general3A_113 = arith.constant dense<0.000000e+00> : vector<512x128xf32>
    %dot_general3A_114 = tpu.matmul %get3A_112, %get3A_109, %dot_general3A_113 {dimension_numbers = #tpu.dot_dimension_numbers<[1], [0], [0], [1], [0, 0, 1, 1], [], []>, transpose_lhs_hint = false} : vector<512x7xf32>, vector<7x128xf32>, vector<512x128xf32> -> vector<512x128xf32>
    %swap3A_115 = arith.constant 2840 : index
    %swap3A_116 = arith.constant 0 : index
    %swap3A_117 = vector.load %arg31[%swap3A_115, %swap3A_116] : memref<8248x128xf32, #tpu.memory_space<vmem>>, vector<512x128xf32>
    tpu.vector_store %arg31[%swap3A_115, %swap3A_116], %dot_general3A_114 {strides = array<i32>} : memref<8248x128xf32, #tpu.memory_space<vmem>>, vector<512x128xf32>,
    %get3A_118 = arith.constant 62 : index
    %get3A_119 = arith.constant 0 : index
    %get3A_120 = vector.load %arg14[%get3A_118, %get3A_119] : memref<90x128xf32, #tpu.memory_space<vmem>>, vector<7x128xf32>
    %get3A_121 = arith.constant 0 : index
    %get3A_122 = arith.constant 0 : index
    %get3A_123 = vector.load %arg26[%get3A_121, %get3A_122] : memref<512x7xf32, #tpu.memory_space<vmem>>, vector<512x7xf32>
    %dot_general3A_124 = arith.constant dense<0.000000e+00> : vector<512x128xf32>
    %dot_general3A_125 = tpu.matmul %get3A_123, %get3A_120, %dot_general3A_124 {dimension_numbers = #tpu.dot_dimension_numbers<[1], [0], [0], [1], [0, 0, 1, 1], [], []>, transpose_lhs_hint = false} : vector<512x7xf32>, vector<7x128xf32>, vector<512x128xf32> -> vector<512x128xf32>
    %swap3A_126 = arith.constant 3352 : index
    %swap3A_127 = arith.constant 0 : index
    %swap3A_128 = vector.load %arg31[%swap3A_126, %swap3A_127] : memref<8248x128xf32, #tpu.memory_space<vmem>>, vector<512x128xf32>
    tpu.vector_store %arg31[%swap3A_126, %swap3A_127], %dot_general3A_125 {strides = array<i32>} : memref<8248x128xf32, #tpu.memory_space<vmem>>, vector<512x128xf32>,
    %get3A_129 = arith.constant 69 : index
    %get3A_130 = arith.constant 0 : index
    %get3A_131 = vector.load %arg14[%get3A_129, %get3A_130] : memref<90x128xf32, #tpu.memory_space<vmem>>, vector<7x128xf32>
    %get3A_132 = arith.constant 0 : index
    %get3A_133 = arith.constant 0 : index
    %get3A_134 = vector.load %arg26[%get3A_132, %get3A_133] : memref<512x7xf32, #tpu.memory_space<vmem>>, vector<512x7xf32>
    %dot_general3A_135 = arith.constant dense<0.000000e+00> : vector<512x128xf32>
    %dot_general3A_136 = tpu.matmul %get3A_134, %get3A_131, %dot_general3A_135 {dimension_numbers = #tpu.dot_dimension_numbers<[1], [0], [0], [1], [0, 0, 1, 1], [], []>, transpose_lhs_hint = false} : vector<512x7xf32>, vector<7x128xf32>, vector<512x128xf32> -> vector<512x128xf32>
    %swap3A_137 = arith.constant 3864 : index
    %swap3A_138 = arith.constant 0 : index
    %swap3A_139 = vector.load %arg31[%swap3A_137, %swap3A_138] : memref<8248x128xf32, #tpu.memory_space<vmem>>, vector<512x128xf32>
    tpu.vector_store %arg31[%swap3A_137, %swap3A_138], %dot_general3A_136 {strides = array<i32>} : memref<8248x128xf32, #tpu.memory_space<vmem>>, vector<512x128xf32>,
    %get3A_140 = arith.constant 76 : index
    %get3A_141 = arith.constant 0 : index
    %get3A_142 = vector.load %arg14[%get3A_140, %get3A_141] : memref<90x128xf32, #tpu.memory_space<vmem>>, vector<7x128xf32>
    %get3A_143 = arith.constant 0 : index
    %get3A_144 = arith.constant 0 : index
    %get3A_145 = vector.load %arg26[%get3A_143, %get3A_144] : memref<512x7xf32, #tpu.memory_space<vmem>>, vector<512x7xf32>
    %dot_general3A_146 = arith.constant dense<0.000000e+00> : vector<512x128xf32>
    %dot_general3A_147 = tpu.matmul %get3A_145, %get3A_142, %dot_general3A_146 {dimension_numbers = #tpu.dot_dimension_numbers<[1], [0], [0], [1], [0, 0, 1, 1], [], []>, transpose_lhs_hint = false} : vector<512x7xf32>, vector<7x128xf32>, vector<512x128xf32> -> vector<512x128xf32>
    %swap3A_148 = arith.constant 4376 : index
    %swap3A_149 = arith.constant 0 : index
    %swap3A_150 = vector.load %arg31[%swap3A_148, %swap3A_149] : memref<8248x128xf32, #tpu.memory_space<vmem>>, vector<512x128xf32>
    tpu.vector_store %arg31[%swap3A_148, %swap3A_149], %dot_general3A_147 {strides = array<i32>} : memref<8248x128xf32, #tpu.memory_space<vmem>>, vector<512x128xf32>,
    %get3A_151 = arith.constant 83 : index
    %get3A_152 = arith.constant 0 : index
    %get3A_153 = vector.load %arg14[%get3A_151, %get3A_152] : memref<90x128xf32, #tpu.memory_space<vmem>>, vector<7x128xf32>
    %get3A_154 = arith.constant 0 : index
    %get3A_155 = arith.constant 0 : index
    %get3A_156 = vector.load %arg26[%get3A_154, %get3A_155] : memref<512x7xf32, #tpu.memory_space<vmem>>, vector<512x7xf32>
    %dot_general3A_157 = arith.constant dense<0.000000e+00> : vector<512x128xf32>
    %dot_general3A_158 = tpu.matmul %get3A_156, %get3A_153, %dot_general3A_157 {dimension_numbers = #tpu.dot_dimension_numbers<[1], [0], [0], [1], [0, 0, 1, 1], [], []>, transpose_lhs_hint = false} : vector<512x7xf32>, vector<7x128xf32>, vector<512x128xf32> -> vector<512x128xf32>
    %swap3A_159 = arith.constant 4888 : index
    %swap3A_160 = arith.constant 0 : index
    %swap3A_161 = vector.load %arg31[%swap3A_159, %swap3A_160] : memref<8248x128xf32, #tpu.memory_space<vmem>>, vector<512x128xf32>
    tpu.vector_store %arg31[%swap3A_159, %swap3A_160], %dot_general3A_158 {strides = array<i32>} : memref<8248x128xf32, #tpu.memory_space<vmem>>, vector<512x128xf32>,
    %get3A_162 = arith.constant 0 : index
    %get3A_163 = arith.constant 0 : index
    %get3A_164 = vector.load %arg16[%get3A_162, %get3A_163] : memref<13x128xf32, #tpu.memory_space<vmem>>, vector<7x128xf32>
    %get3A_165 = arith.constant 0 : index
    %get3A_166 = arith.constant 0 : index
    %get3A_167 = vector.load %arg27[%get3A_165, %get3A_166] : memref<8x7xf32, #tpu.memory_space<vmem>>, vector<8x7xf32>
    %dot_general3A_168 = arith.constant dense<0.000000e+00> : vector<8x128xf32>
    %dot_general3A_169 = tpu.matmul %get3A_167, %get3A_164, %dot_general3A_168 {dimension_numbers = #tpu.dot_dimension_numbers<[1], [0], [0], [1], [0, 0, 1, 1], [], []>, transpose_lhs_hint = false} : vector<8x7xf32>, vector<7x128xf32>, vector<8x128xf32> -> vector<8x128xf32>
    %get3A_170 = arith.constant 0 : index
    %get3A_171 = arith.constant 0 : index
    %get3A_172 = vector.load %arg17[%get3A_170, %get3A_171] : memref<1x128xf32, #tpu.memory_space<vmem>>, vector<1x128xf32>
    %add3A_173 = vector.broadcast %get3A_172 : vector<1x128xf32> to vector<8x128xf32>
    %add3A_174 = arith.addf %dot_general3A_169, %add3A_173 : vector<8x128xf32>
    %swap3A_175 = arith.constant 8016 : index
    %swap3A_176 = arith.constant 0 : index
    %swap3A_177 = vector.load %arg31[%swap3A_175, %swap3A_176] : memref<8248x128xf32, #tpu.memory_space<vmem>>, vector<8x128xf32>
    tpu.vector_store %arg31[%swap3A_175, %swap3A_176], %add3A_174 {strides = array<i32>} : memref<8248x128xf32, #tpu.memory_space<vmem>>, vector<8x128xf32>,
    %get3A_178 = arith.constant 7 : index
    %get3A_179 = arith.constant 0 : index
    %get3A_180 = vector.load %arg16[%get3A_178, %get3A_179] : memref<13x128xf32, #tpu.memory_space<vmem>>, vector<3x128xf32>
    %get3A_181 = arith.constant 0 : index
    %get3A_182 = arith.constant 0 : index
    %get3A_183 = vector.load %arg28[%get3A_181, %get3A_182] : memref<4x3xf32, #tpu.memory_space<vmem>>, vector<4x3xf32>
    %dot_general3A_184 = arith.constant dense<0.000000e+00> : vector<4x128xf32>
    %dot_general3A_185 = tpu.matmul %get3A_183, %get3A_180, %dot_general3A_184 {dimension_numbers = #tpu.dot_dimension_numbers<[1], [0], [0], [1], [0, 0, 1, 1], [], []>, transpose_lhs_hint = false} : vector<4x3xf32>, vector<3x128xf32>, vector<4x128xf32> -> vector<4x128xf32>
    %swap3A_186 = arith.constant 8024 : index
    %swap3A_187 = arith.constant 0 : index
    %swap3A_188 = vector.load %arg31[%swap3A_186, %swap3A_187] : memref<8248x128xf32, #tpu.memory_space<vmem>>, vector<4x128xf32>
    tpu.vector_store %arg31[%swap3A_186, %swap3A_187], %dot_general3A_185 {strides = array<i32>} : memref<8248x128xf32, #tpu.memory_space<vmem>>, vector<4x128xf32>,
    %get3A_189 = arith.constant 10 : index
    %get3A_190 = arith.constant 0 : index
    %get3A_191 = vector.load %arg16[%get3A_189, %get3A_190] : memref<13x128xf32, #tpu.memory_space<vmem>>, vector<3x128xf32>
    %get3A_192 = arith.constant 0 : index
    %get3A_193 = arith.constant 0 : index
    %get3A_194 = vector.load %arg29[%get3A_192, %get3A_193] : memref<16x3xf32, #tpu.memory_space<vmem>>, vector<16x3xf32>
    %dot_general3A_195 = arith.constant dense<0.000000e+00> : vector<16x128xf32>
    %dot_general3A_196 = tpu.matmul %get3A_194, %get3A_191, %dot_general3A_195 {dimension_numbers = #tpu.dot_dimension_numbers<[1], [0], [0], [1], [0, 0, 1, 1], [], []>, transpose_lhs_hint = false} : vector<16x3xf32>, vector<3x128xf32>, vector<16x128xf32> -> vector<16x128xf32>
    %swap3A_197 = arith.constant 8028 : index
    %swap3A_198 = arith.constant 0 : index
    %swap3A_199 = vector.load %arg31[%swap3A_197, %swap3A_198] : memref<8248x128xf32, #tpu.memory_space<vmem>>, vector<16x128xf32>
    tpu.vector_store %arg31[%swap3A_197, %swap3A_198], %dot_general3A_196 {strides = array<i32>} : memref<8248x128xf32, #tpu.memory_space<vmem>>, vector<16x128xf32>,
    %get3A_200 = arith.constant 64 : index
    %get3A_201 = arith.constant 0 : index
    %get3A_202 = vector.load %arg7[%get3A_200, %get3A_201] : memref<82x128xf32, #tpu.memory_space<vmem>>, vector<18x128xf32>
    %get3A_203 = arith.constant 0 : index
    %get3A_204 = arith.constant 0 : index
    %get3A_205 = vector.load %arg30[%get3A_203, %get3A_204] : memref<19x18xf32, #tpu.memory_space<vmem>>, vector<19x18xf32>
    %dot_general3A_206 = arith.constant dense<0.000000e+00> : vector<19x128xf32>
    %dot_general3A_207 = tpu.matmul %get3A_205, %get3A_202, %dot_general3A_206 {dimension_numbers = #tpu.dot_dimension_numbers<[1], [0], [0], [1], [0, 0, 1, 1], [], []>, transpose_lhs_hint = false} : vector<19x18xf32>, vector<18x128xf32>, vector<19x128xf32> -> vector<19x128xf32>
    %swap3A_208 = arith.constant 8044 : index
    %swap3A_209 = arith.constant 0 : index
    %swap3A_210 = vector.load %arg31[%swap3A_208, %swap3A_209] : memref<8248x128xf32, #tpu.memory_space<vmem>>, vector<19x128xf32>
    tpu.vector_store %arg31[%swap3A_208, %swap3A_209], %dot_general3A_207 {strides = array<i32>} : memref<8248x128xf32, #tpu.memory_space<vmem>>, vector<19x128xf32>,
    %get3A_211 = arith.constant 0 : index
    %get3A_212 = arith.constant 0 : index
    %get3A_213 = vector.load %arg18[%get3A_211, %get3A_212] : memref<50x128xf32, #tpu.memory_space<vmem>>, vector<50x128xf32>
    %swap3A_214 = arith.constant 8063 : index
    %swap3A_215 = arith.constant 0 : index
    %swap3A_216 = vector.load %arg31[%swap3A_214, %swap3A_215] : memref<8248x128xf32, #tpu.memory_space<vmem>>, vector<50x128xf32>
    tpu.vector_store %arg31[%swap3A_214, %swap3A_215], %get3A_213 {strides = array<i32>} : memref<8248x128xf32, #tpu.memory_space<vmem>>, vector<50x128xf32>,
    %get3A_217 = arith.constant 0 : index
    %get3A_218 = arith.constant 0 : index
    %get3A_219 = vector.load %arg19[%get3A_217, %get3A_218] : memref<3x128xf32, #tpu.memory_space<vmem>>, vector<3x128xf32>
    %swap3A_220 = arith.constant 8113 : index
    %swap3A_221 = arith.constant 0 : index
    %swap3A_222 = vector.load %arg31[%swap3A_220, %swap3A_221] : memref<8248x128xf32, #tpu.memory_space<vmem>>, vector<3x128xf32>
    tpu.vector_store %arg31[%swap3A_220, %swap3A_221], %get3A_219 {strides = array<i32>} : memref<8248x128xf32, #tpu.memory_space<vmem>>, vector<3x128xf32>,
    %get3A_223 = arith.constant 0 : index
    %get3A_224 = arith.constant 0 : index
    %get3A_225 = vector.load %arg20[%get3A_223, %get3A_224] : memref<3x128xf32, #tpu.memory_space<vmem>>, vector<3x128xf32>
    %swap3A_226 = arith.constant 8116 : index
    %swap3A_227 = arith.constant 0 : index
    %swap3A_228 = vector.load %arg31[%swap3A_226, %swap3A_227] : memref<8248x128xf32, #tpu.memory_space<vmem>>, vector<3x128xf32>
    tpu.vector_store %arg31[%swap3A_226, %swap3A_227], %get3A_225 {strides = array<i32>} : memref<8248x128xf32, #tpu.memory_space<vmem>>, vector<3x128xf32>,
    %get3A_229 = arith.constant 0 : index
    %get3A_230 = arith.constant 0 : index
    %get3A_231 = vector.load %arg21[%get3A_229, %get3A_230] : memref<4x128xf32, #tpu.memory_space<vmem>>, vector<4x128xf32>
    %swap3A_232 = arith.constant 8119 : index
    %swap3A_233 = arith.constant 0 : index
    %swap3A_234 = vector.load %arg31[%swap3A_232, %swap3A_233] : memref<8248x128xf32, #tpu.memory_space<vmem>>, vector<4x128xf32>
    tpu.vector_store %arg31[%swap3A_232, %swap3A_233], %get3A_231 {strides = array<i32>} : memref<8248x128xf32, #tpu.memory_space<vmem>>, vector<4x128xf32>,
    %get3A_235 = arith.constant 0 : index
    %get3A_236 = arith.constant 0 : index
    %get3A_237 = vector.load %arg22[%get3A_235, %get3A_236] : memref<102x128xf32, #tpu.memory_space<vmem>>, vector<102x128xf32>
    %swap3A_238 = arith.constant 8123 : index
    %swap3A_239 = arith.constant 0 : index
    %swap3A_240 = vector.load %arg31[%swap3A_238, %swap3A_239] : memref<8248x128xf32, #tpu.memory_space<vmem>>, vector<102x128xf32>
    tpu.vector_store %arg31[%swap3A_238, %swap3A_239], %get3A_237 {strides = array<i32>} : memref<8248x128xf32, #tpu.memory_space<vmem>>, vector<102x128xf32>,
    %get3A_241 = arith.constant 0 : index
    %get3A_242 = arith.constant 0 : index
    %get3A_243 = vector.load %arg23[%get3A_241, %get3A_242] : memref<20x128xf32, #tpu.memory_space<vmem>>, vector<20x128xf32>
    %swap3A_244 = arith.constant 8225 : index
    %swap3A_245 = arith.constant 0 : index
    %swap3A_246 = vector.load %arg31[%swap3A_244, %swap3A_245] : memref<8248x128xf32, #tpu.memory_space<vmem>>, vector<20x128xf32>
    tpu.vector_store %arg31[%swap3A_244, %swap3A_245], %get3A_243 {strides = array<i32>} : memref<8248x128xf32, #tpu.memory_space<vmem>>, vector<20x128xf32>,
    %get3A_247 = arith.constant 0 : index
    %get3A_248 = arith.constant 0 : index
    %get3A_249 = vector.load %arg24[%get3A_247, %get3A_248] : memref<2x128xf32, #tpu.memory_space<vmem>>, vector<2x128xf32>
    %swap3A_250 = arith.constant 8245 : index
    %swap3A_251 = arith.constant 0 : index
    %swap3A_252 = vector.load %arg31[%swap3A_250, %swap3A_251] : memref<8248x128xf32, #tpu.memory_space<vmem>>, vector<2x128xf32>
    tpu.vector_store %arg31[%swap3A_250, %swap3A_251], %get3A_249 {strides = array<i32>} : memref<8248x128xf32, #tpu.memory_space<vmem>>, vector<2x128xf32>,
    %get3A_253 = arith.constant 54 : index
    %get3A_254 = arith.constant 0 : index
    %get3A_255 = vector.load %arg14[%get3A_253, %get3A_254] : memref<90x128xf32, #tpu.memory_space<vmem>>, vector<1x128xf32>
    %swap3A_256 = arith.constant 8247 : index
    %swap3A_257 = arith.constant 0 : index
    %swap3A_258 = vector.load %arg31[%swap3A_256, %swap3A_257] : memref<8248x128xf32, #tpu.memory_space<vmem>>, vector<1x128xf32>
    tpu.vector_store %arg31[%swap3A_256, %swap3A_257], %get3A_255 {strides = array<i32>} : memref<8248x128xf32, #tpu.memory_space<vmem>>, vector<1x128xf32>,
    return
  }
}

module attributes {stable_mosaic.version = 14 : i64} {
  func.func @_moves_body(%arg0: i32, %arg1: memref<512x31xf32, #tpu.memory_space<vmem>>, %arg2: memref<8248x128xbf16, #tpu.memory_space<vmem>>, %arg3: memref<512x4x128xf32, #tpu.memory_space<vmem>>, %arg4: memref<512x128xf32, #tpu.memory_space<vmem>>, %arg5: memref<4x16x128xi32, #tpu.memory_space<vmem>>) attributes {dimension_semantics = [#tpu.dimension_semantics<arbitrary>], iteration_bounds = array<i64: 288>, scalar_prefetch = 0 : i64, scratch_operands = 0 : i64, tpu.core_type = #tpu.core_type<tc>, window_params = [{transform_indices = @transform_0, window_bounds = array<i64: 512, 31>}, {pipeline_mode = #tpu.pipeline_mode<synchronous>, transform_indices = @transform_1, window_bounds = array<i64: 8248, 128>}, {transform_indices = @transform_2, window_bounds = array<i64: 512, 4, 128>}, {transform_indices = @transform_3, window_bounds = array<i64: 512, 128>}, {transform_indices = @transform_4, window_bounds = array<i64: 4, 16, 128>}]} {
    %get3A = arith.constant 0 : index
    %get3A_0 = arith.constant 0 : index
    %get3A_1 = vector.load %arg1[%get3A, %get3A_0] : memref<512x31xf32, #tpu.memory_space<vmem>>, vector<512x31xf32>
    %add3A = arith.constant 1.000000e+00 : f32
    %add3A_2 = vector.broadcast %add3A : f32 to vector<512x31xf32>
    %add3A_3 = arith.addf %get3A_1, %add3A_2 : vector<512x31xf32>
    %floor3A = math.floor %add3A_3 : vector<512x31xf32>
    %slice3A = vector.extract_strided_slice %floor3A {offsets = [0, 0], sizes = [512, 1], strides = [1, 1]} : vector<512x31xf32> to vector<512x1xf32>
    %jit3A = arith.constant 0.000000e+00 : f32
    %jit3A_4 = arith.constant 1.299000e+03 : f32
    %max3A = vector.broadcast %jit3A : f32 to vector<512x1xf32>
    %max3A_5 = arith.maximumf %max3A, %slice3A : vector<512x1xf32>
    %min3A = vector.broadcast %jit3A_4 : f32 to vector<512x1xf32>
    %min3A_6 = arith.minimumf %min3A, %max3A_5 : vector<512x1xf32>
    %add3A_7 = arith.constant 0.000000e+00 : f32
    %add3A_8 = vector.broadcast %add3A_7 : f32 to vector<512x1xf32>
    %add3A_9 = arith.addf %min3A_6, %add3A_8 : vector<512x1xf32>
    %slice3A_10 = vector.extract_strided_slice %floor3A {offsets = [0, 3], sizes = [512, 1], strides = [1, 1]} : vector<512x31xf32> to vector<512x1xf32>
    %jit3A_11 = arith.constant 0.000000e+00 : f32
    %jit3A_12 = arith.constant 7.670000e+02 : f32
    %max3A_13 = vector.broadcast %jit3A_11 : f32 to vector<512x1xf32>
    %max3A_14 = arith.maximumf %max3A_13, %slice3A_10 : vector<512x1xf32>
    %min3A_15 = vector.broadcast %jit3A_12 : f32 to vector<512x1xf32>
    %min3A_16 = arith.minimumf %min3A_15, %max3A_14 : vector<512x1xf32>
    %add3A_17 = arith.constant 1.304000e+03 : f32
    %add3A_18 = vector.broadcast %add3A_17 : f32 to vector<512x1xf32>
    %add3A_19 = arith.addf %min3A_16, %add3A_18 : vector<512x1xf32>
    %slice3A_20 = vector.extract_strided_slice %floor3A {offsets = [0, 4], sizes = [512, 1], strides = [1, 1]} : vector<512x31xf32> to vector<512x1xf32>
    %jit3A_21 = arith.constant 0.000000e+00 : f32
    %jit3A_22 = arith.constant 7.670000e+02 : f32
    %max3A_23 = vector.broadcast %jit3A_21 : f32 to vector<512x1xf32>
    %max3A_24 = arith.maximumf %max3A_23, %slice3A_20 : vector<512x1xf32>
    %min3A_25 = vector.broadcast %jit3A_22 : f32 to vector<512x1xf32>
    %min3A_26 = arith.minimumf %min3A_25, %max3A_24 : vector<512x1xf32>
    %add3A_27 = arith.constant 2.072000e+03 : f32
    %add3A_28 = vector.broadcast %add3A_27 : f32 to vector<512x1xf32>
    %add3A_29 = arith.addf %min3A_26, %add3A_28 : vector<512x1xf32>
    %slice3A_30 = vector.extract_strided_slice %floor3A {offsets = [0, 6], sizes = [512, 1], strides = [1, 1]} : vector<512x31xf32> to vector<512x1xf32>
    %jit3A_31 = arith.constant 0.000000e+00 : f32
    %jit3A_32 = arith.constant 5.110000e+02 : f32
    %max3A_33 = vector.broadcast %jit3A_31 : f32 to vector<512x1xf32>
    %max3A_34 = arith.maximumf %max3A_33, %slice3A_30 : vector<512x1xf32>
    %min3A_35 = vector.broadcast %jit3A_32 : f32 to vector<512x1xf32>
    %min3A_36 = arith.minimumf %min3A_35, %max3A_34 : vector<512x1xf32>
    %add3A_37 = arith.constant 2.840000e+03 : f32
    %add3A_38 = vector.broadcast %add3A_37 : f32 to vector<512x1xf32>
    %add3A_39 = arith.addf %min3A_36, %add3A_38 : vector<512x1xf32>
    %slice3A_40 = vector.extract_strided_slice %floor3A {offsets = [0, 7], sizes = [512, 1], strides = [1, 1]} : vector<512x31xf32> to vector<512x1xf32>
    %jit3A_41 = arith.constant 0.000000e+00 : f32
    %jit3A_42 = arith.constant 5.110000e+02 : f32
    %max3A_43 = vector.broadcast %jit3A_41 : f32 to vector<512x1xf32>
    %max3A_44 = arith.maximumf %max3A_43, %slice3A_40 : vector<512x1xf32>
    %min3A_45 = vector.broadcast %jit3A_42 : f32 to vector<512x1xf32>
    %min3A_46 = arith.minimumf %min3A_45, %max3A_44 : vector<512x1xf32>
    %add3A_47 = arith.constant 3.352000e+03 : f32
    %add3A_48 = vector.broadcast %add3A_47 : f32 to vector<512x1xf32>
    %add3A_49 = arith.addf %min3A_46, %add3A_48 : vector<512x1xf32>
    %slice3A_50 = vector.extract_strided_slice %floor3A {offsets = [0, 8], sizes = [512, 1], strides = [1, 1]} : vector<512x31xf32> to vector<512x1xf32>
    %jit3A_51 = arith.constant 0.000000e+00 : f32
    %jit3A_52 = arith.constant 5.110000e+02 : f32
    %max3A_53 = vector.broadcast %jit3A_51 : f32 to vector<512x1xf32>
    %max3A_54 = arith.maximumf %max3A_53, %slice3A_50 : vector<512x1xf32>
    %min3A_55 = vector.broadcast %jit3A_52 : f32 to vector<512x1xf32>
    %min3A_56 = arith.minimumf %min3A_55, %max3A_54 : vector<512x1xf32>
    %add3A_57 = arith.constant 3.864000e+03 : f32
    %add3A_58 = vector.broadcast %add3A_57 : f32 to vector<512x1xf32>
    %add3A_59 = arith.addf %min3A_56, %add3A_58 : vector<512x1xf32>
    %slice3A_60 = vector.extract_strided_slice %floor3A {offsets = [0, 9], sizes = [512, 1], strides = [1, 1]} : vector<512x31xf32> to vector<512x1xf32>
    %jit3A_61 = arith.constant 0.000000e+00 : f32
    %jit3A_62 = arith.constant 5.110000e+02 : f32
    %max3A_63 = vector.broadcast %jit3A_61 : f32 to vector<512x1xf32>
    %max3A_64 = arith.maximumf %max3A_63, %slice3A_60 : vector<512x1xf32>
    %min3A_65 = vector.broadcast %jit3A_62 : f32 to vector<512x1xf32>
    %min3A_66 = arith.minimumf %min3A_65, %max3A_64 : vector<512x1xf32>
    %add3A_67 = arith.constant 4.376000e+03 : f32
    %add3A_68 = vector.broadcast %add3A_67 : f32 to vector<512x1xf32>
    %add3A_69 = arith.addf %min3A_66, %add3A_68 : vector<512x1xf32>
    %slice3A_70 = vector.extract_strided_slice %floor3A {offsets = [0, 10], sizes = [512, 1], strides = [1, 1]} : vector<512x31xf32> to vector<512x1xf32>
    %jit3A_71 = arith.constant 0.000000e+00 : f32
    %jit3A_72 = arith.constant 5.110000e+02 : f32
    %max3A_73 = vector.broadcast %jit3A_71 : f32 to vector<512x1xf32>
    %max3A_74 = arith.maximumf %max3A_73, %slice3A_70 : vector<512x1xf32>
    %min3A_75 = vector.broadcast %jit3A_72 : f32 to vector<512x1xf32>
    %min3A_76 = arith.minimumf %min3A_75, %max3A_74 : vector<512x1xf32>
    %add3A_77 = arith.constant 4.888000e+03 : f32
    %add3A_78 = vector.broadcast %add3A_77 : f32 to vector<512x1xf32>
    %add3A_79 = arith.addf %min3A_76, %add3A_78 : vector<512x1xf32>
    %broadcast_in_dim3A = arith.constant 0.000000e+00 : f32
    %broadcast_in_dim3A_80 = vector.broadcast %broadcast_in_dim3A : f32 to vector<512x1xf32>
    %concatenate3A = tpu.concatenate %add3A_9, %add3A_19, %add3A_29, %add3A_39, %add3A_49, %add3A_59, %add3A_69, %add3A_79, %broadcast_in_dim3A_80, %broadcast_in_dim3A_80, %broadcast_in_dim3A_80, %broadcast_in_dim3A_80, %broadcast_in_dim3A_80, %broadcast_in_dim3A_80, %broadcast_in_dim3A_80, %broadcast_in_dim3A_80 in 1 : vector<512x1xf32>, vector<512x1xf32>, vector<512x1xf32>, vector<512x1xf32>, vector<512x1xf32>, vector<512x1xf32>, vector<512x1xf32>, vector<512x1xf32>, vector<512x1xf32>, vector<512x1xf32>, vector<512x1xf32>, vector<512x1xf32>, vector<512x1xf32>, vector<512x1xf32>, vector<512x1xf32>, vector<512x1xf32> -> vector<512x16xf32>
    %slice3A_81 = vector.extract_strided_slice %concatenate3A {offsets = [0, 0], sizes = [128, 16], strides = [1, 1]} : vector<512x16xf32> to vector<128x16xf32>
    %transpose3A = tpu.transpose %slice3A_81, [1, 0] : vector<128x16xf32> -> vector<16x128xf32>
    %convert_element_type3A = arith.fptosi %transpose3A : vector<16x128xf32> to vector<16x128xi32>
    %swap3A = arith.constant 0 : index
    %swap3A_82 = arith.constant 0 : index
    %swap3A_83 = arith.constant 0 : index
    %swap3A_84 = vector.load %arg5[%swap3A, %swap3A_82, %swap3A_83] : memref<4x16x128xi32, #tpu.memory_space<vmem>>, vector<1x16x128xi32>
    %swap3A_85 = vector.shape_cast %swap3A_84 : vector<1x16x128xi32> to vector<16x128xi32>
    %swap3A_86 = vector.shape_cast %convert_element_type3A : vector<16x128xi32> to vector<1x16x128xi32>
    tpu.vector_store %arg5[%swap3A, %swap3A_82, %swap3A_83], %swap3A_86 {strides = array<i32>} : memref<4x16x128xi32, #tpu.memory_space<vmem>>, vector<1x16x128xi32>,
    %slice3A_87 = vector.extract_strided_slice %concatenate3A {offsets = [128, 0], sizes = [128, 16], strides = [1, 1]} : vector<512x16xf32> to vector<128x16xf32>
    %transpose3A_88 = tpu.transpose %slice3A_87, [1, 0] : vector<128x16xf32> -> vector<16x128xf32>
    %convert_element_type3A_89 = arith.fptosi %transpose3A_88 : vector<16x128xf32> to vector<16x128xi32>
    %swap3A_90 = arith.constant 1 : index
    %swap3A_91 = arith.constant 0 : index
    %swap3A_92 = arith.constant 0 : index
    %swap3A_93 = vector.load %arg5[%swap3A_90, %swap3A_91, %swap3A_92] : memref<4x16x128xi32, #tpu.memory_space<vmem>>, vector<1x16x128xi32>
    %swap3A_94 = vector.shape_cast %swap3A_93 : vector<1x16x128xi32> to vector<16x128xi32>
    %swap3A_95 = vector.shape_cast %convert_element_type3A_89 : vector<16x128xi32> to vector<1x16x128xi32>
    tpu.vector_store %arg5[%swap3A_90, %swap3A_91, %swap3A_92], %swap3A_95 {strides = array<i32>} : memref<4x16x128xi32, #tpu.memory_space<vmem>>, vector<1x16x128xi32>,
    %slice3A_96 = vector.extract_strided_slice %concatenate3A {offsets = [256, 0], sizes = [128, 16], strides = [1, 1]} : vector<512x16xf32> to vector<128x16xf32>
    %transpose3A_97 = tpu.transpose %slice3A_96, [1, 0] : vector<128x16xf32> -> vector<16x128xf32>
    %convert_element_type3A_98 = arith.fptosi %transpose3A_97 : vector<16x128xf32> to vector<16x128xi32>
    %swap3A_99 = arith.constant 2 : index
    %swap3A_100 = arith.constant 0 : index
    %swap3A_101 = arith.constant 0 : index
    %swap3A_102 = vector.load %arg5[%swap3A_99, %swap3A_100, %swap3A_101] : memref<4x16x128xi32, #tpu.memory_space<vmem>>, vector<1x16x128xi32>
    %swap3A_103 = vector.shape_cast %swap3A_102 : vector<1x16x128xi32> to vector<16x128xi32>
    %swap3A_104 = vector.shape_cast %convert_element_type3A_98 : vector<16x128xi32> to vector<1x16x128xi32>
    tpu.vector_store %arg5[%swap3A_99, %swap3A_100, %swap3A_101], %swap3A_104 {strides = array<i32>} : memref<4x16x128xi32, #tpu.memory_space<vmem>>, vector<1x16x128xi32>,
    %slice3A_105 = vector.extract_strided_slice %concatenate3A {offsets = [384, 0], sizes = [128, 16], strides = [1, 1]} : vector<512x16xf32> to vector<128x16xf32>
    %transpose3A_106 = tpu.transpose %slice3A_105, [1, 0] : vector<128x16xf32> -> vector<16x128xf32>
    %convert_element_type3A_107 = arith.fptosi %transpose3A_106 : vector<16x128xf32> to vector<16x128xi32>
    %swap3A_108 = arith.constant 3 : index
    %swap3A_109 = arith.constant 0 : index
    %swap3A_110 = arith.constant 0 : index
    %swap3A_111 = vector.load %arg5[%swap3A_108, %swap3A_109, %swap3A_110] : memref<4x16x128xi32, #tpu.memory_space<vmem>>, vector<1x16x128xi32>
    %swap3A_112 = vector.shape_cast %swap3A_111 : vector<1x16x128xi32> to vector<16x128xi32>
    %swap3A_113 = vector.shape_cast %convert_element_type3A_107 : vector<16x128xi32> to vector<1x16x128xi32>
    tpu.vector_store %arg5[%swap3A_108, %swap3A_109, %swap3A_110], %swap3A_113 {strides = array<i32>} : memref<4x16x128xi32, #tpu.memory_space<vmem>>, vector<1x16x128xi32>,
    %add3A_114 = arith.constant 1.000000e+00 : f32
    %add3A_115 = vector.broadcast %add3A_114 : f32 to vector<512x31xf32>
    %add3A_116 = arith.addf %get3A_1, %add3A_115 : vector<512x31xf32>
    %convert_element_type3A_117 = arith.fptosi %add3A_116 : vector<512x31xf32> to vector<512x31xi32>
    %get3A_118 = arith.constant 5400 : index
    %get3A_119 = arith.constant 0 : index
    %get3A_120 = vector.load %arg2[%get3A_118, %get3A_119] : memref<8248x128xbf16, #tpu.memory_space<vmem>>, vector<900x128xbf16>
    %broadcast_in_dim3A_121 = arith.constant 0.000000e+00 : f32
    %broadcast_in_dim3A_122 = vector.broadcast %broadcast_in_dim3A_121 : f32 to vector<512x1xf32>
    %broadcast_in_dim3A_123 = arith.constant 0.000000e+00 : f32
    %broadcast_in_dim3A_124 = vector.broadcast %broadcast_in_dim3A_123 : f32 to vector<512x128xf32>
    %slice3A_125 = vector.extract_strided_slice %convert_element_type3A_117 {offsets = [0, 25], sizes = [512, 1], strides = [1, 1]} : vector<512x31xi32> to vector<512x1xi32>
    %iota3A = tpu.iota {dimensions = array<i32: 1>} : vector<512x900xi32>
    %eq3A = vector.broadcast %slice3A_125 : vector<512x1xi32> to vector<512x900xi32>
    %eq3A_126 = arith.cmpi eq, %eq3A, %iota3A : vector<512x900xi32>
    %convert_element_type3A_127 = arith.extui %eq3A_126 : vector<512x900xi1> to vector<512x900xi32>
    %convert_element_type3A_128 = arith.sitofp %convert_element_type3A_127 : vector<512x900xi32> to vector<512x900xf32>
    %convert_element_type3A_129 = arith.truncf %convert_element_type3A_128 : vector<512x900xf32> to vector<512x900xbf16>
    %dot_general3A = arith.constant dense<0.000000e+00> : vector<512x128xf32>
    %dot_general3A_130 = tpu.matmul %convert_element_type3A_129, %get3A_120, %dot_general3A {dimension_numbers = #tpu.dot_dimension_numbers<[1], [0], [0], [1], [0, 0, 1, 1], [], []>, transpose_lhs_hint = false} : vector<512x900xbf16>, vector<900x128xbf16>, vector<512x128xf32> -> vector<512x128xf32>
    %swap3A_131 = arith.constant 0 : index
    %swap3A_132 = arith.constant 0 : index
    %swap3A_133 = arith.constant 0 : index
    %swap3A_134 = vector.load %arg3[%swap3A_131, %swap3A_132, %swap3A_133] : memref<512x4x128xf32, #tpu.memory_space<vmem>>, vector<512x1x128xf32>
    %swap3A_135 = vector.shape_cast %swap3A_134 : vector<512x1x128xf32> to vector<512x128xf32>
    %swap3A_136 = vector.shape_cast %dot_general3A_130 : vector<512x128xf32> to vector<512x1x128xf32>
    tpu.vector_store %arg3[%swap3A_131, %swap3A_132, %swap3A_133], %swap3A_136 {strides = array<i32>} : memref<512x4x128xf32, #tpu.memory_space<vmem>>, vector<512x1x128xf32>,
    %add3A_137 = arith.addf %broadcast_in_dim3A_124, %dot_general3A_130 : vector<512x128xf32>
    %slice3A_138 = vector.extract_strided_slice %convert_element_type3A_117 {offsets = [0, 25], sizes = [512, 1], strides = [1, 1]} : vector<512x31xi32> to vector<512x1xi32>
    %gt3A = arith.constant 0 : i32
    %gt3A_139 = vector.broadcast %gt3A : i32 to vector<512x1xi32>
    %gt3A_140 = arith.cmpi sgt, %slice3A_138, %gt3A_139 : vector<512x1xi32>
    %convert_element_type3A_141 = arith.extui %gt3A_140 : vector<512x1xi1> to vector<512x1xi32>
    %convert_element_type3A_142 = arith.sitofp %convert_element_type3A_141 : vector<512x1xi32> to vector<512x1xf32>
    %add3A_143 = arith.addf %broadcast_in_dim3A_122, %convert_element_type3A_142 : vector<512x1xf32>
    %slice3A_144 = vector.extract_strided_slice %convert_element_type3A_117 {offsets = [0, 26], sizes = [512, 1], strides = [1, 1]} : vector<512x31xi32> to vector<512x1xi32>
    %iota3A_145 = tpu.iota {dimensions = array<i32: 1>} : vector<512x900xi32>
    %eq3A_146 = vector.broadcast %slice3A_144 : vector<512x1xi32> to vector<512x900xi32>
    %eq3A_147 = arith.cmpi eq, %eq3A_146, %iota3A_145 : vector<512x900xi32>
    %convert_element_type3A_148 = arith.extui %eq3A_147 : vector<512x900xi1> to vector<512x900xi32>
    %convert_element_type3A_149 = arith.sitofp %convert_element_type3A_148 : vector<512x900xi32> to vector<512x900xf32>
    %convert_element_type3A_150 = arith.truncf %convert_element_type3A_149 : vector<512x900xf32> to vector<512x900xbf16>
    %dot_general3A_151 = arith.constant dense<0.000000e+00> : vector<512x128xf32>
    %dot_general3A_152 = tpu.matmul %convert_element_type3A_150, %get3A_120, %dot_general3A_151 {dimension_numbers = #tpu.dot_dimension_numbers<[1], [0], [0], [1], [0, 0, 1, 1], [], []>, transpose_lhs_hint = false} : vector<512x900xbf16>, vector<900x128xbf16>, vector<512x128xf32> -> vector<512x128xf32>
    %swap3A_153 = arith.constant 0 : index
    %swap3A_154 = arith.constant 1 : index
    %swap3A_155 = arith.constant 0 : index
    %swap3A_156 = vector.load %arg3[%swap3A_153, %swap3A_154, %swap3A_155] : memref<512x4x128xf32, #tpu.memory_space<vmem>>, vector<512x1x128xf32>
    %swap3A_157 = vector.shape_cast %swap3A_156 : vector<512x1x128xf32> to vector<512x128xf32>
    %swap3A_158 = vector.shape_cast %dot_general3A_152 : vector<512x128xf32> to vector<512x1x128xf32>
    tpu.vector_store %arg3[%swap3A_153, %swap3A_154, %swap3A_155], %swap3A_158 {strides = array<i32>} : memref<512x4x128xf32, #tpu.memory_space<vmem>>, vector<512x1x128xf32>,
    %add3A_159 = arith.addf %add3A_137, %dot_general3A_152 : vector<512x128xf32>
    %slice3A_160 = vector.extract_strided_slice %convert_element_type3A_117 {offsets = [0, 26], sizes = [512, 1], strides = [1, 1]} : vector<512x31xi32> to vector<512x1xi32>
    %gt3A_161 = arith.constant 0 : i32
    %gt3A_162 = vector.broadcast %gt3A_161 : i32 to vector<512x1xi32>
    %gt3A_163 = arith.cmpi sgt, %slice3A_160, %gt3A_162 : vector<512x1xi32>
    %convert_element_type3A_164 = arith.extui %gt3A_163 : vector<512x1xi1> to vector<512x1xi32>
    %convert_element_type3A_165 = arith.sitofp %convert_element_type3A_164 : vector<512x1xi32> to vector<512x1xf32>
    %add3A_166 = arith.addf %add3A_143, %convert_element_type3A_165 : vector<512x1xf32>
    %slice3A_167 = vector.extract_strided_slice %convert_element_type3A_117 {offsets = [0, 27], sizes = [512, 1], strides = [1, 1]} : vector<512x31xi32> to vector<512x1xi32>
    %iota3A_168 = tpu.iota {dimensions = array<i32: 1>} : vector<512x900xi32>
    %eq3A_169 = vector.broadcast %slice3A_167 : vector<512x1xi32> to vector<512x900xi32>
    %eq3A_170 = arith.cmpi eq, %eq3A_169, %iota3A_168 : vector<512x900xi32>
    %convert_element_type3A_171 = arith.extui %eq3A_170 : vector<512x900xi1> to vector<512x900xi32>
    %convert_element_type3A_172 = arith.sitofp %convert_element_type3A_171 : vector<512x900xi32> to vector<512x900xf32>
    %convert_element_type3A_173 = arith.truncf %convert_element_type3A_172 : vector<512x900xf32> to vector<512x900xbf16>
    %dot_general3A_174 = arith.constant dense<0.000000e+00> : vector<512x128xf32>
    %dot_general3A_175 = tpu.matmul %convert_element_type3A_173, %get3A_120, %dot_general3A_174 {dimension_numbers = #tpu.dot_dimension_numbers<[1], [0], [0], [1], [0, 0, 1, 1], [], []>, transpose_lhs_hint = false} : vector<512x900xbf16>, vector<900x128xbf16>, vector<512x128xf32> -> vector<512x128xf32>
    %swap3A_176 = arith.constant 0 : index
    %swap3A_177 = arith.constant 2 : index
    %swap3A_178 = arith.constant 0 : index
    %swap3A_179 = vector.load %arg3[%swap3A_176, %swap3A_177, %swap3A_178] : memref<512x4x128xf32, #tpu.memory_space<vmem>>, vector<512x1x128xf32>
    %swap3A_180 = vector.shape_cast %swap3A_179 : vector<512x1x128xf32> to vector<512x128xf32>
    %swap3A_181 = vector.shape_cast %dot_general3A_175 : vector<512x128xf32> to vector<512x1x128xf32>
    tpu.vector_store %arg3[%swap3A_176, %swap3A_177, %swap3A_178], %swap3A_181 {strides = array<i32>} : memref<512x4x128xf32, #tpu.memory_space<vmem>>, vector<512x1x128xf32>,
    %add3A_182 = arith.addf %add3A_159, %dot_general3A_175 : vector<512x128xf32>
    %slice3A_183 = vector.extract_strided_slice %convert_element_type3A_117 {offsets = [0, 27], sizes = [512, 1], strides = [1, 1]} : vector<512x31xi32> to vector<512x1xi32>
    %gt3A_184 = arith.constant 0 : i32
    %gt3A_185 = vector.broadcast %gt3A_184 : i32 to vector<512x1xi32>
    %gt3A_186 = arith.cmpi sgt, %slice3A_183, %gt3A_185 : vector<512x1xi32>
    %convert_element_type3A_187 = arith.extui %gt3A_186 : vector<512x1xi1> to vector<512x1xi32>
    %convert_element_type3A_188 = arith.sitofp %convert_element_type3A_187 : vector<512x1xi32> to vector<512x1xf32>
    %add3A_189 = arith.addf %add3A_166, %convert_element_type3A_188 : vector<512x1xf32>
    %slice3A_190 = vector.extract_strided_slice %convert_element_type3A_117 {offsets = [0, 28], sizes = [512, 1], strides = [1, 1]} : vector<512x31xi32> to vector<512x1xi32>
    %iota3A_191 = tpu.iota {dimensions = array<i32: 1>} : vector<512x900xi32>
    %eq3A_192 = vector.broadcast %slice3A_190 : vector<512x1xi32> to vector<512x900xi32>
    %eq3A_193 = arith.cmpi eq, %eq3A_192, %iota3A_191 : vector<512x900xi32>
    %convert_element_type3A_194 = arith.extui %eq3A_193 : vector<512x900xi1> to vector<512x900xi32>
    %convert_element_type3A_195 = arith.sitofp %convert_element_type3A_194 : vector<512x900xi32> to vector<512x900xf32>
    %convert_element_type3A_196 = arith.truncf %convert_element_type3A_195 : vector<512x900xf32> to vector<512x900xbf16>
    %dot_general3A_197 = arith.constant dense<0.000000e+00> : vector<512x128xf32>
    %dot_general3A_198 = tpu.matmul %convert_element_type3A_196, %get3A_120, %dot_general3A_197 {dimension_numbers = #tpu.dot_dimension_numbers<[1], [0], [0], [1], [0, 0, 1, 1], [], []>, transpose_lhs_hint = false} : vector<512x900xbf16>, vector<900x128xbf16>, vector<512x128xf32> -> vector<512x128xf32>
    %swap3A_199 = arith.constant 0 : index
    %swap3A_200 = arith.constant 3 : index
    %swap3A_201 = arith.constant 0 : index
    %swap3A_202 = vector.load %arg3[%swap3A_199, %swap3A_200, %swap3A_201] : memref<512x4x128xf32, #tpu.memory_space<vmem>>, vector<512x1x128xf32>
    %swap3A_203 = vector.shape_cast %swap3A_202 : vector<512x1x128xf32> to vector<512x128xf32>
    %swap3A_204 = vector.shape_cast %dot_general3A_198 : vector<512x128xf32> to vector<512x1x128xf32>
    tpu.vector_store %arg3[%swap3A_199, %swap3A_200, %swap3A_201], %swap3A_204 {strides = array<i32>} : memref<512x4x128xf32, #tpu.memory_space<vmem>>, vector<512x1x128xf32>,
    %add3A_205 = arith.addf %add3A_182, %dot_general3A_198 : vector<512x128xf32>
    %slice3A_206 = vector.extract_strided_slice %convert_element_type3A_117 {offsets = [0, 28], sizes = [512, 1], strides = [1, 1]} : vector<512x31xi32> to vector<512x1xi32>
    %gt3A_207 = arith.constant 0 : i32
    %gt3A_208 = vector.broadcast %gt3A_207 : i32 to vector<512x1xi32>
    %gt3A_209 = arith.cmpi sgt, %slice3A_206, %gt3A_208 : vector<512x1xi32>
    %convert_element_type3A_210 = arith.extui %gt3A_209 : vector<512x1xi1> to vector<512x1xi32>
    %convert_element_type3A_211 = arith.sitofp %convert_element_type3A_210 : vector<512x1xi32> to vector<512x1xf32>
    %add3A_212 = arith.addf %add3A_189, %convert_element_type3A_211 : vector<512x1xf32>
    %max3A_213 = arith.constant 1.000000e+00 : f32
    %max3A_214 = vector.broadcast %max3A_213 : f32 to vector<512x1xf32>
    %max3A_215 = arith.maximumf %add3A_212, %max3A_214 : vector<512x1xf32>
    %div3A = vector.broadcast %max3A_215 : vector<512x1xf32> to vector<512x128xf32>
    %div3A_216 = arith.divf %add3A_205, %div3A : vector<512x128xf32>
    %slice3A_217 = vector.extract_strided_slice %convert_element_type3A_117 {offsets = [0, 24], sizes = [512, 1], strides = [1, 1]} : vector<512x31xi32> to vector<512x1xi32>
    %iota3A_218 = tpu.iota {dimensions = array<i32: 1>} : vector<512x900xi32>
    %eq3A_219 = vector.broadcast %slice3A_217 : vector<512x1xi32> to vector<512x900xi32>
    %eq3A_220 = arith.cmpi eq, %eq3A_219, %iota3A_218 : vector<512x900xi32>
    %convert_element_type3A_221 = arith.extui %eq3A_220 : vector<512x900xi1> to vector<512x900xi32>
    %convert_element_type3A_222 = arith.sitofp %convert_element_type3A_221 : vector<512x900xi32> to vector<512x900xf32>
    %convert_element_type3A_223 = arith.truncf %convert_element_type3A_222 : vector<512x900xf32> to vector<512x900xbf16>
    %get3A_224 = arith.constant 6304 : index
    %get3A_225 = arith.constant 0 : index
    %get3A_226 = vector.load %arg2[%get3A_224, %get3A_225] : memref<8248x128xbf16, #tpu.memory_space<vmem>>, vector<900x128xbf16>
    %dot_general3A_227 = arith.constant dense<0.000000e+00> : vector<512x128xf32>
    %dot_general3A_228 = tpu.matmul %convert_element_type3A_223, %get3A_226, %dot_general3A_227 {dimension_numbers = #tpu.dot_dimension_numbers<[1], [0], [0], [1], [0, 0, 1, 1], [], []>, transpose_lhs_hint = false} : vector<512x900xbf16>, vector<900x128xbf16>, vector<512x128xf32> -> vector<512x128xf32>
    %add3A_229 = arith.addf %div3A_216, %dot_general3A_228 : vector<512x128xf32>
    %slice3A_230 = vector.extract_strided_slice %convert_element_type3A_117 {offsets = [0, 17], sizes = [512, 1], strides = [1, 1]} : vector<512x31xi32> to vector<512x1xi32>
    %iota3A_231 = tpu.iota {dimensions = array<i32: 1>} : vector<512x500xi32>
    %eq3A_232 = vector.broadcast %slice3A_230 : vector<512x1xi32> to vector<512x500xi32>
    %eq3A_233 = arith.cmpi eq, %eq3A_232, %iota3A_231 : vector<512x500xi32>
    %convert_element_type3A_234 = arith.extui %eq3A_233 : vector<512x500xi1> to vector<512x500xi32>
    %convert_element_type3A_235 = arith.sitofp %convert_element_type3A_234 : vector<512x500xi32> to vector<512x500xf32>
    %convert_element_type3A_236 = arith.truncf %convert_element_type3A_235 : vector<512x500xf32> to vector<512x500xbf16>
    %get3A_237 = arith.constant 7208 : index
    %get3A_238 = arith.constant 0 : index
    %get3A_239 = vector.load %arg2[%get3A_237, %get3A_238] : memref<8248x128xbf16, #tpu.memory_space<vmem>>, vector<500x128xbf16>
    %dot_general3A_240 = arith.constant dense<0.000000e+00> : vector<512x128xf32>
    %dot_general3A_241 = tpu.matmul %convert_element_type3A_236, %get3A_239, %dot_general3A_240 {dimension_numbers = #tpu.dot_dimension_numbers<[1], [0], [0], [1], [0, 0, 1, 1], [], []>, transpose_lhs_hint = false} : vector<512x500xbf16>, vector<500x128xbf16>, vector<512x128xf32> -> vector<512x128xf32>
    %add3A_242 = arith.addf %add3A_229, %dot_general3A_241 : vector<512x128xf32>
    %swap3A_243 = arith.constant 0 : index
    %swap3A_244 = arith.constant 0 : index
    %swap3A_245 = vector.load %arg4[%swap3A_243, %swap3A_244] : memref<512x128xf32, #tpu.memory_space<vmem>>, vector<512x128xf32>
    tpu.vector_store %arg4[%swap3A_243, %swap3A_244], %add3A_242 {strides = array<i32>} : memref<512x128xf32, #tpu.memory_space<vmem>>, vector<512x128xf32>,
    return
  }
  func.func @transform_0(%arg0: i32) -> (i32, i32) {
    %c0_i32 = arith.constant 0 : i32
    %c0_i32_0 = arith.constant 0 : i32
    return %arg0, %c0_i32 : i32, i32
  }
  func.func @transform_1(%arg0: i32) -> (i32, i32) {
    %c0_i32 = arith.constant 0 : i32
    %c0_i32_0 = arith.constant 0 : i32
    %c0_i32_1 = arith.constant 0 : i32
    return %c0_i32, %c0_i32_0 : i32, i32
  }
  func.func @transform_2(%arg0: i32) -> (i32, i32, i32) {
    %c0_i32 = arith.constant 0 : i32
    %c0_i32_0 = arith.constant 0 : i32
    %c0_i32_1 = arith.constant 0 : i32
    return %arg0, %c0_i32, %c0_i32_0 : i32, i32, i32
  }
  func.func @transform_3(%arg0: i32) -> (i32, i32) {
    %c0_i32 = arith.constant 0 : i32
    %c0_i32_0 = arith.constant 0 : i32
    return %arg0, %c0_i32 : i32, i32
  }
  func.func @transform_4(%arg0: i32) -> (i32, i32, i32) {
    %c0_i32 = arith.constant 0 : i32
    %c0_i32_0 = arith.constant 0 : i32
    %c0_i32_1 = arith.constant 0 : i32
    return %arg0, %c0_i32, %c0_i32_0 : i32, i32, i32
  }
}

module attributes {stable_mosaic.version = 14 : i64} {
  func.func @_fin_body(%arg0: i32, %arg1: memref<512x31xf32, #tpu.memory_space<vmem>>, %arg2: memref<512x128xf32, #tpu.memory_space<vmem>>, %arg3: memref<512x128xf32, #tpu.memory_space<vmem>>, %arg4: memref<8248x128xbf16, #tpu.memory_space<vmem>>, %arg5: memref<128x128xbf16, #tpu.memory_space<vmem>>, %arg6: memref<1x128xf32, #tpu.memory_space<vmem>>, %arg7: memref<1x128xf32, #tpu.memory_space<vmem>>, %arg8: memref<1x128xf32, #tpu.memory_space<vmem>>, %arg9: memref<128x128xbf16, #tpu.memory_space<vmem>>, %arg10: memref<1x128xf32, #tpu.memory_space<vmem>>, %arg11: memref<512x128xf32, #tpu.memory_space<vmem>>) attributes {dimension_semantics = [#tpu.dimension_semantics<arbitrary>], iteration_bounds = array<i64: 288>, scalar_prefetch = 0 : i64, scratch_operands = 0 : i64, tpu.core_type = #tpu.core_type<tc>, window_params = [{transform_indices = @transform_0, window_bounds = array<i64: 512, 31>}, {transform_indices = @transform_1, window_bounds = array<i64: 512, 128>}, {transform_indices = @transform_2, window_bounds = array<i64: 512, 128>}, {pipeline_mode = #tpu.pipeline_mode<synchronous>, transform_indices = @transform_3, window_bounds = array<i64: 8248, 128>}, {pipeline_mode = #tpu.pipeline_mode<synchronous>, transform_indices = @transform_4, window_bounds = array<i64: 128, 128>}, {pipeline_mode = #tpu.pipeline_mode<synchronous>, transform_indices = @transform_5, window_bounds = array<i64: 1, 128>}, {pipeline_mode = #tpu.pipeline_mode<synchronous>, transform_indices = @transform_6, window_bounds = array<i64: 1, 128>}, {pipeline_mode = #tpu.pipeline_mode<synchronous>, transform_indices = @transform_7, window_bounds = array<i64: 1, 128>}, {pipeline_mode = #tpu.pipeline_mode<synchronous>, transform_indices = @transform_8, window_bounds = array<i64: 128, 128>}, {pipeline_mode = #tpu.pipeline_mode<synchronous>, transform_indices = @transform_9, window_bounds = array<i64: 1, 128>}, {transform_indices = @transform_10, window_bounds = array<i64: 512, 128>}]} {
    %get3A = arith.constant 0 : index
    %get3A_0 = arith.constant 0 : index
    %get3A_1 = vector.load %arg1[%get3A, %get3A_0] : memref<512x31xf32, #tpu.memory_space<vmem>>, vector<512x31xf32>
    %add3A = arith.constant 1.000000e+00 : f32
    %add3A_2 = vector.broadcast %add3A : f32 to vector<512x31xf32>
    %add3A_3 = arith.addf %get3A_1, %add3A_2 : vector<512x31xf32>
    %convert_element_type3A = arith.fptosi %add3A_3 : vector<512x31xf32> to vector<512x31xi32>
    %iota3A = tpu.iota {dimensions = array<i32: 1>} : vector<512x232xi32>
    %broadcast_in_dim3A = arith.constant 0.000000e+00 : f32
    %broadcast_in_dim3A_4 = vector.broadcast %broadcast_in_dim3A : f32 to vector<512x232xf32>
    %slice3A = vector.extract_strided_slice %convert_element_type3A {offsets = [0, 21], sizes = [512, 1], strides = [1, 1]} : vector<512x31xi32> to vector<512x1xi32>
    %add3A_5 = arith.constant 0 : i32
    %add3A_6 = vector.broadcast %add3A_5 : i32 to vector<512x1xi32>
    %add3A_7 = arith.addi %slice3A, %add3A_6 : vector<512x1xi32>
    %eq3A = vector.broadcast %add3A_7 : vector<512x1xi32> to vector<512x232xi32>
    %eq3A_8 = arith.cmpi eq, %iota3A, %eq3A : vector<512x232xi32>
    %convert_element_type3A_9 = arith.extui %eq3A_8 : vector<512x232xi1> to vector<512x232xi32>
    %convert_element_type3A_10 = arith.sitofp %convert_element_type3A_9 : vector<512x232xi32> to vector<512x232xf32>
    %add3A_11 = arith.addf %broadcast_in_dim3A_4, %convert_element_type3A_10 : vector<512x232xf32>
    %slice3A_12 = vector.extract_strided_slice %convert_element_type3A {offsets = [0, 22], sizes = [512, 1], strides = [1, 1]} : vector<512x31xi32> to vector<512x1xi32>
    %add3A_13 = arith.constant 8 : i32
    %add3A_14 = vector.broadcast %add3A_13 : i32 to vector<512x1xi32>
    %add3A_15 = arith.addi %slice3A_12, %add3A_14 : vector<512x1xi32>
    %eq3A_16 = vector.broadcast %add3A_15 : vector<512x1xi32> to vector<512x232xi32>
    %eq3A_17 = arith.cmpi eq, %iota3A, %eq3A_16 : vector<512x232xi32>
    %convert_element_type3A_18 = arith.extui %eq3A_17 : vector<512x232xi1> to vector<512x232xi32>
    %convert_element_type3A_19 = arith.sitofp %convert_element_type3A_18 : vector<512x232xi32> to vector<512x232xf32>
    %add3A_20 = arith.addf %add3A_11, %convert_element_type3A_19 : vector<512x232xf32>
    %slice3A_21 = vector.extract_strided_slice %convert_element_type3A {offsets = [0, 23], sizes = [512, 1], strides = [1, 1]} : vector<512x31xi32> to vector<512x1xi32>
    %add3A_22 = arith.constant 12 : i32
    %add3A_23 = vector.broadcast %add3A_22 : i32 to vector<512x1xi32>
    %add3A_24 = arith.addi %slice3A_21, %add3A_23 : vector<512x1xi32>
    %eq3A_25 = vector.broadcast %add3A_24 : vector<512x1xi32> to vector<512x232xi32>
    %eq3A_26 = arith.cmpi eq, %iota3A, %eq3A_25 : vector<512x232xi32>
    %convert_element_type3A_27 = arith.extui %eq3A_26 : vector<512x232xi1> to vector<512x232xi32>
    %convert_element_type3A_28 = arith.sitofp %convert_element_type3A_27 : vector<512x232xi32> to vector<512x232xf32>
    %add3A_29 = arith.addf %add3A_20, %convert_element_type3A_28 : vector<512x232xf32>
    %slice3A_30 = vector.extract_strided_slice %convert_element_type3A {offsets = [0, 19], sizes = [512, 1], strides = [1, 1]} : vector<512x31xi32> to vector<512x1xi32>
    %add3A_31 = arith.constant 28 : i32
    %add3A_32 = vector.broadcast %add3A_31 : i32 to vector<512x1xi32>
    %add3A_33 = arith.addi %slice3A_30, %add3A_32 : vector<512x1xi32>
    %eq3A_34 = vector.broadcast %add3A_33 : vector<512x1xi32> to vector<512x232xi32>
    %eq3A_35 = arith.cmpi eq, %iota3A, %eq3A_34 : vector<512x232xi32>
    %convert_element_type3A_36 = arith.extui %eq3A_35 : vector<512x232xi1> to vector<512x232xi32>
    %convert_element_type3A_37 = arith.sitofp %convert_element_type3A_36 : vector<512x232xi32> to vector<512x232xf32>
    %add3A_38 = arith.addf %add3A_29, %convert_element_type3A_37 : vector<512x232xf32>
    %slice3A_39 = vector.extract_strided_slice %convert_element_type3A {offsets = [0, 1], sizes = [512, 1], strides = [1, 1]} : vector<512x31xi32> to vector<512x1xi32>
    %add3A_40 = arith.constant 47 : i32
    %add3A_41 = vector.broadcast %add3A_40 : i32 to vector<512x1xi32>
    %add3A_42 = arith.addi %slice3A_39, %add3A_41 : vector<512x1xi32>
    %eq3A_43 = vector.broadcast %add3A_42 : vector<512x1xi32> to vector<512x232xi32>
    %eq3A_44 = arith.cmpi eq, %iota3A, %eq3A_43 : vector<512x232xi32>
    %convert_element_type3A_45 = arith.extui %eq3A_44 : vector<512x232xi1> to vector<512x232xi32>
    %convert_element_type3A_46 = arith.sitofp %convert_element_type3A_45 : vector<512x232xi32> to vector<512x232xf32>
    %add3A_47 = arith.addf %add3A_38, %convert_element_type3A_46 : vector<512x232xf32>
    %slice3A_48 = vector.extract_strided_slice %convert_element_type3A {offsets = [0, 12], sizes = [512, 1], strides = [1, 1]} : vector<512x31xi32> to vector<512x1xi32>
    %add3A_49 = arith.constant 97 : i32
    %add3A_50 = vector.broadcast %add3A_49 : i32 to vector<512x1xi32>
    %add3A_51 = arith.addi %slice3A_48, %add3A_50 : vector<512x1xi32>
    %eq3A_52 = vector.broadcast %add3A_51 : vector<512x1xi32> to vector<512x232xi32>
    %eq3A_53 = arith.cmpi eq, %iota3A, %eq3A_52 : vector<512x232xi32>
    %convert_element_type3A_54 = arith.extui %eq3A_53 : vector<512x232xi1> to vector<512x232xi32>
    %convert_element_type3A_55 = arith.sitofp %convert_element_type3A_54 : vector<512x232xi32> to vector<512x232xf32>
    %add3A_56 = arith.addf %add3A_47, %convert_element_type3A_55 : vector<512x232xf32>
    %slice3A_57 = vector.extract_strided_slice %convert_element_type3A {offsets = [0, 11], sizes = [512, 1], strides = [1, 1]} : vector<512x31xi32> to vector<512x1xi32>
    %add3A_58 = arith.constant 100 : i32
    %add3A_59 = vector.broadcast %add3A_58 : i32 to vector<512x1xi32>
    %add3A_60 = arith.addi %slice3A_57, %add3A_59 : vector<512x1xi32>
    %eq3A_61 = vector.broadcast %add3A_60 : vector<512x1xi32> to vector<512x232xi32>
    %eq3A_62 = arith.cmpi eq, %iota3A, %eq3A_61 : vector<512x232xi32>
    %convert_element_type3A_63 = arith.extui %eq3A_62 : vector<512x232xi1> to vector<512x232xi32>
    %convert_element_type3A_64 = arith.sitofp %convert_element_type3A_63 : vector<512x232xi32> to vector<512x232xf32>
    %add3A_65 = arith.addf %add3A_56, %convert_element_type3A_64 : vector<512x232xf32>
    %slice3A_66 = vector.extract_strided_slice %convert_element_type3A {offsets = [0, 14], sizes = [512, 1], strides = [1, 1]} : vector<512x31xi32> to vector<512x1xi32>
    %add3A_67 = arith.constant 103 : i32
    %add3A_68 = vector.broadcast %add3A_67 : i32 to vector<512x1xi32>
    %add3A_69 = arith.addi %slice3A_66, %add3A_68 : vector<512x1xi32>
    %eq3A_70 = vector.broadcast %add3A_69 : vector<512x1xi32> to vector<512x232xi32>
    %eq3A_71 = arith.cmpi eq, %iota3A, %eq3A_70 : vector<512x232xi32>
    %convert_element_type3A_72 = arith.extui %eq3A_71 : vector<512x232xi1> to vector<512x232xi32>
    %convert_element_type3A_73 = arith.sitofp %convert_element_type3A_72 : vector<512x232xi32> to vector<512x232xf32>
    %add3A_74 = arith.addf %add3A_65, %convert_element_type3A_73 : vector<512x232xf32>
    %slice3A_75 = vector.extract_strided_slice %convert_element_type3A {offsets = [0, 13], sizes = [512, 1], strides = [1, 1]} : vector<512x31xi32> to vector<512x1xi32>
    %add3A_76 = arith.constant 107 : i32
    %add3A_77 = vector.broadcast %add3A_76 : i32 to vector<512x1xi32>
    %add3A_78 = arith.addi %slice3A_75, %add3A_77 : vector<512x1xi32>
    %eq3A_79 = vector.broadcast %add3A_78 : vector<512x1xi32> to vector<512x232xi32>
    %eq3A_80 = arith.cmpi eq, %iota3A, %eq3A_79 : vector<512x232xi32>
    %convert_element_type3A_81 = arith.extui %eq3A_80 : vector<512x232xi1> to vector<512x232xi32>
    %convert_element_type3A_82 = arith.sitofp %convert_element_type3A_81 : vector<512x232xi32> to vector<512x232xf32>
    %add3A_83 = arith.addf %add3A_74, %convert_element_type3A_82 : vector<512x232xf32>
    %slice3A_84 = vector.extract_strided_slice %convert_element_type3A {offsets = [0, 30], sizes = [512, 1], strides = [1, 1]} : vector<512x31xi32> to vector<512x1xi32>
    %add3A_85 = arith.constant 209 : i32
    %add3A_86 = vector.broadcast %add3A_85 : i32 to vector<512x1xi32>
    %add3A_87 = arith.addi %slice3A_84, %add3A_86 : vector<512x1xi32>
    %eq3A_88 = vector.broadcast %add3A_87 : vector<512x1xi32> to vector<512x232xi32>
    %eq3A_89 = arith.cmpi eq, %iota3A, %eq3A_88 : vector<512x232xi32>
    %convert_element_type3A_90 = arith.extui %eq3A_89 : vector<512x232xi1> to vector<512x232xi32>
    %convert_element_type3A_91 = arith.sitofp %convert_element_type3A_90 : vector<512x232xi32> to vector<512x232xf32>
    %add3A_92 = arith.addf %add3A_83, %convert_element_type3A_91 : vector<512x232xf32>
    %slice3A_93 = vector.extract_strided_slice %convert_element_type3A {offsets = [0, 29], sizes = [512, 1], strides = [1, 1]} : vector<512x31xi32> to vector<512x1xi32>
    %gt3A = arith.constant 0 : i32
    %gt3A_94 = vector.broadcast %gt3A : i32 to vector<512x1xi32>
    %gt3A_95 = arith.cmpi sgt, %slice3A_93, %gt3A_94 : vector<512x1xi32>
    %convert_element_type3A_96 = arith.extui %gt3A_95 : vector<512x1xi1> to vector<512x1xi32>
    %add3A_97 = arith.constant 229 : i32
    %add3A_98 = vector.broadcast %add3A_97 : i32 to vector<512x1xi32>
    %add3A_99 = arith.addi %convert_element_type3A_96, %add3A_98 : vector<512x1xi32>
    %eq3A_100 = vector.broadcast %add3A_99 : vector<512x1xi32> to vector<512x232xi32>
    %eq3A_101 = arith.cmpi eq, %iota3A, %eq3A_100 : vector<512x232xi32>
    %convert_element_type3A_102 = arith.extui %eq3A_101 : vector<512x232xi1> to vector<512x232xi32>
    %convert_element_type3A_103 = arith.sitofp %convert_element_type3A_102 : vector<512x232xi32> to vector<512x232xf32>
    %add3A_104 = arith.addf %add3A_92, %convert_element_type3A_103 : vector<512x232xf32>
    %eq3A_105 = arith.constant 231 : i32
    %eq3A_106 = vector.broadcast %eq3A_105 : i32 to vector<512x232xi32>
    %eq3A_107 = arith.cmpi eq, %iota3A, %eq3A_106 : vector<512x232xi32>
    %convert_element_type3A_108 = arith.extui %eq3A_107 : vector<512x232xi1> to vector<512x232xi32>
    %convert_element_type3A_109 = arith.sitofp %convert_element_type3A_108 : vector<512x232xi32> to vector<512x232xf32>
    %slice3A_110 = vector.extract_strided_slice %get3A_1 {offsets = [0, 5], sizes = [512, 1], strides = [1, 1]} : vector<512x31xf32> to vector<512x1xf32>
    %mul3A = vector.broadcast %slice3A_110 : vector<512x1xf32> to vector<512x232xf32>
    %mul3A_111 = arith.mulf %convert_element_type3A_109, %mul3A : vector<512x232xf32>
    %add3A_112 = arith.addf %add3A_104, %mul3A_111 : vector<512x232xf32>
    %convert_element_type3A_113 = arith.truncf %add3A_112 : vector<512x232xf32> to vector<512x232xbf16>
    %get3A_114 = arith.constant 8016 : index
    %get3A_115 = arith.constant 0 : index
    %get3A_116 = vector.load %arg4[%get3A_114, %get3A_115] : memref<8248x128xbf16, #tpu.memory_space<vmem>>, vector<232x128xbf16>
    %dot_general3A = arith.constant dense<0.000000e+00> : vector<512x128xf32>
    %dot_general3A_117 = tpu.matmul %convert_element_type3A_113, %get3A_116, %dot_general3A {dimension_numbers = #tpu.dot_dimension_numbers<[1], [0], [0], [1], [0, 0, 1, 1], [], []>, transpose_lhs_hint = false} : vector<512x232xbf16>, vector<232x128xbf16>, vector<512x128xf32> -> vector<512x128xf32>
    %slice3A_118 = vector.extract_strided_slice %convert_element_type3A {offsets = [0, 15], sizes = [512, 1], strides = [1, 1]} : vector<512x31xi32> to vector<512x1xi32>
    %iota3A_119 = tpu.iota {dimensions = array<i32: 1>} : vector<512x300xi32>
    %eq3A_120 = vector.broadcast %slice3A_118 : vector<512x1xi32> to vector<512x300xi32>
    %eq3A_121 = arith.cmpi eq, %eq3A_120, %iota3A_119 : vector<512x300xi32>
    %convert_element_type3A_122 = arith.extui %eq3A_121 : vector<512x300xi1> to vector<512x300xi32>
    %convert_element_type3A_123 = arith.sitofp %convert_element_type3A_122 : vector<512x300xi32> to vector<512x300xf32>
    %convert_element_type3A_124 = arith.truncf %convert_element_type3A_123 : vector<512x300xf32> to vector<512x300xbf16>
    %get3A_125 = arith.constant 7712 : index
    %get3A_126 = arith.constant 0 : index
    %get3A_127 = vector.load %arg4[%get3A_125, %get3A_126] : memref<8248x128xbf16, #tpu.memory_space<vmem>>, vector<300x128xbf16>
    %dot_general3A_128 = arith.constant dense<0.000000e+00> : vector<512x128xf32>
    %dot_general3A_129 = tpu.matmul %convert_element_type3A_124, %get3A_127, %dot_general3A_128 {dimension_numbers = #tpu.dot_dimension_numbers<[1], [0], [0], [1], [0, 0, 1, 1], [], []>, transpose_lhs_hint = false} : vector<512x300xbf16>, vector<300x128xbf16>, vector<512x128xf32> -> vector<512x128xf32>
    %add3A_130 = arith.addf %dot_general3A_117, %dot_general3A_129 : vector<512x128xf32>
    %get3A_131 = arith.constant 0 : index
    %get3A_132 = arith.constant 0 : index
    %get3A_133 = vector.load %arg2[%get3A_131, %get3A_132] : memref<512x128xf32, #tpu.memory_space<vmem>>, vector<512x128xf32>
    %get3A_134 = arith.constant 0 : index
    %get3A_135 = arith.constant 0 : index
    %get3A_136 = vector.load %arg3[%get3A_134, %get3A_135] : memref<512x128xf32, #tpu.memory_space<vmem>>, vector<512x128xf32>
    %add3A_137 = arith.addf %get3A_133, %get3A_136 : vector<512x128xf32>
    %add3A_138 = arith.addf %add3A_130, %add3A_137 : vector<512x128xf32>
    %convert_element_type3A_139 = arith.truncf %add3A_138 : vector<512x128xf32> to vector<512x128xbf16>
    %get3A_140 = arith.constant 0 : index
    %get3A_141 = arith.constant 0 : index
    %get3A_142 = vector.load %arg5[%get3A_140, %get3A_141] : memref<128x128xbf16, #tpu.memory_space<vmem>>, vector<128x128xbf16>
    %dot_general3A_143 = arith.constant dense<0.000000e+00> : vector<512x128xf32>
    %dot_general3A_144 = tpu.matmul %convert_element_type3A_139, %get3A_142, %dot_general3A_143 {dimension_numbers = #tpu.dot_dimension_numbers<[1], [0], [0], [1], [0, 0, 1, 1], [], []>, transpose_lhs_hint = false} : vector<512x128xbf16>, vector<128x128xbf16>, vector<512x128xf32> -> vector<512x128xf32>
    %get3A_145 = arith.constant 0 : index
    %get3A_146 = arith.constant 0 : index
    %get3A_147 = vector.load %arg6[%get3A_145, %get3A_146] : memref<1x128xf32, #tpu.memory_space<vmem>>, vector<1x128xf32>
    %add3A_148 = vector.broadcast %get3A_147 : vector<1x128xf32> to vector<512x128xf32>
    %add3A_149 = arith.addf %dot_general3A_144, %add3A_148 : vector<512x128xf32>
    %max3A = arith.constant 0.000000e+00 : f32
    %max3A_150 = vector.broadcast %max3A : f32 to vector<512x128xf32>
    %max3A_151 = arith.maximumf %add3A_149, %max3A_150 : vector<512x128xf32>
    %reduce_sum3A = arith.constant dense<0.000000e+00> : vector<512xf32>
    %reduce_sum3A_152 = vector.multi_reduction <add>, %max3A_151, %reduce_sum3A [1] : vector<512x128xf32> to vector<512xf32>
    %broadcast_in_dim3A_153 = vector.shape_cast %reduce_sum3A_152 : vector<512xf32> to vector<512x1xf32>
    %div3A = arith.constant 1.280000e+02 : f32
    %div3A_154 = vector.broadcast %div3A : f32 to vector<512x1xf32>
    %div3A_155 = arith.divf %broadcast_in_dim3A_153, %div3A_154 : vector<512x1xf32>
    %sub3A = vector.broadcast %div3A_155 : vector<512x1xf32> to vector<512x128xf32>
    %sub3A_156 = arith.subf %max3A_151, %sub3A : vector<512x128xf32>
    %integer_pow3A = arith.mulf %sub3A_156, %sub3A_156 : vector<512x128xf32>
    %reduce_sum3A_157 = arith.constant dense<0.000000e+00> : vector<512xf32>
    %reduce_sum3A_158 = vector.multi_reduction <add>, %integer_pow3A, %reduce_sum3A_157 [1] : vector<512x128xf32> to vector<512xf32>
    %broadcast_in_dim3A_159 = vector.shape_cast %reduce_sum3A_158 : vector<512xf32> to vector<512x1xf32>
    %div3A_160 = arith.constant 1.280000e+02 : f32
    %div3A_161 = vector.broadcast %div3A_160 : f32 to vector<512x1xf32>
    %div3A_162 = arith.divf %broadcast_in_dim3A_159, %div3A_161 : vector<512x1xf32>
    %sub3A_163 = vector.broadcast %div3A_155 : vector<512x1xf32> to vector<512x128xf32>
    %sub3A_164 = arith.subf %max3A_151, %sub3A_163 : vector<512x128xf32>
    %add3A_165 = arith.constant 9.99999974E-6 : f32
    %add3A_166 = vector.broadcast %add3A_165 : f32 to vector<512x1xf32>
    %add3A_167 = arith.addf %div3A_162, %add3A_166 : vector<512x1xf32>
    %rsqrt3A = math.rsqrt %add3A_167 : vector<512x1xf32>
    %mul3A_168 = vector.broadcast %rsqrt3A : vector<512x1xf32> to vector<512x128xf32>
    %mul3A_169 = arith.mulf %sub3A_164, %mul3A_168 : vector<512x128xf32>
    %get3A_170 = arith.constant 0 : index
    %get3A_171 = arith.constant 0 : index
    %get3A_172 = vector.load %arg7[%get3A_170, %get3A_171] : memref<1x128xf32, #tpu.memory_space<vmem>>, vector<1x128xf32>
    %mul3A_173 = vector.broadcast %get3A_172 : vector<1x128xf32> to vector<512x128xf32>
    %mul3A_174 = arith.mulf %mul3A_169, %mul3A_173 : vector<512x128xf32>
    %get3A_175 = arith.constant 0 : index
    %get3A_176 = arith.constant 0 : index
    %get3A_177 = vector.load %arg8[%get3A_175, %get3A_176] : memref<1x128xf32, #tpu.memory_space<vmem>>, vector<1x128xf32>
    %add3A_178 = vector.broadcast %get3A_177 : vector<1x128xf32> to vector<512x128xf32>
    %add3A_179 = arith.addf %mul3A_174, %add3A_178 : vector<512x128xf32>
    %convert_element_type3A_180 = arith.truncf %add3A_179 : vector<512x128xf32> to vector<512x128xbf16>
    %get3A_181 = arith.constant 0 : index
    %get3A_182 = arith.constant 0 : index
    %get3A_183 = vector.load %arg9[%get3A_181, %get3A_182] : memref<128x128xbf16, #tpu.memory_space<vmem>>, vector<128x128xbf16>
    %dot_general3A_184 = arith.constant dense<0.000000e+00> : vector<512x128xf32>
    %dot_general3A_185 = tpu.matmul %convert_element_type3A_180, %get3A_183, %dot_general3A_184 {dimension_numbers = #tpu.dot_dimension_numbers<[1], [0], [0], [1], [0, 0, 1, 1], [], []>, transpose_lhs_hint = false} : vector<512x128xbf16>, vector<128x128xbf16>, vector<512x128xf32> -> vector<512x128xf32>
    %get3A_186 = arith.constant 0 : index
    %get3A_187 = arith.constant 0 : index
    %get3A_188 = vector.load %arg10[%get3A_186, %get3A_187] : memref<1x128xf32, #tpu.memory_space<vmem>>, vector<1x128xf32>
    %add3A_189 = vector.broadcast %get3A_188 : vector<1x128xf32> to vector<512x128xf32>
    %add3A_190 = arith.addf %dot_general3A_185, %add3A_189 : vector<512x128xf32>
    %swap3A = arith.constant 0 : index
    %swap3A_191 = arith.constant 0 : index
    %swap3A_192 = vector.load %arg11[%swap3A, %swap3A_191] : memref<512x128xf32, #tpu.memory_space<vmem>>, vector<512x128xf32>
    tpu.vector_store %arg11[%swap3A, %swap3A_191], %add3A_190 {strides = array<i32>} : memref<512x128xf32, #tpu.memory_space<vmem>>, vector<512x128xf32>,
    return
  }
  func.func @transform_0(%arg0: i32) -> (i32, i32) {
    %c0_i32 = arith.constant 0 : i32
    %c0_i32_0 = arith.constant 0 : i32
    return %arg0, %c0_i32 : i32, i32
  }
  func.func @transform_1(%arg0: i32) -> (i32, i32) {
    %c0_i32 = arith.constant 0 : i32
    %c0_i32_0 = arith.constant 0 : i32
    return %arg0, %c0_i32 : i32, i32
  }
  func.func @transform_2(%arg0: i32) -> (i32, i32) {
    %c0_i32 = arith.constant 0 : i32
    %c0_i32_0 = arith.constant 0 : i32
    return %arg0, %c0_i32 : i32, i32
  }
  func.func @transform_3(%arg0: i32) -> (i32, i32) {
    %c0_i32 = arith.constant 0 : i32
    %c0_i32_0 = arith.constant 0 : i32
    %c0_i32_1 = arith.constant 0 : i32
    return %c0_i32, %c0_i32_0 : i32, i32
  }
  func.func @transform_4(%arg0: i32) -> (i32, i32) {
    %c0_i32 = arith.constant 0 : i32
    %c0_i32_0 = arith.constant 0 : i32
    %c0_i32_1 = arith.constant 0 : i32
    return %c0_i32, %c0_i32_0 : i32, i32
  }
  func.func @transform_5(%arg0: i32) -> (i32, i32) {
    %c0_i32 = arith.constant 0 : i32
    %c0_i32_0 = arith.constant 0 : i32
    %c0_i32_1 = arith.constant 0 : i32
    return %c0_i32, %c0_i32_0 : i32, i32
  }
  func.func @transform_6(%arg0: i32) -> (i32, i32) {
    %c0_i32 = arith.constant 0 : i32
    %c0_i32_0 = arith.constant 0 : i32
    %c0_i32_1 = arith.constant 0 : i32
    return %c0_i32, %c0_i32_0 : i32, i32
  }
  func.func @transform_7(%arg0: i32) -> (i32, i32) {
    %c0_i32 = arith.constant 0 : i32
    %c0_i32_0 = arith.constant 0 : i32
    %c0_i32_1 = arith.constant 0 : i32
    return %c0_i32, %c0_i32_0 : i32, i32
  }
  func.func @transform_8(%arg0: i32) -> (i32, i32) {
    %c0_i32 = arith.constant 0 : i32
    %c0_i32_0 = arith.constant 0 : i32
    %c0_i32_1 = arith.constant 0 : i32
    return %c0_i32, %c0_i32_0 : i32, i32
  }
  func.func @transform_9(%arg0: i32) -> (i32, i32) {
    %c0_i32 = arith.constant 0 : i32
    %c0_i32_0 = arith.constant 0 : i32
    %c0_i32_1 = arith.constant 0 : i32
    return %c0_i32, %c0_i32_0 : i32, i32
  }
  func.func @transform_10(%arg0: i32) -> (i32, i32) {
    %c0_i32 = arith.constant 0 : i32
    %c0_i32_0 = arith.constant 0 : i32
    return %arg0, %c0_i32 : i32, i32
  }
}

</mosaic_0001>

<sc_bundles>
// kernel: kernel.6.cloned.1.call-start
scs
__scs_entry_jumppad:
0x0: {  	(pc) =	sbr.rel $0x88, $3  }
0x1: {  	(tag) =	ssettag $0x0;
	lr =	simm.s32 $0x1  }
0x2: {  	[smem:$0x3F81] =	sst lr;
	_ =	strace $0xD0000000  }
0x3: {  	_ = 	snop  }
0x4: {  	_ = 	snop  }
0x5: {  	_ = 	snop  }
0x6: {  	_ = 	snop  }
0x7: {  	_ = 	snop  }
__scs_overlays_trampoline_lowered:
0x8: {  	[smem:$0x3F90] =	sst s0  }
0x9: {  	[smem:$0x3F91] =	sst s1  }
0xa: {  	[smem:$0x3F92] =	sst s2  }
0xb: {  	[smem:$0x3F93] =	sst s3  }
0xc: {  	[smem:$0x3F94] =	sst s4  }
0xd: {  	[smem:$0x3F95] =	sst s5  }
0xe: {  	[smem:$0x3F96] =	sst s6  }
0xf: {  	[smem:$0x3F97] =	sst s7  }
0x10: {  	[smem:$0x3F98] =	sst s8  }
0x11: {  	[smem:$0x3F99] =	sst s9;
	s0 =	simm.s32 @!p0 $0x0  }
0x12: {  	s1 =	sld [smem:$0x3F7F];
	s0 =	simm.s32 @p0 $0x1  }
0x13: {  	[smem:$0x3F9A] =	sst s0;
	s0 =	simm.s32 @!p1 $0x0  }
0x14: {  	s2 =	sld [smem:$0x3F7E];
	s0 =	simm.s32 @p1 $0x1  }
0x15: {  	[smem:$0x3F9B] =	sst s0;
	s0 =	simm.s32 @!p2 $0x0  }
0x16: {  	s3 =	sld [smem:$0x3FDB];
	s0 =	simm.s32 @p2 $0x1  }
0x17: {  	s4 =	simm.s32 $0x1BF5;
	[smem:$0x3F9D] =	sst s0  }
0x18: {  	s0 =	sld [smem:$0x3F80];
	_ =	swait.ge [sflag:s4], $0x0  }
0x19: {  	s7 =	sld [smem:$0x3F81]  }
0x1a: {  	s8 =	sadd.s32 $0xFFFFE003, lr  }
0x1b: {  	s9 =	sadd.s32 $0xFFFFFEF7, lr;
	s5 =	simm.s32 $0xFFFFFFFF;
	p2 =	slt.u32 s8, $0xFFFFF086  }
0x1c: {  	p1 =	slt.u32 s9, $0xF7A;
	s5 =	simm.s32 @!p2 $0x0  }
0x1d: {  	s5 =	simm.s32 @p1 $0x1;
	p0 =	seq.s32 s7, s2  }
0x1e: {  	s7 =	smul.u32 @!p0 $0xF7A, s2;
	p2 =	seq.s32 @!p0 s5, $0x0  }
0x1f: {  	s9 =	smul.u32 $0xF7A, s1;
	s8 =	simm.s32 @!p0 $0x1BF5;
	p2 =	por !p2, p0  }
0x20: {  	[sflag:s8] =	ssyncset.s32 @!p0 $0xFFFFF086;
	s6 =	sadd.s32 @!p0 s3, s7;
	s7 =	simm.s32 @!p0 $0x108  }
0x21: {  	s3 =	sadd.s32 s3, s9;
	s6 =	sadd.s32 @!p0 $0x88, s6;
	s7 =	simm.s32 @p2 $0x1082  }
0x22: {  	[simem:s7], [sflag:s8] =	dma.local @!p0 [hbm:s6], $0xF7A  }
0x23: {  	s9 =	sor.u32 $0xD0000000, s2;
	s6 =	simm.s32 $0x108;
	_ =	swait.ge @!p0 [sflag:s8], $0x0  }
0x24: {  	s3 =	sadd.s32 $0x88, s3;
	s6 =	simm.s32 @!p1 $0x1082;
	[sflag:s4] =	ssyncset.s32 $0xFFFFF086  }
0x25: {  	[simem:s6], [sflag:s4] =	dma.local [hbm:s3], $0xF7A  }
0x26: {  	[smem:$0x3F81] =	sst s1;
	(tag) =	ssettag s2;
	_ =	strace s9  }
0x27: {  	s1 =	sld [smem:$0x3F91]  }
0x28: {  	s2 =	sld [smem:$0x3F92]  }
0x29: {  	s4 =	sld [smem:$0x3F94]  }
0x2a: {  	p0 =	seq.s32 s5, $0x0;
	s5 =	sld [smem:$0x3F95]  }
0x2b: {  	s6 =	sld [smem:$0x3F96]  }
0x2c: {  	s7 =	sld [smem:$0x3F97]  }
0x2d: {  	s3 =	simm.s32 $0x108;
	s8 =	sld [smem:$0x3F98]  }
0x2e: {  	s3 =	simm.s32 @!p0 $0x1082;
	s9 =	sld [smem:$0x3F99]  }
0x2f: {  	lr =	sadd.s32 s0, s3;
	s0 =	sld [smem:$0x3F90]  }
0x30: {  	s3 =	sld [smem:$0x3F93]  }
0x31: {  	[smem:$0x3F9C] =	sst s10  }
0x32: {  	s10 =	sld [smem:$0x3F9A];
	_ =	sdelay $0x3  }
0x33: {  	p0 =	seq.s32 s10, $0x1;
	s10 =	sld [smem:$0x3F9C];
	_ =	sdelay $0x3  }
0x34: {  	[smem:$0x3F9C] =	sst s10  }
0x35: {  	s10 =	sld [smem:$0x3F9B];
	_ =	sdelay $0x3  }
0x36: {  	p1 =	seq.s32 s10, $0x1;
	s10 =	sld [smem:$0x3F9C];
	_ =	sdelay $0x3  }
0x37: {  	[smem:$0x3F9C] =	sst s10  }
0x38: {  	s10 =	sld [smem:$0x3F9D]  }
0x39: {  	_ = 	snop;
	(pc) =	sbr.ind lr, $3  }
0x3a: {  	_ = 	snop  }
0x3b: {  	_ = 	snop  }
0x3c: {  	p2 =	seq.s32 s10, $0x1;
	s10 =	sld [smem:$0x3F9C]  }
0x3d: {  	_ =	shalt  }
0x3e: {  	_ =	shalt  }
0x3f: {  	_ =	shalt  }
0x40: {  	_ =	shalt  }
0x41: {  	_ =	shalt  }
0x42: {  	_ =	shalt  }
0x43: {  	_ =	shalt  }
0x44: {  	_ =	shalt  }
0x45: {  	_ =	shalt  }
0x46: {  	_ =	shalt  }
0x47: {  	_ =	shalt  }
0x48: {  	_ =	shalt  }
0x49: {  	_ =	shalt  }
0x4a: {  	_ =	shalt  }
0x4b: {  	_ =	shalt  }
0x4c: {  	_ =	shalt  }
0x4d: {  	_ =	shalt  }
0x4e: {  	_ =	shalt  }
0x4f: {  	_ =	shalt  }
0x50: {  	_ =	shalt  }
0x51: {  	_ =	shalt  }
0x52: {  	_ =	shalt  }
0x53: {  	_ =	shalt  }
0x54: {  	_ =	shalt  }
0x55: {  	_ =	shalt  }
0x56: {  	_ =	shalt  }
0x57: {  	_ =	shalt  }
0x58: {  	_ =	shalt  }
0x59: {  	_ =	shalt  }
0x5a: {  	_ =	shalt  }
0x5b: {  	_ =	shalt  }
0x5c: {  	_ =	shalt  }
0x5d: {  	_ =	shalt  }
0x5e: {  	_ =	shalt  }
0x5f: {  	_ =	shalt  }
0x60: {  	_ =	shalt  }
0x61: {  	_ =	shalt  }
0x62: {  	_ =	shalt  }
0x63: {  	_ =	shalt  }
0x64: {  	_ =	shalt  }
0x65: {  	_ =	shalt  }
0x66: {  	_ =	shalt  }
0x67: {  	_ =	shalt  }
0x68: {  	_ =	shalt  }
0x69: {  	_ =	shalt  }
0x6a: {  	_ =	shalt  }
0x6b: {  	_ =	shalt  }
0x6c: {  	_ =	shalt  }
0x6d: {  	_ =	shalt  }
0x6e: {  	_ =	shalt  }
0x6f: {  	_ =	shalt  }
0x70: {  	_ =	shalt  }
0x71: {  	_ =	shalt  }
0x72: {  	_ =	shalt  }
0x73: {  	_ =	shalt  }
0x74: {  	_ =	shalt  }
0x75: {  	_ =	shalt  }
0x76: {  	_ =	shalt  }
0x77: {  	_ =	shalt  }
0x78: {  	_ =	shalt  }
0x79: {  	_ =	shalt  }
0x7a: {  	_ =	shalt  }
0x7b: {  	_ =	shalt  }
0x7c: {  	_ =	shalt  }
0x7d: {  	_ =	shalt  }
0x7e: {  	_ =	shalt  }
0x7f: {  	_ =	shalt  }
0x80: {  	_ =	shalt  }
0x81: {  	_ =	shalt  }
0x82: {  	_ =	shalt  }
0x83: {  	_ =	shalt  }
0x84: {  	_ =	shalt  }
0x85: {  	_ =	shalt  }
0x86: {  	_ =	shalt  }
0x87: {  	_ =	shalt  }
.Lfunc_end0:
.L_simem_size_0:
called_computation_lowered:
.L_overlay_start_0:
0x88: {  	s2 =	sld [smem:$0x3FD9]  }
0x89: {  	s3 =	sld [smem:$0x3FFE];
	_ =	sdelay $0x1  }
0x8a: {  	s1 =	srdreg.scid  }
0x8b: {  	s0 =	sand.u32 $0x1, s1  }
0x8c: {  	s14 =	sshll.u32 s0, $0xA;
	s2 =	sadd.s32 s3, s2  }
0x8d: {  	s2 =	sadd.s32 s2, s14  }
0x8e: {  	[smem:$0x3FA8] =	sst s2  }
0x8f: {  	_ = 	snop  }
0x90: {  	s2 =	sld [smem:$0x3FD0];
	_ =	sdelay $0x2  }
0x91: {  	s15 =	simm.s32 $0xA;
	s4 =	simm.s32 $0x10  }
0x92: {  	[smem:s4], [sflag:s15] =	dma.local [hbm:s2], $0x1  }
0x93: {  	_ =	swait.eq [sflag:s15], $0x1  }
0x94: {  	[sflag:s15] =	ssyncset.done $0x0  }
0x95: {  	s16 =	sld [smem:$0x10];
	[sflag:s15] =	ssyncadd.s32 $0xFFFFFFFF  }
0x96: {  	s17 =	sld [smem:$0x11];
	(tm) =	ssettm $0x1  }
0x97: {  	s18 =	sld [smem:$0x3FFB];
	_ =	sdelay $0x3  }
0x98: {  	_ =	strace s18  }
0x99: {  	s4 =	sld [smem:$0x3FFC];
	_ =	sdelay $0x3  }
0x9a: {  	_ =	strace s4  }
0x9b: {  	s4 =	sld [smem:$0x3FFD];
	_ =	sdelay $0x3  }
0x9c: {  	_ =	strace s4  }
0x9d: {  	_ =	strace $0x8FFFFFFF  }
0x9e: {  	s19 =	sld [smem:$0x3FDB];
	_ =	sdelay $0x1  }
0x9f: {  	s5 =	simm.s32 $_scs_section_size  }
0xa0: {  	s6 =	simm.s32 $_size__tile_overlayer_lowered;
	s7 =	simm.s32 $_tile_overlayer_lowered  }
0xa1: {  	s22 =	simm.s32 $0x1BFF;
	s21 =	sshll.u32 s7, $0x1;
	s4 =	sadd.s32 s5, s19  }
0xa2: {  	s8 =	simm.s32 $0x0;
	s20 =	sshll.u32 s6, $0x1;
	s6 =	sadd.s32 s21, s4  }
0xa3: {  	[timem:s8], [sflag:s22] =	dma.local [hbm:s6], s20  }
0xa4: {  	_ =	swait.ge [sflag:s22], s20  }
0xa5: {  	s5 =	ssub.s32 $0x0, s20;
	[sflag:s22] =	ssyncset.done $0x0  }
0xa6: {  	[sflag:s22] =	ssyncadd.s32 s5;
	_ =	sdelay $0x1  }
0xa7: {  	s23 =	simm.s32 $0x1B8B  }
0xa8: {  	_ =	swait.ge [sflag:s23], $0x1  }
0xa9: {  	[sflag:s23] =	ssyncset.done $0x0  }
0xaa: {  	s25 =	simm.s32 $0x1B8E;
	s24 =	sld [smem:$0x3FFE];
	[sflag:s23] =	ssyncadd.s32 $0xFFFFFFFF  }
0xab: {  	s26 =	simm.s32 $execute0_lowered;
	[smem:$0x3FD2] =	sst s25  }
0xac: {  	s6 =	sshll.u32 s26, $0x1;
	_ =	strace $0x80000046;
	[dreg:$0x1] =	wrdreg $0xFFFFFFFF  }
0xad: {  	s28 =	simm.s32 $_size_execute0_lowered;
	s4 =	sadd.s32 s4, s6;
	[dreg:$0x0] =	wrdreg $0x0  }
0xae: {  	s6 =	sshll.u32 s28, $0x1;
	[dreg:$0x2] =	wrdreg s4  }
0xaf: {  	[dreg:$0x3] =	wrdreg s6  }
0xb0: {  	[dreg:$0x4] =	wrdreg $0xC0  }
0xb1: {  	_ =	task [dreg:s8], $0x5FFFF  }
0xb2: {  	[dreg:$0x1] =	wrdreg $0xFFFFFFFF  }
0xb3: {  	[dreg:$0x0] =	wrdreg $0x60  }
0xb4: {  	[dreg:$0x2] =	wrdreg s16  }
0xb5: {  	[dreg:$0x3] =	wrdreg s17  }
0xb6: {  	[dreg:$0x4] =	wrdreg s24  }
0xb7: {  	[dreg:$0x5] =	wrdreg $0x8000  }
0xb8: {  	[dreg:$0x6] =	wrdreg $0x9  }
0xb9: {  	_ =	task.clear_ibuf [dreg:s8], $0x7FFFF;
	_ =	strace $0x90000046  }
0xba: {  	s29 =	simm.s32 $0x9;
	_ =	strace $0x80000048  }
0xbb: {  	_ =	swait.ge [sflag:s29], $0x1  }
0xbc: {  	[sflag:s29] =	ssyncadd.s32 $0xFFFFFFFF  }
0xbd: {  	_ =	strace $0x90000048  }
0xbe: {  	_ =	sfence  }
0xbf: {  	s30 =	sld [smem:$0x0];
	_ =	sdelay $0x2  }
0xc0: {  	s31 =	sshll.u32 s1, $0xD;
	s1 =	sshrl.u32 s1, $0x2  }
0xc1: {  	s3 =	sand.u32 $0x4000, s31;
	s1 =	sadd.s32 s1, s30  }
0xc2: {  	s0 =	sor.u32 s3, s0;
	s1 =	sshll.u32 s1, $0x11  }
0xc3: {  	s0 =	sor.u32 s1, s0  }
0xc4: {  	s0 =	sadd.s32 $0x8F2B, s0  }
0xc5: {  	[sflag:s0] =	ssyncadd.remote.s32 $0x1  }
0xc6: {  	_ =	sfence.sel $0xFFFF  }
0xc7: {  	[dreg:$0x0] =	wrdreg $0xFFFFFFFF;
	(pc) =	sbr.abs _section_cstart, $3  }
0xc8: {  	[dreg:$0x1] =	wrdreg $0xFFFFFFFF  }
0xc9: {  	_ =	task.clear_ibuf [dreg:s8], $0x2FFFF;
	_ =	strace $0x9FFFFFFF  }
0xca: {  	(tm) =	ssettm $0x7FFFFFFF  }
0xcb: {  	_ =	shalt  }
tec
execute0_lowered:
.L_overlay_start_1:
0x0: {  	(tag) =	ssettag $0x1  }
0x1: {  	s1 =	rddreg [dreg:$0x0]  }
0x2: {  	s2 =	rddreg [dreg:$0x1]  }
0x3: {  	s0 =	rddreg [dreg:$0x2]  }
0x4: {  	s3 =	rddreg [dreg:$0x3];
	s4 =	simm.s32 $0x0  }
0x5: {  	s5 =	srdreg.scid;
	s7 =	stileid.u32;
	s10 =	simm.s32 $0x80  }
0x6: {  	s11 =	simm.s32 $0xB0C0;
	s12 =	simm.s32 $0xF0C0;
	s13 =	simm.s32 $0x100  }
0x7: {  	s14 =	simm.s32 $0x130C0;
	s15 =	simm.s32 $0x180;
	s16 =	simm.s32 $0x170C0  }
0x8: {  	s17 =	simm.s32 $0x1;
	s18 =	simm.s32 $0x200;
	s19 =	simm.s32 $0x2  }
0x9: {  	s20 =	simm.s32 $0x280;
	s21 =	simm.s32 $0x3;
	s22 =	simm.s32 $0x300  }
0xa: {  	s23 =	simm.s32 $0x4;
	s24 =	simm.s32 $0x380;
	s25 =	simm.s32 $0x1B0C0  }
0xb: {  	s26 =	simm.s32 $0x0;
	[smem:$0x7FF] =	sst s4;
	s6 =	sand.u32 $0x1, s5  }
0xc: {  	s5 =	sadd.s32 $0x488400, s0;
	s9 =	sshll.u32 s7, $0x1;
	s8 =	ssub.s32 $0x2, s6  }
0xd: {  	p0 =	sne.s32 s7, $0x0;
	_ =	strace $0x80000047;
	s31 =	sshrl.u32 s8, $0x1  }
0xe: {  	s6 =	sor.u32 s6, s9;
	s9 =	simm.s32 $0x5;
	s0 =	ssub.s32 s8, s31  }
0xf: {  	s6 =	smul.u32 $0x24, s6;
	s8 =	sshrl.u32 @!p0 s3, $0x3;
	s7 =	smax.u32 s0, $0x1  }
.LBB2_1:
0x10: {  	s0 =	simm.s32 @!p0 $0x1C05  }
0x11: {  	[spmem:s8], [sflag:s0] =	dma.local @!p0 [hbm:s1], $0x15180  }
0x12: {  	s0 =	simm.s32 @!p0 $0x5  }
0x13: {  	_ =	swait.ge @!p0 [sflag:s0], $0x15180  }
0x14: {  	[sflag:s0] =	ssyncset.done @!p0 $0x0  }
0x15: {  	[sflag:s0] =	ssyncadd.s32 @!p0 $0xFFFEAE80  }
0x16: {  	s28 =	simm.s32 $0x0;
	[bflag:$0x0] =	sbarrier.arrive $0xFFFF  }
.LBB2_2:
0x17: {  	s29 =	sadd.s32 s6, s28  }
0x18: {  	s0 =	sshll.u32 s29, $0x8  }
0x19: {  	s30 =	simm.s32 $0x0;
	s0 =	sadd.s32 s2, s0  }
0x1a: {  	[tilespmem:s30], [sflag:$0x5] =	stream.linear.gather [hbm4b:s0+s30], $0x800, $0x38;
	[tilespmem:$0x1F0C0] =	vst v63  }
0x1b: {  	_ =	swait.ge [sflag:s9], $0x800  }
0x1c: {  	[sflag:s9] =	ssyncset.done $0x0  }
0x1d: {  	[sflag:s9] =	ssyncadd.s32 $0xFFFFF800  }
0x1e: {  	[tilespmem:s11], [sflag:$0x1] =	stream.indirect.gather [spmem:s3], $0x80, s30, s10, $0xb8;
	[tilespmem:$0x1F0C0] =	vst v63  }
0x1f: {  	_ = 	snop  }
0x20: {  	[tilespmem:s12], [sflag:$0x2] =	stream.indirect.gather [spmem:s3], $0x80, s10, s10, $0xb8;
	[tilespmem:$0x1F0C0] =	vst v63  }
0x21: {  	_ = 	snop  }
0x22: {  	[tilespmem:s14], [sflag:$0x3] =	stream.indirect.gather [spmem:s3], $0x80, s13, s10, $0xb8;
	[tilespmem:$0x1F0C0] =	vst v63  }
0x23: {  	_ = 	snop  }
0x24: {  	[tilespmem:s16], [sflag:$0x4] =	stream.indirect.gather [spmem:s3], $0x80, s15, s10, $0xb8;
	[tilespmem:$0x1F0C0] =	vst v63  }
0x25: {  	_ =	swait.ge [sflag:s17], $0x4000  }
0x26: {  	[sflag:s17] =	ssyncset.done $0x0  }
0x27: {  	s30 =	simm.s32 $0x0;
	[sflag:s17] =	ssyncadd.s32 $0xFFFFC000  }
0x28: {  	v3 =	vld [tilespmem:s30+$0xB130]  }
0x29: {  	v4 =	vld [tilespmem:s30+$0xB0C0]  }
0x2a: {  	v5 =	vld [tilespmem:s30+$0xB0D0]  }
0x2b: {  	v2 =	vld [tilespmem:s30+$0xB0E0]  }
0x2c: {  	v0 =	vld [tilespmem:s30+$0xB0F0]  }
0x2d: {  	v1 =	vld [tilespmem:s30+$0xB100];
	[tilespmem:s30+$0x1B130] =	vst v3  }
0x2e: {  	[tilespmem:s30+$0x1B0C0] =	vst v4;
	v3 =	vld [tilespmem:s30+$0xB110]  }
0x2f: {  	s31 =	simm.s32 $0x80;
	s0 =	simm.s32 $0x400;
	[tilespmem:s30+$0x1B0D0] =	vst v5;
	v4 =	vld [tilespmem:s30+$0xB120]  }
.LBB2_3:
0x30: {  	p1 =	sne.s32 s0, $0xFE00;
	v5 =	vld [tilespmem:s31+$0xB130];
	[tilespmem:s30+$0x1B0E0] =	vst v2  }
0x31: {  	v6 =	vld [tilespmem:s31+$0xB0C0];
	[tilespmem:s30+$0x1B0F0] =	vst v0  }
0x32: {  	v7 =	vld [tilespmem:s31+$0xB0D0];
	[tilespmem:s30+$0x1B100] =	vst v1  }
.Ltmp0:
0x33: {  	v2 =	vld [tilespmem:s31+$0xB0E0];
	[tilespmem:s30+$0x1B110] =	vst v3;
	(pc) =	sbr.rel @p1 .LBB2_3-.Ltmp0, $4  }
0x34: {  	v0 =	vld [tilespmem:s31+$0xB0F0];
	[tilespmem:s30+$0x1B120] =	vst v4;
	s30 =	smov.u32 s31  }
0x35: {  	v1 =	vld [tilespmem:s30+$0xB100];
	[tilespmem:s30+$0x1B130] =	vst v5  }
0x36: {  	[tilespmem:s30+$0x1B0C0] =	vst v6;
	v3 =	vld [tilespmem:s30+$0xB110]  }
0x37: {  	s31 =	sshra.s32 s0, $0x2;
	s0 =	sadd.s32 $0x200, s0;
	[tilespmem:s30+$0x1B0D0] =	vst v7;
	v4 =	vld [tilespmem:s30+$0xB120]  }
0x38: {  	v5 =	vld [tilespmem:s31+$0xB130];
	[tilespmem:s30+$0x1B0E0] =	vst v2  }
0x39: {  	v2 =	vld [tilespmem:s31+$0xB0C0];
	[tilespmem:s30+$0x1B0F0] =	vst v0  }
0x3a: {  	v0 =	vld [tilespmem:s31+$0xB0D0];
	[tilespmem:s30+$0x1B100] =	vst v1  }
0x3b: {  	v1 =	vld [tilespmem:s31+$0xB0E0];
	[tilespmem:s30+$0x1B110] =	vst v3  }
0x3c: {  	v3 =	vld [tilespmem:s31+$0xB0F0];
	[tilespmem:s30+$0x1B120] =	vst v4  }
0x3d: {  	v4 =	vld [tilespmem:s31+$0xB100];
	[tilespmem:s31+$0x1B130] =	vst v5  }
0x3e: {  	v62 =	vld [tilespmem:s31+$0xB110];
	[tilespmem:s31+$0x1B0C0] =	vst v2  }
0x3f: {  	v63 =	vld [tilespmem:s31+$0xB120];
	[tilespmem:s31+$0x1B0D0] =	vst v0  }
0x40: {  	[tilespmem:s31+$0x1B0E0] =	vst v1  }
0x41: {  	[tilespmem:s31+$0x1B0F0] =	vst v3  }
0x42: {  	[tilespmem:s31+$0x1B100] =	vst v4  }
0x43: {  	[tilespmem:s31+$0x1B110] =	vst v62  }
0x44: {  	[tilespmem:s31+$0x1B120] =	vst v63  }
0x45: {  	[tilespmem:s11], [sflag:$0x1] =	stream.indirect.gather [spmem:s3], $0x80, s18, s10, $0xb8;
	[tilespmem:$0x1F0C0] =	vst v63  }
0x46: {  	_ =	swait.ge [sflag:s19], $0x4000  }
0x47: {  	[sflag:s19] =	ssyncset.done $0x0  }
0x48: {  	s30 =	simm.s32 $0x0;
	s31 =	simm.s32 $0x200;
	[sflag:s19] =	ssyncadd.s32 $0xFFFFC000  }
.LBB2_5:
0x49: {  	p1 =	sne.s32 s31, $0xFE00;
	v0 =	vld [tilespmem:s30+$0xF130]  }
0x4a: {  	v1 =	vld [tilespmem:s30+$0xF0C0]  }
0x4b: {  	v2 =	vld [tilespmem:s30+$0xF0D0]  }
0x4c: {  	v3 =	vld [tilespmem:s30+$0xF0E0]  }
0x4d: {  	v4 =	vld [tilespmem:s30+$0xF0F0]  }
0x4e: {  	[tilespmem:s30+$0x1B130] =	vst.add.f32.msk $0xffff, v0  }
0x4f: {  	v0 =	vld [tilespmem:s30+$0xF100]  }
0x50: {  	v5 =	vld [tilespmem:s30+$0xF110]  }
0x51: {  	v6 =	vld [tilespmem:s30+$0xF120]  }
0x52: {  	[tilespmem:s30+$0x1B0C0] =	vst.add.f32.msk $0xffff, v1  }
0x53: {  	[tilespmem:s30+$0x1B0D0] =	vst.add.f32.msk $0xffff, v2  }
.Ltmp1:
0x54: {  	[tilespmem:s30+$0x1B0E0] =	vst.add.f32.msk $0xffff, v3;
	(pc) =	sbr.rel @p1 .LBB2_5-.Ltmp1, $4  }
0x55: {  	[tilespmem:s30+$0x1B0F0] =	vst.add.f32.msk $0xffff, v4  }
0x56: {  	[tilespmem:s30+$0x1B100] =	vst.add.f32.msk $0xffff, v0  }
0x57: {  	[tilespmem:s30+$0x1B110] =	vst.add.f32.msk $0xffff, v5  }
0x58: {  	[tilespmem:s30+$0x1B120] =	vst.add.f32.msk $0xffff, v6;
	s30 =	sshra.s32 s31, $0x2;
	s31 =	sadd.s32 $0x200, s31  }
0x59: {  	v0 =	vld [tilespmem:s30+$0xF130]  }
0x5a: {  	v1 =	vld [tilespmem:s30+$0xF0C0]  }
0x5b: {  	v2 =	vld [tilespmem:s30+$0xF0D0]  }
0x5c: {  	v3 =	vld [tilespmem:s30+$0xF0E0]  }
0x5d: {  	v4 =	vld [tilespmem:s30+$0xF0F0]  }
0x5e: {  	v63 =	vld [tilespmem:s30+$0xF100]  }
0x5f: {  	v5 =	vld [tilespmem:s30+$0xF110]  }
0x60: {  	v6 =	vld [tilespmem:s30+$0xF120]  }
0x61: {  	[tilespmem:s30+$0x1B130] =	vst.add.f32.msk $0xffff, v0  }
0x62: {  	[tilespmem:s30+$0x1B0C0] =	vst.add.f32.msk $0xffff, v1  }
0x63: {  	[tilespmem:s30+$0x1B0D0] =	vst.add.f32.msk $0xffff, v2  }
0x64: {  	[tilespmem:s30+$0x1B0E0] =	vst.add.f32.msk $0xffff, v3  }
0x65: {  	[tilespmem:s30+$0x1B0F0] =	vst.add.f32.msk $0xffff, v4  }
0x66: {  	[tilespmem:s30+$0x1B100] =	vst.add.f32.msk $0xffff, v63  }
0x67: {  	[tilespmem:s30+$0x1B110] =	vst.add.f32.msk $0xffff, v5  }
0x68: {  	[tilespmem:s30+$0x1B120] =	vst.add.f32.msk $0xffff, v6  }
0x69: {  	[tilespmem:s12], [sflag:$0x2] =	stream.indirect.gather [spmem:s3], $0x80, s20, s10, $0xb8;
	[tilespmem:$0x1F0C0] =	vst v63  }
0x6a: {  	_ =	swait.ge [sflag:s21], $0x4000  }
0x6b: {  	[sflag:s21] =	ssyncset.done $0x0  }
0x6c: {  	s31 =	simm.s32 $0x200;
	s30 =	simm.s32 $0x0;
	[sflag:s21] =	ssyncadd.s32 $0xFFFFC000  }
.LBB2_7:
0x6d: {  	p1 =	sne.s32 s31, $0xFE00;
	v0 =	vld [tilespmem:s30+$0x13130]  }
0x6e: {  	v1 =	vld [tilespmem:s30+$0x130C0]  }
0x6f: {  	v2 =	vld [tilespmem:s30+$0x130D0]  }
0x70: {  	v3 =	vld [tilespmem:s30+$0x130E0]  }
0x71: {  	v4 =	vld [tilespmem:s30+$0x130F0]  }
0x72: {  	[tilespmem:s30+$0x1B130] =	vst.add.f32.msk $0xffff, v0  }
0x73: {  	v0 =	vld [tilespmem:s30+$0x13100]  }
0x74: {  	v5 =	vld [tilespmem:s30+$0x13110]  }
0x75: {  	v6 =	vld [tilespmem:s30+$0x13120]  }
0x76: {  	[tilespmem:s30+$0x1B0C0] =	vst.add.f32.msk $0xffff, v1  }
0x77: {  	[tilespmem:s30+$0x1B0D0] =	vst.add.f32.msk $0xffff, v2  }
.Ltmp2:
0x78: {  	[tilespmem:s30+$0x1B0E0] =	vst.add.f32.msk $0xffff, v3;
	(pc) =	sbr.rel @p1 .LBB2_7-.Ltmp2, $4  }
0x79: {  	[tilespmem:s30+$0x1B0F0] =	vst.add.f32.msk $0xffff, v4  }
0x7a: {  	[tilespmem:s30+$0x1B100] =	vst.add.f32.msk $0xffff, v0  }
0x7b: {  	[tilespmem:s30+$0x1B110] =	vst.add.f32.msk $0xffff, v5  }
0x7c: {  	[tilespmem:s30+$0x1B120] =	vst.add.f32.msk $0xffff, v6;
	s30 =	sshra.s32 s31, $0x2;
	s31 =	sadd.s32 $0x200, s31  }
0x7d: {  	v0 =	vld [tilespmem:s30+$0x13130]  }
0x7e: {  	v1 =	vld [tilespmem:s30+$0x130C0]  }
0x7f: {  	v2 =	vld [tilespmem:s30+$0x130D0]  }
0x80: {  	v3 =	vld [tilespmem:s30+$0x130E0]  }
0x81: {  	v4 =	vld [tilespmem:s30+$0x130F0]  }
0x82: {  	v63 =	vld [tilespmem:s30+$0x13100]  }
0x83: {  	v5 =	vld [tilespmem:s30+$0x13110]  }
0x84: {  	v6 =	vld [tilespmem:s30+$0x13120]  }
0x85: {  	[tilespmem:s30+$0x1B130] =	vst.add.f32.msk $0xffff, v0  }
0x86: {  	[tilespmem:s30+$0x1B0C0] =	vst.add.f32.msk $0xffff, v1  }
0x87: {  	[tilespmem:s30+$0x1B0D0] =	vst.add.f32.msk $0xffff, v2  }
0x88: {  	[tilespmem:s30+$0x1B0E0] =	vst.add.f32.msk $0xffff, v3  }
0x89: {  	[tilespmem:s30+$0x1B0F0] =	vst.add.f32.msk $0xffff, v4  }
0x8a: {  	[tilespmem:s30+$0x1B100] =	vst.add.f32.msk $0xffff, v63  }
0x8b: {  	[tilespmem:s30+$0x1B110] =	vst.add.f32.msk $0xffff, v5  }
0x8c: {  	[tilespmem:s30+$0x1B120] =	vst.add.f32.msk $0xffff, v6  }
0x8d: {  	[tilespmem:s14], [sflag:$0x3] =	stream.indirect.gather [spmem:s3], $0x80, s22, s10, $0xb8;
	[tilespmem:$0x1F0C0] =	vst v63  }
0x8e: {  	_ =	swait.ge [sflag:s23], $0x4000  }
0x8f: {  	[sflag:s23] =	ssyncset.done $0x0  }
0x90: {  	s31 =	simm.s32 $0x200;
	s30 =	simm.s32 $0x0;
	[sflag:s23] =	ssyncadd.s32 $0xFFFFC000  }
.LBB2_9:
0x91: {  	p1 =	sne.s32 s31, $0xFE00;
	v0 =	vld [tilespmem:s30+$0x17130]  }
0x92: {  	v1 =	vld [tilespmem:s30+$0x170C0]  }
0x93: {  	v2 =	vld [tilespmem:s30+$0x170D0]  }
0x94: {  	v3 =	vld [tilespmem:s30+$0x170E0]  }
0x95: {  	v4 =	vld [tilespmem:s30+$0x170F0]  }
0x96: {  	[tilespmem:s30+$0x1B130] =	vst.add.f32.msk $0xffff, v0  }
0x97: {  	v0 =	vld [tilespmem:s30+$0x17100]  }
0x98: {  	v5 =	vld [tilespmem:s30+$0x17110]  }
0x99: {  	v6 =	vld [tilespmem:s30+$0x17120]  }
0x9a: {  	[tilespmem:s30+$0x1B0C0] =	vst.add.f32.msk $0xffff, v1  }
0x9b: {  	[tilespmem:s30+$0x1B0D0] =	vst.add.f32.msk $0xffff, v2  }
.Ltmp3:
0x9c: {  	[tilespmem:s30+$0x1B0E0] =	vst.add.f32.msk $0xffff, v3;
	(pc) =	sbr.rel @p1 .LBB2_9-.Ltmp3, $4  }
0x9d: {  	[tilespmem:s30+$0x1B0F0] =	vst.add.f32.msk $0xffff, v4  }
0x9e: {  	[tilespmem:s30+$0x1B100] =	vst.add.f32.msk $0xffff, v0  }
0x9f: {  	[tilespmem:s30+$0x1B110] =	vst.add.f32.msk $0xffff, v5  }
0xa0: {  	[tilespmem:s30+$0x1B120] =	vst.add.f32.msk $0xffff, v6;
	s30 =	sshra.s32 s31, $0x2;
	s31 =	sadd.s32 $0x200, s31  }
0xa1: {  	v0 =	vld [tilespmem:s30+$0x17130]  }
0xa2: {  	v1 =	vld [tilespmem:s30+$0x170C0]  }
0xa3: {  	v2 =	vld [tilespmem:s30+$0x170D0]  }
0xa4: {  	v3 =	vld [tilespmem:s30+$0x170E0]  }
0xa5: {  	v4 =	vld [tilespmem:s30+$0x170F0]  }
0xa6: {  	v63 =	vld [tilespmem:s30+$0x17100]  }
0xa7: {  	v5 =	vld [tilespmem:s30+$0x17110]  }
0xa8: {  	v6 =	vld [tilespmem:s30+$0x17120]  }
0xa9: {  	[tilespmem:s30+$0x1B130] =	vst.add.f32.msk $0xffff, v0  }
0xaa: {  	[tilespmem:s30+$0x1B0C0] =	vst.add.f32.msk $0xffff, v1  }
0xab: {  	[tilespmem:s30+$0x1B0D0] =	vst.add.f32.msk $0xffff, v2  }
0xac: {  	[tilespmem:s30+$0x1B0E0] =	vst.add.f32.msk $0xffff, v3  }
0xad: {  	[tilespmem:s30+$0x1B0F0] =	vst.add.f32.msk $0xffff, v4  }
0xae: {  	[tilespmem:s30+$0x1B100] =	vst.add.f32.msk $0xffff, v63  }
0xaf: {  	[tilespmem:s30+$0x1B110] =	vst.add.f32.msk $0xffff, v5  }
0xb0: {  	[tilespmem:s30+$0x1B120] =	vst.add.f32.msk $0xffff, v6  }
0xb1: {  	[tilespmem:s16], [sflag:$0x4] =	stream.indirect.gather [spmem:s3], $0x80, s24, s10, $0xb8;
	[tilespmem:$0x1F0C0] =	vst v63  }
0xb2: {  	_ =	swait.ge [sflag:s17], $0x4000  }
0xb3: {  	[sflag:s17] =	ssyncset.done $0x0  }
0xb4: {  	s31 =	simm.s32 $0x200;
	s30 =	simm.s32 $0x0;
	[sflag:s17] =	ssyncadd.s32 $0xFFFFC000  }
.LBB2_11:
0xb5: {  	p1 =	sne.s32 s31, $0xFE00;
	v0 =	vld [tilespmem:s30+$0xB130]  }
0xb6: {  	v1 =	vld [tilespmem:s30+$0xB0C0]  }
0xb7: {  	v2 =	vld [tilespmem:s30+$0xB0D0]  }
0xb8: {  	v3 =	vld [tilespmem:s30+$0xB0E0]  }
0xb9: {  	v4 =	vld [tilespmem:s30+$0xB0F0]  }
0xba: {  	[tilespmem:s30+$0x1B130] =	vst.add.f32.msk $0xffff, v0  }
0xbb: {  	v0 =	vld [tilespmem:s30+$0xB100]  }
0xbc: {  	v5 =	vld [tilespmem:s30+$0xB110]  }
0xbd: {  	v6 =	vld [tilespmem:s30+$0xB120]  }
0xbe: {  	[tilespmem:s30+$0x1B0C0] =	vst.add.f32.msk $0xffff, v1  }
0xbf: {  	[tilespmem:s30+$0x1B0D0] =	vst.add.f32.msk $0xffff, v2  }
.Ltmp4:
0xc0: {  	[tilespmem:s30+$0x1B0E0] =	vst.add.f32.msk $0xffff, v3;
	(pc) =	sbr.rel @p1 .LBB2_11-.Ltmp4, $4  }
0xc1: {  	[tilespmem:s30+$0x1B0F0] =	vst.add.f32.msk $0xffff, v4  }
0xc2: {  	[tilespmem:s30+$0x1B100] =	vst.add.f32.msk $0xffff, v0  }
0xc3: {  	[tilespmem:s30+$0x1B110] =	vst.add.f32.msk $0xffff, v5  }
0xc4: {  	[tilespmem:s30+$0x1B120] =	vst.add.f32.msk $0xffff, v6;
	s30 =	sshra.s32 s31, $0x2;
	s31 =	sadd.s32 $0x200, s31  }
0xc5: {  	v0 =	vld [tilespmem:s30+$0xB130]  }
0xc6: {  	v1 =	vld [tilespmem:s30+$0xB0C0]  }
0xc7: {  	v2 =	vld [tilespmem:s30+$0xB0D0]  }
0xc8: {  	v3 =	vld [tilespmem:s30+$0xB0E0]  }
0xc9: {  	v4 =	vld [tilespmem:s30+$0xB0F0]  }
0xca: {  	v63 =	vld [tilespmem:s30+$0xB100]  }
0xcb: {  	v5 =	vld [tilespmem:s30+$0xB110]  }
0xcc: {  	v6 =	vld [tilespmem:s30+$0xB120]  }
0xcd: {  	[tilespmem:s30+$0x1B130] =	vst.add.f32.msk $0xffff, v0  }
0xce: {  	[tilespmem:s30+$0x1B0C0] =	vst.add.f32.msk $0xffff, v1  }
0xcf: {  	[tilespmem:s30+$0x1B0D0] =	vst.add.f32.msk $0xffff, v2  }
0xd0: {  	[tilespmem:s30+$0x1B0E0] =	vst.add.f32.msk $0xffff, v3  }
0xd1: {  	[tilespmem:s30+$0x1B0F0] =	vst.add.f32.msk $0xffff, v4  }
0xd2: {  	[tilespmem:s30+$0x1B100] =	vst.add.f32.msk $0xffff, v63  }
0xd3: {  	[tilespmem:s30+$0x1B110] =	vst.add.f32.msk $0xffff, v5  }
0xd4: {  	[tilespmem:s30+$0x1B120] =	vst.add.f32.msk $0xffff, v6  }
0xd5: {  	_ =	swait.ge [sflag:s19], $0x4000  }
0xd6: {  	[sflag:s19] =	ssyncset.done $0x0  }
0xd7: {  	s31 =	simm.s32 $0x200;
	s30 =	simm.s32 $0x0;
	[sflag:s19] =	ssyncadd.s32 $0xFFFFC000  }
.LBB2_13:
0xd8: {  	p1 =	sne.s32 s31, $0xFE00;
	v0 =	vld [tilespmem:s30+$0xF130]  }
0xd9: {  	v1 =	vld [tilespmem:s30+$0xF0C0]  }
0xda: {  	v2 =	vld [tilespmem:s30+$0xF0D0]  }
0xdb: {  	v3 =	vld [tilespmem:s30+$0xF0E0]  }
0xdc: {  	v4 =	vld [tilespmem:s30+$0xF0F0]  }
0xdd: {  	[tilespmem:s30+$0x1B130] =	vst.add.f32.msk $0xffff, v0  }
0xde: {  	v0 =	vld [tilespmem:s30+$0xF100]  }
0xdf: {  	v5 =	vld [tilespmem:s30+$0xF110]  }
0xe0: {  	v6 =	vld [tilespmem:s30+$0xF120]  }
0xe1: {  	[tilespmem:s30+$0x1B0C0] =	vst.add.f32.msk $0xffff, v1  }
0xe2: {  	[tilespmem:s30+$0x1B0D0] =	vst.add.f32.msk $0xffff, v2  }
.Ltmp5:
0xe3: {  	[tilespmem:s30+$0x1B0E0] =	vst.add.f32.msk $0xffff, v3;
	(pc) =	sbr.rel @p1 .LBB2_13-.Ltmp5, $4  }
0xe4: {  	[tilespmem:s30+$0x1B0F0] =	vst.add.f32.msk $0xffff, v4  }
0xe5: {  	[tilespmem:s30+$0x1B100] =	vst.add.f32.msk $0xffff, v0  }
0xe6: {  	[tilespmem:s30+$0x1B110] =	vst.add.f32.msk $0xffff, v5  }
0xe7: {  	[tilespmem:s30+$0x1B120] =	vst.add.f32.msk $0xffff, v6;
	s30 =	sshra.s32 s31, $0x2;
	s31 =	sadd.s32 $0x200, s31  }
0xe8: {  	v0 =	vld [tilespmem:s30+$0xF130]  }
0xe9: {  	v1 =	vld [tilespmem:s30+$0xF0C0]  }
0xea: {  	v2 =	vld [tilespmem:s30+$0xF0D0]  }
0xeb: {  	v3 =	vld [tilespmem:s30+$0xF0E0]  }
0xec: {  	v4 =	vld [tilespmem:s30+$0xF0F0]  }
0xed: {  	v63 =	vld [tilespmem:s30+$0xF100]  }
0xee: {  	v5 =	vld [tilespmem:s30+$0xF110]  }
0xef: {  	v6 =	vld [tilespmem:s30+$0xF120]  }
0xf0: {  	[tilespmem:s30+$0x1B130] =	vst.add.f32.msk $0xffff, v0  }
0xf1: {  	[tilespmem:s30+$0x1B0C0] =	vst.add.f32.msk $0xffff, v1  }
0xf2: {  	[tilespmem:s30+$0x1B0D0] =	vst.add.f32.msk $0xffff, v2  }
0xf3: {  	[tilespmem:s30+$0x1B0E0] =	vst.add.f32.msk $0xffff, v3  }
0xf4: {  	[tilespmem:s30+$0x1B0F0] =	vst.add.f32.msk $0xffff, v4  }
0xf5: {  	[tilespmem:s30+$0x1B100] =	vst.add.f32.msk $0xffff, v63  }
0xf6: {  	[tilespmem:s30+$0x1B110] =	vst.add.f32.msk $0xffff, v5  }
0xf7: {  	[tilespmem:s30+$0x1B120] =	vst.add.f32.msk $0xffff, v6  }
0xf8: {  	_ =	swait.ge [sflag:s21], $0x4000  }
0xf9: {  	[sflag:s21] =	ssyncset.done $0x0  }
0xfa: {  	s31 =	simm.s32 $0x200;
	s30 =	simm.s32 $0x0;
	[sflag:s21] =	ssyncadd.s32 $0xFFFFC000  }
.LBB2_15:
0xfb: {  	p1 =	sne.s32 s31, $0xFE00;
	v0 =	vld [tilespmem:s30+$0x13130]  }
0xfc: {  	v1 =	vld [tilespmem:s30+$0x130C0]  }
0xfd: {  	v2 =	vld [tilespmem:s30+$0x130D0]  }
0xfe: {  	v3 =	vld [tilespmem:s30+$0x130E0]  }
0xff: {  	v4 =	vld [tilespmem:s30+$0x130F0]  }
0x100: {  	[tilespmem:s30+$0x1B130] =	vst.add.f32.msk $0xffff, v0  }
0x101: {  	v0 =	vld [tilespmem:s30+$0x13100]  }
0x102: {  	v5 =	vld [tilespmem:s30+$0x13110]  }
0x103: {  	v6 =	vld [tilespmem:s30+$0x13120]  }
0x104: {  	[tilespmem:s30+$0x1B0C0] =	vst.add.f32.msk $0xffff, v1  }
0x105: {  	[tilespmem:s30+$0x1B0D0] =	vst.add.f32.msk $0xffff, v2  }
.Ltmp6:
0x106: {  	[tilespmem:s30+$0x1B0E0] =	vst.add.f32.msk $0xffff, v3;
	(pc) =	sbr.rel @p1 .LBB2_15-.Ltmp6, $4  }
0x107: {  	[tilespmem:s30+$0x1B0F0] =	vst.add.f32.msk $0xffff, v4  }
0x108: {  	[tilespmem:s30+$0x1B100] =	vst.add.f32.msk $0xffff, v0  }
0x109: {  	[tilespmem:s30+$0x1B110] =	vst.add.f32.msk $0xffff, v5  }
0x10a: {  	[tilespmem:s30+$0x1B120] =	vst.add.f32.msk $0xffff, v6;
	s30 =	sshra.s32 s31, $0x2;
	s31 =	sadd.s32 $0x200, s31  }
0x10b: {  	v0 =	vld [tilespmem:s30+$0x13130]  }
0x10c: {  	v1 =	vld [tilespmem:s30+$0x130C0]  }
0x10d: {  	v2 =	vld [tilespmem:s30+$0x130D0]  }
0x10e: {  	v3 =	vld [tilespmem:s30+$0x130E0]  }
0x10f: {  	v4 =	vld [tilespmem:s30+$0x130F0]  }
0x110: {  	v63 =	vld [tilespmem:s30+$0x13100]  }
0x111: {  	v5 =	vld [tilespmem:s30+$0x13110]  }
0x112: {  	v6 =	vld [tilespmem:s30+$0x13120]  }
0x113: {  	[tilespmem:s30+$0x1B130] =	vst.add.f32.msk $0xffff, v0  }
0x114: {  	[tilespmem:s30+$0x1B0C0] =	vst.add.f32.msk $0xffff, v1  }
0x115: {  	[tilespmem:s30+$0x1B0D0] =	vst.add.f32.msk $0xffff, v2  }
0x116: {  	[tilespmem:s30+$0x1B0E0] =	vst.add.f32.msk $0xffff, v3  }
0x117: {  	[tilespmem:s30+$0x1B0F0] =	vst.add.f32.msk $0xffff, v4  }
0x118: {  	[tilespmem:s30+$0x1B100] =	vst.add.f32.msk $0xffff, v63  }
0x119: {  	[tilespmem:s30+$0x1B110] =	vst.add.f32.msk $0xffff, v5  }
0x11a: {  	[tilespmem:s30+$0x1B120] =	vst.add.f32.msk $0xffff, v6  }
0x11b: {  	_ =	swait.ge [sflag:s23], $0x4000  }
0x11c: {  	[sflag:s23] =	ssyncset.done $0x0  }
0x11d: {  	s31 =	simm.s32 $0x200;
	s30 =	simm.s32 $0x0;
	[sflag:s23] =	ssyncadd.s32 $0xFFFFC000  }
.LBB2_17:
0x11e: {  	p1 =	sne.s32 s31, $0xFE00;
	v0 =	vld [tilespmem:s30+$0x17130]  }
0x11f: {  	v1 =	vld [tilespmem:s30+$0x170C0]  }
0x120: {  	v2 =	vld [tilespmem:s30+$0x170D0]  }
0x121: {  	v3 =	vld [tilespmem:s30+$0x170E0]  }
0x122: {  	v4 =	vld [tilespmem:s30+$0x170F0]  }
0x123: {  	[tilespmem:s30+$0x1B130] =	vst.add.f32.msk $0xffff, v0  }
0x124: {  	v0 =	vld [tilespmem:s30+$0x17100]  }
0x125: {  	v5 =	vld [tilespmem:s30+$0x17110]  }
0x126: {  	v6 =	vld [tilespmem:s30+$0x17120]  }
0x127: {  	[tilespmem:s30+$0x1B0C0] =	vst.add.f32.msk $0xffff, v1  }
0x128: {  	[tilespmem:s30+$0x1B0D0] =	vst.add.f32.msk $0xffff, v2  }
.Ltmp7:
0x129: {  	[tilespmem:s30+$0x1B0E0] =	vst.add.f32.msk $0xffff, v3;
	(pc) =	sbr.rel @p1 .LBB2_17-.Ltmp7, $4  }
0x12a: {  	[tilespmem:s30+$0x1B0F0] =	vst.add.f32.msk $0xffff, v4  }
0x12b: {  	[tilespmem:s30+$0x1B100] =	vst.add.f32.msk $0xffff, v0  }
0x12c: {  	[tilespmem:s30+$0x1B110] =	vst.add.f32.msk $0xffff, v5  }
0x12d: {  	[tilespmem:s30+$0x1B120] =	vst.add.f32.msk $0xffff, v6;
	s30 =	sshra.s32 s31, $0x2;
	s31 =	sadd.s32 $0x200, s31  }
0x12e: {  	v0 =	vld [tilespmem:s30+$0x17130]  }
0x12f: {  	v1 =	vld [tilespmem:s30+$0x170C0]  }
0x130: {  	v2 =	vld [tilespmem:s30+$0x170D0]  }
0x131: {  	v3 =	vld [tilespmem:s30+$0x170E0]  }
0x132: {  	v4 =	vld [tilespmem:s30+$0x170F0]  }
0x133: {  	v63 =	vld [tilespmem:s30+$0x17100]  }
0x134: {  	v5 =	vld [tilespmem:s30+$0x17110]  }
0x135: {  	v6 =	vld [tilespmem:s30+$0x17120]  }
0x136: {  	[tilespmem:s30+$0x1B130] =	vst.add.f32.msk $0xffff, v0  }
0x137: {  	[tilespmem:s30+$0x1B0C0] =	vst.add.f32.msk $0xffff, v1  }
0x138: {  	[tilespmem:s30+$0x1B0D0] =	vst.add.f32.msk $0xffff, v2  }
0x139: {  	[tilespmem:s30+$0x1B0E0] =	vst.add.f32.msk $0xffff, v3  }
0x13a: {  	[tilespmem:s30+$0x1B0F0] =	vst.add.f32.msk $0xffff, v4  }
0x13b: {  	s28 =	sadd.s32 $0x1, s28;
	[tilespmem:s30+$0x1B100] =	vst.add.f32.msk $0xffff, v63  }
0x13c: {  	s0 =	sshll.u32 s29, $0xB;
	p1 =	sne.s32 s28, $0x24;
	[tilespmem:s30+$0x1B110] =	vst.add.f32.msk $0xffff, v5  }
.Ltmp8:
0x13d: {  	s0 =	sadd.s32 s5, s0;
	[tilespmem:s30+$0x1B120] =	vst.add.f32.msk $0xffff, v6;
	(pc) =	sbr.rel @p1 .LBB2_2-.Ltmp8, $4  }
0x13e: {  	[hbm4b:s0+s4] =	stream.linear.scatter [tilespmem:s25], [sflag:$0x5], $0x4000, $0x38;
	[tilespmem:$0x1F0C0] =	vst v63  }
0x13f: {  	_ =	swait.ge [sflag:s9], $0x4000  }
0x140: {  	[sflag:s9] =	ssyncset.done $0x0  }
0x141: {  	[sflag:s9] =	ssyncadd.s32 $0xFFFFC000  }
0x142: {  	s26 =	sadd.s32 $0x1, s26  }
0x143: {  	p1 =	sne.s32 s26, s7  }
.Ltmp9:
0x144: {  	_ = 	snop;
	(pc) =	sbr.rel @p1 .LBB2_1-.Ltmp9, $1  }
0x145: {  	_ =	sdelay $0x3  }
0x146: {  	_ =	sfence.sel $0x180000  }
0x147: {  	[bflag:$0x0] =	sbarrier.arrive $0xFFFF  }
0x148: {  	_ =	strace $0x90000047  }
0x149: {  	[bflag:$0x2] =	sbarrier.arrive $0xFFFF  }
0x14a: {  	s0 =	rddreg [dreg:$0x4]  }
0x14b: {  	s0 =	sadd.s32 @!p0 $0x100000, s0  }
0x14c: {  	[sflag:s0] =	ssyncadd.tile.s32 @!p0 $0x1;
	_ =	shalt  }
.Lfunc_end2:
_tile_overlayer_lowered:
.L_overlay_start_2:
0x14d: {  	(tag) =	ssettag $0x2  }
0x14e: {  	s0 =	rddreg [dreg:$0x0];
	s2 =	stileid.u32  }
0x14f: {  	s1 =	rddreg [dreg:$0x1];
	p0 =	sne.s32 s2, $0x0  }
0x150: {  	s3 =	rddreg [dreg:$0x2];
	[bflag:$0x3] =	sbarrier.arrive $0xFFFF;
	s2 =	simm.s32 @!p0 $0x1C05  }
0x151: {  	[timem:s3], [sflag:s2] =	dma.local @!p0 [hbm:s0], s1  }
0x152: {  	s0 =	simm.s32 @!p0 $0x5  }
0x153: {  	_ =	swait.ge @!p0 [sflag:s0], s1  }
0x154: {  	s1 =	ssub.s32 @!p0 $0x0, s1;
	[sflag:s0] =	ssyncset.done @!p0 $0x0  }
0x155: {  	[sflag:s0] =	ssyncadd.s32 @!p0 s1  }
0x156: {  	[bflag:$0x3] =	sbarrier.arrive $0xFFFF  }
0x157: {  	_ =	shalt  }

</sc_bundles>
